<compile_context>
chip_gen: v7x
topology: tpu7x:2x2x1
jax: 0.10.2.dev20260603
libtpu: 0.0.44.dev20260713+nightly
codegen_flags: <defaults>
</compile_context>

<pallas_src>
import functools

import jax
import jax.numpy as jnp
from jax import lax
from jax.experimental import pallas as pl
from jax.experimental.pallas import tpu as pltpu
from jax.experimental.pallas import tpu_sc as plsc

_BN = 10000
_C1 = 128
_M = 16
_NB = 64
_E = 320000
_K = 4

_NTILES = 32
_CH = 128
_NCH = 80
_EPAD = _NTILES * _NCH * _CH
_RPT = 632
_ACC_ROWS = 16 * _RPT
_NBUF = 8
_LAG = 4
_HSPLIT = 4

_BLK = 1000
_GRID = _BN // _BLK
_R = _NB * _M
_GC = 160


def _stage1_body(x_ref, wa_ref, ba_ref, wf_ref, bf_ref, s_ref, f_ref):
    xb = x_ref[...]
    la = jnp.dot(xb, wa_ref[...], preferred_element_type=jnp.float32) + ba_ref[0:1, :]
    mx = jnp.max(la, axis=1, keepdims=True)
    ex = jnp.exp(la - mx)
    s_ref[...] = ex / jnp.sum(ex, axis=1, keepdims=True)
    f_ref[...] = jnp.dot(xb, wf_ref[...], preferred_element_type=jnp.float32) + bf_ref[0:1, :]


def _sc_edge_pool(s_tab, e1p, e0p):
    mesh = plsc.VectorSubcoreMesh(core_axis_name="c", subcore_axis_name="s")

    @functools.partial(
        pl.kernel,
        out_type=jax.ShapeDtypeStruct((2, _ACC_ROWS, _M), jnp.float32),
        mesh=mesh,
        compiler_params=pltpu.CompilerParams(use_tc_tiling_on_sc=False),
        scratch_types=[
            pltpu.VMEM((_NCH, _CH), jnp.int32),
            pltpu.VMEM((_NCH, _CH), jnp.int32),
            pltpu.VMEM((_NBUF, _CH, _M), jnp.float32),
            pltpu.VMEM((_RPT, _M), jnp.float32),
            pltpu.VMEM_SHARED((_ACC_ROWS, _M), jnp.float32),
            pltpu.VMEM_SHARED((_BN, _M), jnp.float32),
            [pltpu.SemaphoreType.DMA] * _NBUF,
            [pltpu.SemaphoreType.DMA] * _NBUF,
        ],
    )
    def k(s_hbm, e1_hbm, e0_hbm, out_hbm, idx1, idx0, rows, bounce, acc, s_spm,
          gsems, ssems):
        c = lax.axis_index("c")
        s = lax.axis_index("s")
        wid = c * 16 + s

        @pl.when(s == 0)
        def _():
            pltpu.sync_copy(s_hbm, s_spm)

        h1 = pltpu.async_copy(e1_hbm.at[wid], idx1, gsems[0])
        h0 = pltpu.async_copy(e0_hbm.at[wid], idx0, gsems[1])

        def zbody(i, carry):
            bounce[i, :] = jnp.zeros((16,), jnp.float32)
            return carry
        lax.fori_loop(0, _RPT, zbody, 0)
        pltpu.sync_copy(bounce, acc.at[pl.ds(s * _RPT, _RPT)])
        h1.wait()
        h0.wait()
        plsc.subcore_barrier()

        def ring(src):
            def gstart(j, b):
                pltpu.async_copy(src.at[idx1.at[j]], rows.at[b], gsems[b])

            def gwait(j, b):
                pltpu.make_async_copy(src.at[idx1.at[j]], rows.at[b], gsems[b]).wait()

            def sstart(j, b):
                pltpu.async_copy(rows.at[b], acc.at[idx0.at[j]], ssems[b], add=True)

            def swait(j, b):
                pltpu.make_async_copy(rows.at[b], acc.at[idx0.at[j]], ssems[b]).wait()

            for b in range(_LAG):
                gstart(b, b)
            for u in range(_NBUF):
                gwait(u, u)
                sstart(u, u)
                b2 = (u + _LAG) % _NBUF
                if u < _LAG:
                    gstart(u + _LAG, b2)
                else:
                    swait(u - _LAG, b2)
                    gstart(u + _LAG, b2)

            def wave(wv, carry):
                for u in range(_NBUF):
                    j = wv * _NBUF + u
                    gwait(j, u)
                    sstart(j, u)
                    b2 = (u + _LAG) % _NBUF

                    @pl.when(j + _LAG < _NCH)
                    def _():
                        swait(j - _LAG, b2)
                        gstart(j + _LAG, b2)
                return carry
            lax.fori_loop(1, _NCH // _NBUF, wave, 0)

            for b in range(_NBUF):
                swait(_NCH - _NBUF + b, b)

        @pl.when(s < _HSPLIT)
        def _():
            ring(s_hbm)

        @pl.when(s >= _HSPLIT)
        def _():
            ring(s_spm)

        plsc.subcore_barrier()
        pltpu.sync_copy(acc.at[pl.ds(s * _RPT, _RPT)],
                        out_hbm.at[c].at[pl.ds(s * _RPT, _RPT)])

    return k(s_tab, e1p, e0p)


def _stage3_body(s_ref, f_ref, as_ref, b_ref, u_ref, xo_ref, dst_ref, acc_ref):
    i = pl.program_id(0)

    @pl.when(i == 0)
    def _():
        acc_ref[...] = jnp.zeros_like(acc_ref)

    sb = s_ref[...].astype(jnp.bfloat16)
    asum = as_ref[0] + as_ref[1]
    g = jnp.concatenate(
        [f_ref[...], asum, jnp.ones((_BLK, 16), jnp.float32)],
        axis=1).astype(jnp.bfloat16)
    lane = u_ref[0:1, :]
    tiled = jnp.concatenate([sb] * _NB, axis=1)
    sexp = jnp.where(b_ref[...] == lane, tiled, jnp.bfloat16(0.0))
    acc_ref[...] += lax.dot_general(
        sexp, g, (((0,), (0,)), ((), ())), preferred_element_type=jnp.float32)

    @pl.when(i == _GRID - 1)
    def _():
        z = acc_ref[...]
        w = jnp.maximum(z[:, 144:145], 1e-10)
        lane128 = lax.broadcasted_iota(jnp.int32, (_R, _C1), 1)
        xo_ref[...] = z[:, :_C1] * jnp.where(lane128 < 3, 1.0 / w, 1.0)
        a = z[:, 128:144]
        lane16 = lax.broadcasted_iota(jnp.int32, (_R, _M), 1)
        row = lax.broadcasted_iota(jnp.int32, (_R, 1), 0)
        off = (row // _M) * _M
        cols = []
        for _j in range(_K):
            mxv = jnp.max(a, axis=1, keepdims=True)
            idx = jnp.min(jnp.where(a == mxv, lane16, _M), axis=1, keepdims=True)
            cols.append(idx + off)
            a = jnp.where(lane16 == idx, -jnp.inf, a)
        dst_ref[...] = jnp.concatenate(
            cols + [jnp.zeros((_R, 8 - _K), jnp.int32)], axis=1)


def kernel(x, e_, b_, W_assign, b_assign, W_embed, b_embed):
    wa = W_assign.T
    ba = jnp.broadcast_to(b_assign[None, :], (8, _M))
    wf = jnp.concatenate([jnp.eye(_C1, 3, dtype=jnp.float32), W_embed.T], axis=1)
    bf = jnp.broadcast_to(
        jnp.concatenate([jnp.zeros((3,), jnp.float32), b_embed])[None, :], (8, _C1))

    s_arr, f_arr = pl.pallas_call(
        _stage1_body,
        grid=(_GRID,),
        in_specs=[
            pl.BlockSpec((_BLK, _C1), lambda i: (i, 0)),
            pl.BlockSpec((_C1, _M), lambda i: (0, 0)),
            pl.BlockSpec((8, _M), lambda i: (0, 0)),
            pl.BlockSpec((_C1, _C1), lambda i: (0, 0)),
            pl.BlockSpec((8, _C1), lambda i: (0, 0)),
        ],
        out_specs=[
            pl.BlockSpec((_BLK, _M), lambda i: (i, 0)),
            pl.BlockSpec((_BLK, _C1), lambda i: (i, 0)),
        ],
        out_shape=[
            jax.ShapeDtypeStruct((_BN, _M), jnp.float32),
            jax.ShapeDtypeStruct((_BN, _C1), jnp.float32),
        ],
    )(x, wa, ba, wf, bf)

    pad = _EPAD - _E
    e0p = jnp.concatenate(
        [e_[0], jnp.full((pad,), _BN, jnp.int32)]).reshape(_NTILES, _NCH, _CH)
    e1p = jnp.concatenate(
        [e_[1], jnp.zeros((pad,), jnp.int32)]).reshape(_NTILES, _NCH, _CH)
    as2 = _sc_edge_pool(s_arr, e1p, e0p)

    umat = jnp.broadcast_to((jnp.arange(_R, dtype=jnp.int32) // _M)[None, :], (8, _R))
    xo, dst8 = pl.pallas_call(
        _stage3_body,
        grid=(_GRID,),
        in_specs=[
            pl.BlockSpec((_BLK, _M), lambda i: (i, 0)),
            pl.BlockSpec((_BLK, _C1), lambda i: (i, 0)),
            pl.BlockSpec((2, _BLK, _M), lambda i: (0, i, 0)),
            pl.BlockSpec((_BLK, 1), lambda i: (i, 0)),
            pl.BlockSpec((8, _R), lambda i: (0, 0)),
        ],
        out_specs=[
            pl.BlockSpec((_R, _C1), lambda i: (0, 0)),
            pl.BlockSpec((_R, 8), lambda i: (0, 0)),
        ],
        out_shape=[
            jax.ShapeDtypeStruct((_R, _C1), jnp.float32),
            jax.ShapeDtypeStruct((_R, 8), jnp.int32),
        ],
        scratch_shapes=[pltpu.VMEM((_R, _GC), jnp.float32)],
    )(s_arr, f_arr, as2, b_.reshape(_BN, 1), umat)

    dst = dst8[:, :_K].reshape(-1)
    src = jnp.repeat(jnp.arange(_R, dtype=jnp.int32), _K)
    e_out = jnp.stack([src, dst], axis=0)
    b_out = jnp.repeat(jnp.arange(_NB, dtype=jnp.int32), _M)
    return (xo, e_out, b_out)

# --- scband reference (transcript-rebuilt; emitter-appended) ---
"""Pipeline reference for scband-diff-pool-47296179863967 (READ-ONLY COPY).

The authoritative reference and input builder live on the scoring server;
editing this copy changes nothing except your own understanding.
"""

import jax, jax.numpy as jnp
import numpy as np

C1 = 128
C2 = 128
M = 16
BN = 10000
E = 320000
NB = 64


def setup_inputs(seed: int = 0) -> dict:
    key = jax.random.key(seed)
    ks = jax.random.split(key, 8)
    x = jax.random.normal(ks[0], (BN, C1), dtype=jnp.float32)
    e_ = jax.random.randint(ks[1], (2, E), 0, BN, dtype=jnp.int32)
    b_ = jnp.sort(jax.random.randint(ks[2], (BN,), 0, NB, dtype=jnp.int32))
    b_ = b_.at[-1].set(NB - 1)  # ensure B = NB
    lim_a = 1.0 / np.sqrt(C1)
    W_assign = jax.random.uniform(ks[3], (M, C1), minval=-lim_a, maxval=lim_a, dtype=jnp.float32)
    b_assign = jax.random.uniform(ks[4], (M,), minval=-lim_a, maxval=lim_a, dtype=jnp.float32)
    W_embed = jax.random.uniform(ks[5], (C2 - 3, C1), minval=-lim_a, maxval=lim_a, dtype=jnp.float32)
    b_embed = jax.random.uniform(ks[6], (C2 - 3,), minval=-lim_a, maxval=lim_a, dtype=jnp.float32)
    return {"x": x, "e_": e_, "b_": b_, "W_assign": W_assign, "b_assign": b_assign, "W_embed": W_embed, "b_embed": b_embed}


def reference(x, e_, b_, W_assign, b_assign, W_embed, b_embed):
    bn, c1 = x.shape
    B = NB
    k = 4
    # node features
    p_ = x[:, :3]
    f_ = x @ W_embed.T + b_embed                      # (BN, C2-3)
    S = jax.nn.softmax(x @ W_assign.T + b_assign, axis=-1)  # (BN, M)
    S_flat = S.reshape(-1)[:, None]                   # (BN*M, 1)
    f_exp = jnp.broadcast_to(f_[:, None, :], (bn, M, C2 - 3)).reshape(-1, C2 - 3)
    p_exp = jnp.broadcast_to(p_[:, None, :], (bn, M, 3)).reshape(-1, 3)
    I_ = (b_[:, None].astype(jnp.int32) * M + jnp.arange(M, dtype=jnp.int32)[None, :]).reshape(-1)
    Z_f = jnp.zeros((B * M, C2 - 3), dtype=x.dtype).at[I_].add(S_flat * f_exp)
    Z_p = jnp.zeros((B * M, 3), dtype=x.dtype).at[I_].add(S_flat * p_exp)
    w = jnp.zeros((B * M,), dtype=x.dtype).at[I_].add(S_flat[:, 0])
    w = jnp.maximum(w, 1e-10)
    Z_p = Z_p / w[:, None]
    x_out = jnp.concatenate([Z_p, Z_f], axis=-1)      # (B*M, C2)
    # pooled adjacency: AS = A_NN @ S  (sparse mm -> gather + scatter-add)
    AS = jnp.zeros((bn, M), dtype=x.dtype).at[e_[0]].add(S[e_[1]])
    mask = jax.nn.one_hot(b_, B, dtype=x.dtype)       # (BN, B)
    ST = S.T[None, :, :] * mask.T[:, None, :]         # (B, M, BN)
    A_MM = jnp.einsum('bmn,nk->bmk', ST, AS)          # (B, M, M)
    dst = jax.lax.top_k(A_MM, k)[1]                   # (B, M, k)
    src = jnp.broadcast_to(jnp.arange(M, dtype=dst.dtype)[None, :, None], (B, M, k))
    offset = (jnp.arange(B, dtype=dst.dtype) * M)[:, None, None]
    src = src + offset
    dst = dst + offset
    e_out = jnp.stack([src.reshape(-1), dst.reshape(-1)], axis=0)
    b_out = jnp.repeat(jnp.arange(B, dtype=jnp.int32), M)
    return (x_out, e_out, b_out)

if __name__ == "__main__":
    import jax
    _d = setup_inputs()
    print(jax.jit(kernel)(*tuple(_d.values())))

</pallas_src>

<mosaic_0001>
#map = affine_map<(d0, d1) -> (0, 0)>
#map1 = affine_map<(d0, d1) -> (0, 0, 0)>
module attributes {stable_mosaic.version = 14 : i64} {
  func.func @k(%arg0: i32, %arg1: i32, %arg2: memref<10000x16xf32, #tpu.memory_space<hbm>>, %arg3: memref<32x80x128xi32, #tpu.memory_space<hbm>>, %arg4: memref<32x80x128xi32, #tpu.memory_space<hbm>>, %arg5: memref<2x10112x16xf32, #tpu.memory_space<hbm>>, %arg6: memref<80x128xi32, #tpu.memory_space<vmem>>, %arg7: memref<80x128xi32, #tpu.memory_space<vmem>>, %arg8: memref<8x128x16xf32, #tpu.memory_space<vmem>>, %arg9: memref<632x16xf32, #tpu.memory_space<vmem>>, %arg10: memref<10112x16xf32, #tpu.memory_space<vmem_shared>>, %arg11: memref<10000x16xf32, #tpu.memory_space<vmem_shared>>, %arg12: memref<!tpu.dma_semaphore, #tpu.memory_space<semaphore_mem>>, %arg13: memref<!tpu.dma_semaphore, #tpu.memory_space<semaphore_mem>>, %arg14: memref<!tpu.dma_semaphore, #tpu.memory_space<semaphore_mem>>, %arg15: memref<!tpu.dma_semaphore, #tpu.memory_space<semaphore_mem>>, %arg16: memref<!tpu.dma_semaphore, #tpu.memory_space<semaphore_mem>>, %arg17: memref<!tpu.dma_semaphore, #tpu.memory_space<semaphore_mem>>, %arg18: memref<!tpu.dma_semaphore, #tpu.memory_space<semaphore_mem>>, %arg19: memref<!tpu.dma_semaphore, #tpu.memory_space<semaphore_mem>>, %arg20: memref<!tpu.dma_semaphore, #tpu.memory_space<semaphore_mem>>, %arg21: memref<!tpu.dma_semaphore, #tpu.memory_space<semaphore_mem>>, %arg22: memref<!tpu.dma_semaphore, #tpu.memory_space<semaphore_mem>>, %arg23: memref<!tpu.dma_semaphore, #tpu.memory_space<semaphore_mem>>, %arg24: memref<!tpu.dma_semaphore, #tpu.memory_space<semaphore_mem>>, %arg25: memref<!tpu.dma_semaphore, #tpu.memory_space<semaphore_mem>>, %arg26: memref<!tpu.dma_semaphore, #tpu.memory_space<semaphore_mem>>, %arg27: memref<!tpu.dma_semaphore, #tpu.memory_space<semaphore_mem>>) attributes {dimension_semantics = [#tpu.dimension_semantics<core_parallel>, #tpu.dimension_semantics<subcore_parallel>], iteration_bounds = array<i64: 2, 16>, scalar_prefetch = 0 : i64, scratch_operands = 22 : i64, tpu.core_type = #tpu.core_type<sc_vector_subcore>, window_params = [{transform_indices = #map}, {transform_indices = #map1}, {transform_indices = #map1}, {transform_indices = #map1}]} {
    %mul3A = arith.constant 16 : i32
    %mul3A_0 = arith.muli %arg0, %mul3A : i32
    %add3A = arith.addi %mul3A_0, %arg1 : i32
    %eq3A = arith.constant 0 : i32
    %eq3A_1 = arith.cmpi eq, %arg1, %eq3A : i32
    %convert_element_type3A = arith.extui %eq3A_1 : i1 to i32
    %cond3A = arith.constant 0 : i32
    %cond3A_2 = arith.cmpi ne, %convert_element_type3A, %cond3A : i32
    scf.if %cond3A_2 {
      "tpu.region"() ({
        %run_scoped3A = tpu.sem_alloc : memref<!tpu.dma_semaphore, #tpu.memory_space<semaphore_mem>>
        tpu.enqueue_dma source(%arg2 : memref<10000x16xf32, #tpu.memory_space<hbm>>) target(%arg11 : memref<10000x16xf32, #tpu.memory_space<vmem_shared>>) target_semaphore(%run_scoped3A : memref<!tpu.dma_semaphore, #tpu.memory_space<semaphore_mem>>)
        tpu.wait_dma2 semaphore(%run_scoped3A : memref<!tpu.dma_semaphore, #tpu.memory_space<semaphore_mem>>) src(%arg2 : memref<10000x16xf32, #tpu.memory_space<hbm>>) dst(%arg11 : memref<10000x16xf32, #tpu.memory_space<vmem_shared>>)
        tpu.yield
      }) : () -> ()
    } else {
    }
    %dma_start3A = arith.constant 0 : i32
    %dma_start3A_3 = arith.constant 0 : i32
    %dma_start3A_4 = tpu.memref_slice %arg3[%add3A, %dma_start3A, %dma_start3A_3] : memref<32x80x128xi32, #tpu.memory_space<hbm>> -> memref<1x80x128xi32, #tpu.memory_space<hbm>>
    %dma_start3A_5 = tpu.memref_squeeze %dma_start3A_4 : memref<1x80x128xi32, #tpu.memory_space<hbm>> -> memref<80x128xi32, #tpu.memory_space<hbm>>
    %dma_start3A_6 = arith.constant 0 : i32
    %dma_start3A_7 = arith.constant 0 : i32
    %dma_start3A_8 = tpu.memref_slice %arg3[%add3A, %dma_start3A_6, %dma_start3A_7] : memref<32x80x128xi32, #tpu.memory_space<hbm>> -> memref<1x80x128xi32, #tpu.memory_space<hbm>>
    %dma_start3A_9 = tpu.memref_squeeze %dma_start3A_8 : memref<1x80x128xi32, #tpu.memory_space<hbm>> -> memref<80x128xi32, #tpu.memory_space<hbm>>
    tpu.enqueue_dma source(%dma_start3A_9 : memref<80x128xi32, #tpu.memory_space<hbm>>) target(%arg6 : memref<80x128xi32, #tpu.memory_space<vmem>>) target_semaphore(%arg12 : memref<!tpu.dma_semaphore, #tpu.memory_space<semaphore_mem>>)
    %dma_start3A_10 = arith.constant 0 : i32
    %dma_start3A_11 = arith.constant 0 : i32
    %dma_start3A_12 = tpu.memref_slice %arg4[%add3A, %dma_start3A_10, %dma_start3A_11] : memref<32x80x128xi32, #tpu.memory_space<hbm>> -> memref<1x80x128xi32, #tpu.memory_space<hbm>>
    %dma_start3A_13 = tpu.memref_squeeze %dma_start3A_12 : memref<1x80x128xi32, #tpu.memory_space<hbm>> -> memref<80x128xi32, #tpu.memory_space<hbm>>
    %dma_start3A_14 = arith.constant 0 : i32
    %dma_start3A_15 = arith.constant 0 : i32
    %dma_start3A_16 = tpu.memref_slice %arg4[%add3A, %dma_start3A_14, %dma_start3A_15] : memref<32x80x128xi32, #tpu.memory_space<hbm>> -> memref<1x80x128xi32, #tpu.memory_space<hbm>>
    %dma_start3A_17 = tpu.memref_squeeze %dma_start3A_16 : memref<1x80x128xi32, #tpu.memory_space<hbm>> -> memref<80x128xi32, #tpu.memory_space<hbm>>
    tpu.enqueue_dma source(%dma_start3A_17 : memref<80x128xi32, #tpu.memory_space<hbm>>) target(%arg7 : memref<80x128xi32, #tpu.memory_space<vmem>>) target_semaphore(%arg13 : memref<!tpu.dma_semaphore, #tpu.memory_space<semaphore_mem>>)
    %scan3A = arith.constant 0 : i32
    %scan3A_18 = arith.constant 0 : i32
    %scan3A_19 = arith.constant 632 : i32
    %scan3A_20 = arith.addi %scan3A_18, %scan3A_19 : i32
    %scan3A_21 = arith.constant 1 : i32
    scf.for %scan3A_53 = %scan3A_18 to %scan3A_20 step %scan3A_21  : i32 {
      %broadcast_in_dim3A = arith.constant 0.000000e+00 : f32
      %broadcast_in_dim3A_54 = vector.broadcast %broadcast_in_dim3A : f32 to vector<16xf32>
      %swap3A = arith.index_cast %scan3A_53 : i32 to index
      %swap3A_55 = arith.constant 0 : index
      %swap3A_56 = tpu.vector_load %arg9[%swap3A, %swap3A_55] {strides = array<i32>} : memref<632x16xf32, #tpu.memory_space<vmem>>, vector<1x16xf32>,
      %swap3A_57 = vector.shape_cast %swap3A_56 : vector<1x16xf32> to vector<16xf32>
      %swap3A_58 = vector.shape_cast %broadcast_in_dim3A_54 : vector<16xf32> to vector<1x16xf32>
      tpu.vector_store %arg9[%swap3A, %swap3A_55], %swap3A_58 {strides = array<i32>} : memref<632x16xf32, #tpu.memory_space<vmem>>, vector<1x16xf32>,
    }
    %scan3A_22 = arith.constant 632 : i32
    %mul3A_23 = arith.constant 632 : i32
    %mul3A_24 = arith.muli %arg1, %mul3A_23 : i32
    "tpu.region"() ({
      %run_scoped3A = tpu.sem_alloc : memref<!tpu.dma_semaphore, #tpu.memory_space<semaphore_mem>>
      %dma_start3A_53 = arith.constant 0 : i32
      %dma_start3A_54 = tpu.memref_slice %arg10[%mul3A_24, %dma_start3A_53] : memref<10112x16xf32, #tpu.memory_space<vmem_shared>> -> memref<632x16xf32, #tpu.memory_space<vmem_shared>>
      %dma_start3A_55 = arith.constant 0 : i32
      %dma_start3A_56 = tpu.memref_slice %arg10[%mul3A_24, %dma_start3A_55] : memref<10112x16xf32, #tpu.memory_space<vmem_shared>> -> memref<632x16xf32, #tpu.memory_space<vmem_shared>>
      tpu.enqueue_dma source(%arg9 : memref<632x16xf32, #tpu.memory_space<vmem>>) target(%dma_start3A_56 : memref<632x16xf32, #tpu.memory_space<vmem_shared>>) target_semaphore(%run_scoped3A : memref<!tpu.dma_semaphore, #tpu.memory_space<semaphore_mem>>)
      %dma_wait3A_57 = arith.constant 0 : i32
      %dma_wait3A_58 = tpu.memref_slice %arg10[%mul3A_24, %dma_wait3A_57] : memref<10112x16xf32, #tpu.memory_space<vmem_shared>> -> memref<632x16xf32, #tpu.memory_space<vmem_shared>>
      %dma_wait3A_59 = arith.constant 0 : i32
      %dma_wait3A_60 = tpu.memref_slice %arg10[%mul3A_24, %dma_wait3A_59] : memref<10112x16xf32, #tpu.memory_space<vmem_shared>> -> memref<632x16xf32, #tpu.memory_space<vmem_shared>>
      tpu.wait_dma2 semaphore(%run_scoped3A : memref<!tpu.dma_semaphore, #tpu.memory_space<semaphore_mem>>) src(%arg9 : memref<632x16xf32, #tpu.memory_space<vmem>>) dst(%dma_wait3A_60 : memref<632x16xf32, #tpu.memory_space<vmem_shared>>)
      tpu.yield
    }) : () -> ()
    %dma_wait3A = arith.constant 0 : i32
    %dma_wait3A_25 = arith.constant 0 : i32
    %dma_wait3A_26 = tpu.memref_slice %arg3[%add3A, %dma_wait3A, %dma_wait3A_25] : memref<32x80x128xi32, #tpu.memory_space<hbm>> -> memref<1x80x128xi32, #tpu.memory_space<hbm>>
    %dma_wait3A_27 = tpu.memref_squeeze %dma_wait3A_26 : memref<1x80x128xi32, #tpu.memory_space<hbm>> -> memref<80x128xi32, #tpu.memory_space<hbm>>
    %dma_wait3A_28 = arith.constant 0 : i32
    %dma_wait3A_29 = arith.constant 0 : i32
    %dma_wait3A_30 = tpu.memref_slice %arg3[%add3A, %dma_wait3A_28, %dma_wait3A_29] : memref<32x80x128xi32, #tpu.memory_space<hbm>> -> memref<1x80x128xi32, #tpu.memory_space<hbm>>
    %dma_wait3A_31 = tpu.memref_squeeze %dma_wait3A_30 : memref<1x80x128xi32, #tpu.memory_space<hbm>> -> memref<80x128xi32, #tpu.memory_space<hbm>>
    tpu.wait_dma2 semaphore(%arg12 : memref<!tpu.dma_semaphore, #tpu.memory_space<semaphore_mem>>) src(%dma_wait3A_31 : memref<80x128xi32, #tpu.memory_space<hbm>>) dst(%arg6 : memref<80x128xi32, #tpu.memory_space<vmem>>)
    %dma_wait3A_32 = arith.constant 0 : i32
    %dma_wait3A_33 = arith.constant 0 : i32
    %dma_wait3A_34 = tpu.memref_slice %arg4[%add3A, %dma_wait3A_32, %dma_wait3A_33] : memref<32x80x128xi32, #tpu.memory_space<hbm>> -> memref<1x80x128xi32, #tpu.memory_space<hbm>>
    %dma_wait3A_35 = tpu.memref_squeeze %dma_wait3A_34 : memref<1x80x128xi32, #tpu.memory_space<hbm>> -> memref<80x128xi32, #tpu.memory_space<hbm>>
    %dma_wait3A_36 = arith.constant 0 : i32
    %dma_wait3A_37 = arith.constant 0 : i32
    %dma_wait3A_38 = tpu.memref_slice %arg4[%add3A, %dma_wait3A_36, %dma_wait3A_37] : memref<32x80x128xi32, #tpu.memory_space<hbm>> -> memref<1x80x128xi32, #tpu.memory_space<hbm>>
    %dma_wait3A_39 = tpu.memref_squeeze %dma_wait3A_38 : memref<1x80x128xi32, #tpu.memory_space<hbm>> -> memref<80x128xi32, #tpu.memory_space<hbm>>
    tpu.wait_dma2 semaphore(%arg13 : memref<!tpu.dma_semaphore, #tpu.memory_space<semaphore_mem>>) src(%dma_wait3A_39 : memref<80x128xi32, #tpu.memory_space<hbm>>) dst(%arg7 : memref<80x128xi32, #tpu.memory_space<vmem>>)
    %barrier3A = arith.constant 0 : index
    tpu.barrier barrier_id(%barrier3A)
    %lt3A = arith.constant 4 : i32
    %lt3A_40 = arith.cmpi slt, %arg1, %lt3A : i32
    %convert_element_type3A_41 = arith.extui %lt3A_40 : i1 to i32
    %cond3A_42 = arith.constant 0 : i32
    %cond3A_43 = arith.cmpi ne, %convert_element_type3A_41, %cond3A_42 : i32
    scf.if %cond3A_43 {
      %dma_start3A_53 = arith.constant 0 : i32
      %dma_start3A_54 = arith.constant 0 : i32
      %dma_start3A_55 = arith.constant 0 : i32
      %dma_start3A_56 = arith.constant 0 : i32
      %dma_start3A_57 = tpu.memref_slice %arg8[%dma_start3A_54, %dma_start3A_55, %dma_start3A_56] : memref<8x128x16xf32, #tpu.memory_space<vmem>> -> memref<1x128x16xf32, #tpu.memory_space<vmem>>
      %dma_start3A_58 = tpu.memref_squeeze %dma_start3A_57 : memref<1x128x16xf32, #tpu.memory_space<vmem>> -> memref<128x16xf32, #tpu.memory_space<vmem>>
      %dma_start3A_59 = arith.constant 0 : i32
      %dma_start3A_60 = tpu.memref_slice %arg6[%dma_start3A_53, %dma_start3A_59] : memref<80x128xi32, #tpu.memory_space<vmem>> -> memref<1x128xi32, #tpu.memory_space<vmem>>
      %dma_start3A_61 = tpu.memref_squeeze %dma_start3A_60 : memref<1x128xi32, #tpu.memory_space<vmem>> -> memref<128xi32, #tpu.memory_space<vmem>>
      %dma_start3A_62 = arith.constant 0 : i32
      %dma_start3A_63 = arith.constant 0 : i32
      %dma_start3A_64 = tpu.memref_slice %arg2[%dma_start3A_62, %dma_start3A_63] : memref<10000x16xf32, #tpu.memory_space<hbm>> -> memref<10000x16xf32, #tpu.memory_space<hbm>>
      tpu.enqueue_indirect_dma source(%dma_start3A_64 : memref<10000x16xf32, #tpu.memory_space<hbm>>) target(%dma_start3A_58 : memref<128x16xf32, #tpu.memory_space<vmem>>) offsets(%dma_start3A_61 : memref<128xi32, #tpu.memory_space<vmem>>) semaphore(%arg12 : memref<!tpu.dma_semaphore, #tpu.memory_space<semaphore_mem>>)
      %dma_start3A_65 = arith.constant 1 : i32
      %dma_start3A_66 = arith.constant 1 : i32
      %dma_start3A_67 = arith.constant 0 : i32
      %dma_start3A_68 = arith.constant 0 : i32
      %dma_start3A_69 = tpu.memref_slice %arg8[%dma_start3A_66, %dma_start3A_67, %dma_start3A_68] : memref<8x128x16xf32, #tpu.memory_space<vmem>> -> memref<1x128x16xf32, #tpu.memory_space<vmem>>
      %dma_start3A_70 = tpu.memref_squeeze %dma_start3A_69 : memref<1x128x16xf32, #tpu.memory_space<vmem>> -> memref<128x16xf32, #tpu.memory_space<vmem>>
      %dma_start3A_71 = arith.constant 0 : i32
      %dma_start3A_72 = tpu.memref_slice %arg6[%dma_start3A_65, %dma_start3A_71] : memref<80x128xi32, #tpu.memory_space<vmem>> -> memref<1x128xi32, #tpu.memory_space<vmem>>
      %dma_start3A_73 = tpu.memref_squeeze %dma_start3A_72 : memref<1x128xi32, #tpu.memory_space<vmem>> -> memref<128xi32, #tpu.memory_space<vmem>>
      %dma_start3A_74 = arith.constant 0 : i32
      %dma_start3A_75 = arith.constant 0 : i32
      %dma_start3A_76 = tpu.memref_slice %arg2[%dma_start3A_74, %dma_start3A_75] : memref<10000x16xf32, #tpu.memory_space<hbm>> -> memref<10000x16xf32, #tpu.memory_space<hbm>>
      tpu.enqueue_indirect_dma source(%dma_start3A_76 : memref<10000x16xf32, #tpu.memory_space<hbm>>) target(%dma_start3A_70 : memref<128x16xf32, #tpu.memory_space<vmem>>) offsets(%dma_start3A_73 : memref<128xi32, #tpu.memory_space<vmem>>) semaphore(%arg13 : memref<!tpu.dma_semaphore, #tpu.memory_space<semaphore_mem>>)
      %dma_start3A_77 = arith.constant 2 : i32
      %dma_start3A_78 = arith.constant 2 : i32
      %dma_start3A_79 = arith.constant 0 : i32
      %dma_start3A_80 = arith.constant 0 : i32
      %dma_start3A_81 = tpu.memref_slice %arg8[%dma_start3A_78, %dma_start3A_79, %dma_start3A_80] : memref<8x128x16xf32, #tpu.memory_space<vmem>> -> memref<1x128x16xf32, #tpu.memory_space<vmem>>
      %dma_start3A_82 = tpu.memref_squeeze %dma_start3A_81 : memref<1x128x16xf32, #tpu.memory_space<vmem>> -> memref<128x16xf32, #tpu.memory_space<vmem>>
      %dma_start3A_83 = arith.constant 0 : i32
      %dma_start3A_84 = tpu.memref_slice %arg6[%dma_start3A_77, %dma_start3A_83] : memref<80x128xi32, #tpu.memory_space<vmem>> -> memref<1x128xi32, #tpu.memory_space<vmem>>
      %dma_start3A_85 = tpu.memref_squeeze %dma_start3A_84 : memref<1x128xi32, #tpu.memory_space<vmem>> -> memref<128xi32, #tpu.memory_space<vmem>>
      %dma_start3A_86 = arith.constant 0 : i32
      %dma_start3A_87 = arith.constant 0 : i32
      %dma_start3A_88 = tpu.memref_slice %arg2[%dma_start3A_86, %dma_start3A_87] : memref<10000x16xf32, #tpu.memory_space<hbm>> -> memref<10000x16xf32, #tpu.memory_space<hbm>>
      tpu.enqueue_indirect_dma source(%dma_start3A_88 : memref<10000x16xf32, #tpu.memory_space<hbm>>) target(%dma_start3A_82 : memref<128x16xf32, #tpu.memory_space<vmem>>) offsets(%dma_start3A_85 : memref<128xi32, #tpu.memory_space<vmem>>) semaphore(%arg14 : memref<!tpu.dma_semaphore, #tpu.memory_space<semaphore_mem>>)
      %dma_start3A_89 = arith.constant 3 : i32
      %dma_start3A_90 = arith.constant 3 : i32
      %dma_start3A_91 = arith.constant 0 : i32
      %dma_start3A_92 = arith.constant 0 : i32
      %dma_start3A_93 = tpu.memref_slice %arg8[%dma_start3A_90, %dma_start3A_91, %dma_start3A_92] : memref<8x128x16xf32, #tpu.memory_space<vmem>> -> memref<1x128x16xf32, #tpu.memory_space<vmem>>
      %dma_start3A_94 = tpu.memref_squeeze %dma_start3A_93 : memref<1x128x16xf32, #tpu.memory_space<vmem>> -> memref<128x16xf32, #tpu.memory_space<vmem>>
      %dma_start3A_95 = arith.constant 0 : i32
      %dma_start3A_96 = tpu.memref_slice %arg6[%dma_start3A_89, %dma_start3A_95] : memref<80x128xi32, #tpu.memory_space<vmem>> -> memref<1x128xi32, #tpu.memory_space<vmem>>
      %dma_start3A_97 = tpu.memref_squeeze %dma_start3A_96 : memref<1x128xi32, #tpu.memory_space<vmem>> -> memref<128xi32, #tpu.memory_space<vmem>>
      %dma_start3A_98 = arith.constant 0 : i32
      %dma_start3A_99 = arith.constant 0 : i32
      %dma_start3A_100 = tpu.memref_slice %arg2[%dma_start3A_98, %dma_start3A_99] : memref<10000x16xf32, #tpu.memory_space<hbm>> -> memref<10000x16xf32, #tpu.memory_space<hbm>>
      tpu.enqueue_indirect_dma source(%dma_start3A_100 : memref<10000x16xf32, #tpu.memory_space<hbm>>) target(%dma_start3A_94 : memref<128x16xf32, #tpu.memory_space<vmem>>) offsets(%dma_start3A_97 : memref<128xi32, #tpu.memory_space<vmem>>) semaphore(%arg15 : memref<!tpu.dma_semaphore, #tpu.memory_space<semaphore_mem>>)
      %dma_wait3A_101 = arith.constant 0 : i32
      %dma_wait3A_102 = arith.constant 0 : i32
      %dma_wait3A_103 = arith.constant 0 : i32
      %dma_wait3A_104 = arith.constant 0 : i32
      %dma_wait3A_105 = tpu.memref_slice %arg8[%dma_wait3A_102, %dma_wait3A_103, %dma_wait3A_104] : memref<8x128x16xf32, #tpu.memory_space<vmem>> -> memref<1x128x16xf32, #tpu.memory_space<vmem>>
      %dma_wait3A_106 = tpu.memref_squeeze %dma_wait3A_105 : memref<1x128x16xf32, #tpu.memory_space<vmem>> -> memref<128x16xf32, #tpu.memory_space<vmem>>
      %dma_wait3A_107 = arith.constant 0 : i32
      %dma_wait3A_108 = tpu.memref_slice %arg6[%dma_wait3A_101, %dma_wait3A_107] : memref<80x128xi32, #tpu.memory_space<vmem>> -> memref<1x128xi32, #tpu.memory_space<vmem>>
      %dma_wait3A_109 = tpu.memref_squeeze %dma_wait3A_108 : memref<1x128xi32, #tpu.memory_space<vmem>> -> memref<128xi32, #tpu.memory_space<vmem>>
      %dma_wait3A_110 = arith.constant 0 : i32
      %dma_wait3A_111 = arith.constant 0 : i32
      %dma_wait3A_112 = tpu.memref_slice %arg2[%dma_wait3A_110, %dma_wait3A_111] : memref<10000x16xf32, #tpu.memory_space<hbm>> -> memref<10000x16xf32, #tpu.memory_space<hbm>>
      tpu.wait_indirect_dma semaphore(%arg12 : memref<!tpu.dma_semaphore, #tpu.memory_space<semaphore_mem>>) src(%dma_wait3A_112 : memref<10000x16xf32, #tpu.memory_space<hbm>>) dst(%dma_wait3A_106 : memref<128x16xf32, #tpu.memory_space<vmem>>)
      %dma_start3A_113 = arith.constant 0 : i32
      %dma_start3A_114 = arith.constant 0 : i32
      %dma_start3A_115 = arith.constant 0 : i32
      %dma_start3A_116 = arith.constant 0 : i32
      %dma_start3A_117 = tpu.memref_slice %arg8[%dma_start3A_113, %dma_start3A_115, %dma_start3A_116] : memref<8x128x16xf32, #tpu.memory_space<vmem>> -> memref<1x128x16xf32, #tpu.memory_space<vmem>>
      %dma_start3A_118 = tpu.memref_squeeze %dma_start3A_117 : memref<1x128x16xf32, #tpu.memory_space<vmem>> -> memref<128x16xf32, #tpu.memory_space<vmem>>
      %dma_start3A_119 = arith.constant 0 : i32
      %dma_start3A_120 = tpu.memref_slice %arg7[%dma_start3A_114, %dma_start3A_119] : memref<80x128xi32, #tpu.memory_space<vmem>> -> memref<1x128xi32, #tpu.memory_space<vmem>>
      %dma_start3A_121 = tpu.memref_squeeze %dma_start3A_120 : memref<1x128xi32, #tpu.memory_space<vmem>> -> memref<128xi32, #tpu.memory_space<vmem>>
      %dma_start3A_122 = arith.constant 0 : i32
      %dma_start3A_123 = arith.constant 0 : i32
      %dma_start3A_124 = tpu.memref_slice %arg10[%dma_start3A_122, %dma_start3A_123] : memref<10112x16xf32, #tpu.memory_space<vmem_shared>> -> memref<10112x16xf32, #tpu.memory_space<vmem_shared>>
      tpu.enqueue_indirect_dma source(%dma_start3A_118 : memref<128x16xf32, #tpu.memory_space<vmem>>) target(%dma_start3A_124 : memref<10112x16xf32, #tpu.memory_space<vmem_shared>>) offsets(%dma_start3A_121 : memref<128xi32, #tpu.memory_space<vmem>>) semaphore(%arg20 : memref<!tpu.dma_semaphore, #tpu.memory_space<semaphore_mem>>) {add = true}
      %dma_start3A_125 = arith.constant 4 : i32
      %dma_start3A_126 = arith.constant 4 : i32
      %dma_start3A_127 = arith.constant 0 : i32
      %dma_start3A_128 = arith.constant 0 : i32
      %dma_start3A_129 = tpu.memref_slice %arg8[%dma_start3A_126, %dma_start3A_127, %dma_start3A_128] : memref<8x128x16xf32, #tpu.memory_space<vmem>> -> memref<1x128x16xf32, #tpu.memory_space<vmem>>
      %dma_start3A_130 = tpu.memref_squeeze %dma_start3A_129 : memref<1x128x16xf32, #tpu.memory_space<vmem>> -> memref<128x16xf32, #tpu.memory_space<vmem>>
      %dma_start3A_131 = arith.constant 0 : i32
      %dma_start3A_132 = tpu.memref_slice %arg6[%dma_start3A_125, %dma_start3A_131] : memref<80x128xi32, #tpu.memory_space<vmem>> -> memref<1x128xi32, #tpu.memory_space<vmem>>
      %dma_start3A_133 = tpu.memref_squeeze %dma_start3A_132 : memref<1x128xi32, #tpu.memory_space<vmem>> -> memref<128xi32, #tpu.memory_space<vmem>>
      %dma_start3A_134 = arith.constant 0 : i32
      %dma_start3A_135 = arith.constant 0 : i32
      %dma_start3A_136 = tpu.memref_slice %arg2[%dma_start3A_134, %dma_start3A_135] : memref<10000x16xf32, #tpu.memory_space<hbm>> -> memref<10000x16xf32, #tpu.memory_space<hbm>>
      tpu.enqueue_indirect_dma source(%dma_start3A_136 : memref<10000x16xf32, #tpu.memory_space<hbm>>) target(%dma_start3A_130 : memref<128x16xf32, #tpu.memory_space<vmem>>) offsets(%dma_start3A_133 : memref<128xi32, #tpu.memory_space<vmem>>) semaphore(%arg16 : memref<!tpu.dma_semaphore, #tpu.memory_space<semaphore_mem>>)
      %dma_wait3A_137 = arith.constant 1 : i32
      %dma_wait3A_138 = arith.constant 1 : i32
      %dma_wait3A_139 = arith.constant 0 : i32
      %dma_wait3A_140 = arith.constant 0 : i32
      %dma_wait3A_141 = tpu.memref_slice %arg8[%dma_wait3A_138, %dma_wait3A_139, %dma_wait3A_140] : memref<8x128x16xf32, #tpu.memory_space<vmem>> -> memref<1x128x16xf32, #tpu.memory_space<vmem>>
      %dma_wait3A_142 = tpu.memref_squeeze %dma_wait3A_141 : memref<1x128x16xf32, #tpu.memory_space<vmem>> -> memref<128x16xf32, #tpu.memory_space<vmem>>
      %dma_wait3A_143 = arith.constant 0 : i32
      %dma_wait3A_144 = tpu.memref_slice %arg6[%dma_wait3A_137, %dma_wait3A_143] : memref<80x128xi32, #tpu.memory_space<vmem>> -> memref<1x128xi32, #tpu.memory_space<vmem>>
      %dma_wait3A_145 = tpu.memref_squeeze %dma_wait3A_144 : memref<1x128xi32, #tpu.memory_space<vmem>> -> memref<128xi32, #tpu.memory_space<vmem>>
      %dma_wait3A_146 = arith.constant 0 : i32
      %dma_wait3A_147 = arith.constant 0 : i32
      %dma_wait3A_148 = tpu.memref_slice %arg2[%dma_wait3A_146, %dma_wait3A_147] : memref<10000x16xf32, #tpu.memory_space<hbm>> -> memref<10000x16xf32, #tpu.memory_space<hbm>>
      tpu.wait_indirect_dma semaphore(%arg13 : memref<!tpu.dma_semaphore, #tpu.memory_space<semaphore_mem>>) src(%dma_wait3A_148 : memref<10000x16xf32, #tpu.memory_space<hbm>>) dst(%dma_wait3A_142 : memref<128x16xf32, #tpu.memory_space<vmem>>)
      %dma_start3A_149 = arith.constant 1 : i32
      %dma_start3A_150 = arith.constant 1 : i32
      %dma_start3A_151 = arith.constant 0 : i32
      %dma_start3A_152 = arith.constant 0 : i32
      %dma_start3A_153 = tpu.memref_slice %arg8[%dma_start3A_149, %dma_start3A_151, %dma_start3A_152] : memref<8x128x16xf32, #tpu.memory_space<vmem>> -> memref<1x128x16xf32, #tpu.memory_space<vmem>>
      %dma_start3A_154 = tpu.memref_squeeze %dma_start3A_153 : memref<1x128x16xf32, #tpu.memory_space<vmem>> -> memref<128x16xf32, #tpu.memory_space<vmem>>
      %dma_start3A_155 = arith.constant 0 : i32
      %dma_start3A_156 = tpu.memref_slice %arg7[%dma_start3A_150, %dma_start3A_155] : memref<80x128xi32, #tpu.memory_space<vmem>> -> memref<1x128xi32, #tpu.memory_space<vmem>>
      %dma_start3A_157 = tpu.memref_squeeze %dma_start3A_156 : memref<1x128xi32, #tpu.memory_space<vmem>> -> memref<128xi32, #tpu.memory_space<vmem>>
      %dma_start3A_158 = arith.constant 0 : i32
      %dma_start3A_159 = arith.constant 0 : i32
      %dma_start3A_160 = tpu.memref_slice %arg10[%dma_start3A_158, %dma_start3A_159] : memref<10112x16xf32, #tpu.memory_space<vmem_shared>> -> memref<10112x16xf32, #tpu.memory_space<vmem_shared>>
      tpu.enqueue_indirect_dma source(%dma_start3A_154 : memref<128x16xf32, #tpu.memory_space<vmem>>) target(%dma_start3A_160 : memref<10112x16xf32, #tpu.memory_space<vmem_shared>>) offsets(%dma_start3A_157 : memref<128xi32, #tpu.memory_space<vmem>>) semaphore(%arg21 : memref<!tpu.dma_semaphore, #tpu.memory_space<semaphore_mem>>) {add = true}
      %dma_start3A_161 = arith.constant 5 : i32
      %dma_start3A_162 = arith.constant 5 : i32
      %dma_start3A_163 = arith.constant 0 : i32
      %dma_start3A_164 = arith.constant 0 : i32
      %dma_start3A_165 = tpu.memref_slice %arg8[%dma_start3A_162, %dma_start3A_163, %dma_start3A_164] : memref<8x128x16xf32, #tpu.memory_space<vmem>> -> memref<1x128x16xf32, #tpu.memory_space<vmem>>
      %dma_start3A_166 = tpu.memref_squeeze %dma_start3A_165 : memref<1x128x16xf32, #tpu.memory_space<vmem>> -> memref<128x16xf32, #tpu.memory_space<vmem>>
      %dma_start3A_167 = arith.constant 0 : i32
      %dma_start3A_168 = tpu.memref_slice %arg6[%dma_start3A_161, %dma_start3A_167] : memref<80x128xi32, #tpu.memory_space<vmem>> -> memref<1x128xi32, #tpu.memory_space<vmem>>
      %dma_start3A_169 = tpu.memref_squeeze %dma_start3A_168 : memref<1x128xi32, #tpu.memory_space<vmem>> -> memref<128xi32, #tpu.memory_space<vmem>>
      %dma_start3A_170 = arith.constant 0 : i32
      %dma_start3A_171 = arith.constant 0 : i32
      %dma_start3A_172 = tpu.memref_slice %arg2[%dma_start3A_170, %dma_start3A_171] : memref<10000x16xf32, #tpu.memory_space<hbm>> -> memref<10000x16xf32, #tpu.memory_space<hbm>>
      tpu.enqueue_indirect_dma source(%dma_start3A_172 : memref<10000x16xf32, #tpu.memory_space<hbm>>) target(%dma_start3A_166 : memref<128x16xf32, #tpu.memory_space<vmem>>) offsets(%dma_start3A_169 : memref<128xi32, #tpu.memory_space<vmem>>) semaphore(%arg17 : memref<!tpu.dma_semaphore, #tpu.memory_space<semaphore_mem>>)
      %dma_wait3A_173 = arith.constant 2 : i32
      %dma_wait3A_174 = arith.constant 2 : i32
      %dma_wait3A_175 = arith.constant 0 : i32
      %dma_wait3A_176 = arith.constant 0 : i32
      %dma_wait3A_177 = tpu.memref_slice %arg8[%dma_wait3A_174, %dma_wait3A_175, %dma_wait3A_176] : memref<8x128x16xf32, #tpu.memory_space<vmem>> -> memref<1x128x16xf32, #tpu.memory_space<vmem>>
      %dma_wait3A_178 = tpu.memref_squeeze %dma_wait3A_177 : memref<1x128x16xf32, #tpu.memory_space<vmem>> -> memref<128x16xf32, #tpu.memory_space<vmem>>
      %dma_wait3A_179 = arith.constant 0 : i32
      %dma_wait3A_180 = tpu.memref_slice %arg6[%dma_wait3A_173, %dma_wait3A_179] : memref<80x128xi32, #tpu.memory_space<vmem>> -> memref<1x128xi32, #tpu.memory_space<vmem>>
      %dma_wait3A_181 = tpu.memref_squeeze %dma_wait3A_180 : memref<1x128xi32, #tpu.memory_space<vmem>> -> memref<128xi32, #tpu.memory_space<vmem>>
      %dma_wait3A_182 = arith.constant 0 : i32
      %dma_wait3A_183 = arith.constant 0 : i32
      %dma_wait3A_184 = tpu.memref_slice %arg2[%dma_wait3A_182, %dma_wait3A_183] : memref<10000x16xf32, #tpu.memory_space<hbm>> -> memref<10000x16xf32, #tpu.memory_space<hbm>>
      tpu.wait_indirect_dma semaphore(%arg14 : memref<!tpu.dma_semaphore, #tpu.memory_space<semaphore_mem>>) src(%dma_wait3A_184 : memref<10000x16xf32, #tpu.memory_space<hbm>>) dst(%dma_wait3A_178 : memref<128x16xf32, #tpu.memory_space<vmem>>)
      %dma_start3A_185 = arith.constant 2 : i32
      %dma_start3A_186 = arith.constant 2 : i32
      %dma_start3A_187 = arith.constant 0 : i32
      %dma_start3A_188 = arith.constant 0 : i32
      %dma_start3A_189 = tpu.memref_slice %arg8[%dma_start3A_185, %dma_start3A_187, %dma_start3A_188] : memref<8x128x16xf32, #tpu.memory_space<vmem>> -> memref<1x128x16xf32, #tpu.memory_space<vmem>>
      %dma_start3A_190 = tpu.memref_squeeze %dma_start3A_189 : memref<1x128x16xf32, #tpu.memory_space<vmem>> -> memref<128x16xf32, #tpu.memory_space<vmem>>
      %dma_start3A_191 = arith.constant 0 : i32
      %dma_start3A_192 = tpu.memref_slice %arg7[%dma_start3A_186, %dma_start3A_191] : memref<80x128xi32, #tpu.memory_space<vmem>> -> memref<1x128xi32, #tpu.memory_space<vmem>>
      %dma_start3A_193 = tpu.memref_squeeze %dma_start3A_192 : memref<1x128xi32, #tpu.memory_space<vmem>> -> memref<128xi32, #tpu.memory_space<vmem>>
      %dma_start3A_194 = arith.constant 0 : i32
      %dma_start3A_195 = arith.constant 0 : i32
      %dma_start3A_196 = tpu.memref_slice %arg10[%dma_start3A_194, %dma_start3A_195] : memref<10112x16xf32, #tpu.memory_space<vmem_shared>> -> memref<10112x16xf32, #tpu.memory_space<vmem_shared>>
      tpu.enqueue_indirect_dma source(%dma_start3A_190 : memref<128x16xf32, #tpu.memory_space<vmem>>) target(%dma_start3A_196 : memref<10112x16xf32, #tpu.memory_space<vmem_shared>>) offsets(%dma_start3A_193 : memref<128xi32, #tpu.memory_space<vmem>>) semaphore(%arg22 : memref<!tpu.dma_semaphore, #tpu.memory_space<semaphore_mem>>) {add = true}
      %dma_start3A_197 = arith.constant 6 : i32
      %dma_start3A_198 = arith.constant 6 : i32
      %dma_start3A_199 = arith.constant 0 : i32
      %dma_start3A_200 = arith.constant 0 : i32
      %dma_start3A_201 = tpu.memref_slice %arg8[%dma_start3A_198, %dma_start3A_199, %dma_start3A_200] : memref<8x128x16xf32, #tpu.memory_space<vmem>> -> memref<1x128x16xf32, #tpu.memory_space<vmem>>
      %dma_start3A_202 = tpu.memref_squeeze %dma_start3A_201 : memref<1x128x16xf32, #tpu.memory_space<vmem>> -> memref<128x16xf32, #tpu.memory_space<vmem>>
      %dma_start3A_203 = arith.constant 0 : i32
      %dma_start3A_204 = tpu.memref_slice %arg6[%dma_start3A_197, %dma_start3A_203] : memref<80x128xi32, #tpu.memory_space<vmem>> -> memref<1x128xi32, #tpu.memory_space<vmem>>
      %dma_start3A_205 = tpu.memref_squeeze %dma_start3A_204 : memref<1x128xi32, #tpu.memory_space<vmem>> -> memref<128xi32, #tpu.memory_space<vmem>>
      %dma_start3A_206 = arith.constant 0 : i32
      %dma_start3A_207 = arith.constant 0 : i32
      %dma_start3A_208 = tpu.memref_slice %arg2[%dma_start3A_206, %dma_start3A_207] : memref<10000x16xf32, #tpu.memory_space<hbm>> -> memref<10000x16xf32, #tpu.memory_space<hbm>>
      tpu.enqueue_indirect_dma source(%dma_start3A_208 : memref<10000x16xf32, #tpu.memory_space<hbm>>) target(%dma_start3A_202 : memref<128x16xf32, #tpu.memory_space<vmem>>) offsets(%dma_start3A_205 : memref<128xi32, #tpu.memory_space<vmem>>) semaphore(%arg18 : memref<!tpu.dma_semaphore, #tpu.memory_space<semaphore_mem>>)
      %dma_wait3A_209 = arith.constant 3 : i32
      %dma_wait3A_210 = arith.constant 3 : i32
      %dma_wait3A_211 = arith.constant 0 : i32
      %dma_wait3A_212 = arith.constant 0 : i32
      %dma_wait3A_213 = tpu.memref_slice %arg8[%dma_wait3A_210, %dma_wait3A_211, %dma_wait3A_212] : memref<8x128x16xf32, #tpu.memory_space<vmem>> -> memref<1x128x16xf32, #tpu.memory_space<vmem>>
      %dma_wait3A_214 = tpu.memref_squeeze %dma_wait3A_213 : memref<1x128x16xf32, #tpu.memory_space<vmem>> -> memref<128x16xf32, #tpu.memory_space<vmem>>
      %dma_wait3A_215 = arith.constant 0 : i32
      %dma_wait3A_216 = tpu.memref_slice %arg6[%dma_wait3A_209, %dma_wait3A_215] : memref<80x128xi32, #tpu.memory_space<vmem>> -> memref<1x128xi32, #tpu.memory_space<vmem>>
      %dma_wait3A_217 = tpu.memref_squeeze %dma_wait3A_216 : memref<1x128xi32, #tpu.memory_space<vmem>> -> memref<128xi32, #tpu.memory_space<vmem>>
      %dma_wait3A_218 = arith.constant 0 : i32
      %dma_wait3A_219 = arith.constant 0 : i32
      %dma_wait3A_220 = tpu.memref_slice %arg2[%dma_wait3A_218, %dma_wait3A_219] : memref<10000x16xf32, #tpu.memory_space<hbm>> -> memref<10000x16xf32, #tpu.memory_space<hbm>>
      tpu.wait_indirect_dma semaphore(%arg15 : memref<!tpu.dma_semaphore, #tpu.memory_space<semaphore_mem>>) src(%dma_wait3A_220 : memref<10000x16xf32, #tpu.memory_space<hbm>>) dst(%dma_wait3A_214 : memref<128x16xf32, #tpu.memory_space<vmem>>)
      %dma_start3A_221 = arith.constant 3 : i32
      %dma_start3A_222 = arith.constant 3 : i32
      %dma_start3A_223 = arith.constant 0 : i32
      %dma_start3A_224 = arith.constant 0 : i32
      %dma_start3A_225 = tpu.memref_slice %arg8[%dma_start3A_221, %dma_start3A_223, %dma_start3A_224] : memref<8x128x16xf32, #tpu.memory_space<vmem>> -> memref<1x128x16xf32, #tpu.memory_space<vmem>>
      %dma_start3A_226 = tpu.memref_squeeze %dma_start3A_225 : memref<1x128x16xf32, #tpu.memory_space<vmem>> -> memref<128x16xf32, #tpu.memory_space<vmem>>
      %dma_start3A_227 = arith.constant 0 : i32
      %dma_start3A_228 = tpu.memref_slice %arg7[%dma_start3A_222, %dma_start3A_227] : memref<80x128xi32, #tpu.memory_space<vmem>> -> memref<1x128xi32, #tpu.memory_space<vmem>>
      %dma_start3A_229 = tpu.memref_squeeze %dma_start3A_228 : memref<1x128xi32, #tpu.memory_space<vmem>> -> memref<128xi32, #tpu.memory_space<vmem>>
      %dma_start3A_230 = arith.constant 0 : i32
      %dma_start3A_231 = arith.constant 0 : i32
      %dma_start3A_232 = tpu.memref_slice %arg10[%dma_start3A_230, %dma_start3A_231] : memref<10112x16xf32, #tpu.memory_space<vmem_shared>> -> memref<10112x16xf32, #tpu.memory_space<vmem_shared>>
      tpu.enqueue_indirect_dma source(%dma_start3A_226 : memref<128x16xf32, #tpu.memory_space<vmem>>) target(%dma_start3A_232 : memref<10112x16xf32, #tpu.memory_space<vmem_shared>>) offsets(%dma_start3A_229 : memref<128xi32, #tpu.memory_space<vmem>>) semaphore(%arg23 : memref<!tpu.dma_semaphore, #tpu.memory_space<semaphore_mem>>) {add = true}
      %dma_start3A_233 = arith.constant 7 : i32
      %dma_start3A_234 = arith.constant 7 : i32
      %dma_start3A_235 = arith.constant 0 : i32
      %dma_start3A_236 = arith.constant 0 : i32
      %dma_start3A_237 = tpu.memref_slice %arg8[%dma_start3A_234, %dma_start3A_235, %dma_start3A_236] : memref<8x128x16xf32, #tpu.memory_space<vmem>> -> memref<1x128x16xf32, #tpu.memory_space<vmem>>
      %dma_start3A_238 = tpu.memref_squeeze %dma_start3A_237 : memref<1x128x16xf32, #tpu.memory_space<vmem>> -> memref<128x16xf32, #tpu.memory_space<vmem>>
      %dma_start3A_239 = arith.constant 0 : i32
      %dma_start3A_240 = tpu.memref_slice %arg6[%dma_start3A_233, %dma_start3A_239] : memref<80x128xi32, #tpu.memory_space<vmem>> -> memref<1x128xi32, #tpu.memory_space<vmem>>
      %dma_start3A_241 = tpu.memref_squeeze %dma_start3A_240 : memref<1x128xi32, #tpu.memory_space<vmem>> -> memref<128xi32, #tpu.memory_space<vmem>>
      %dma_start3A_242 = arith.constant 0 : i32
      %dma_start3A_243 = arith.constant 0 : i32
      %dma_start3A_244 = tpu.memref_slice %arg2[%dma_start3A_242, %dma_start3A_243] : memref<10000x16xf32, #tpu.memory_space<hbm>> -> memref<10000x16xf32, #tpu.memory_space<hbm>>
      tpu.enqueue_indirect_dma source(%dma_start3A_244 : memref<10000x16xf32, #tpu.memory_space<hbm>>) target(%dma_start3A_238 : memref<128x16xf32, #tpu.memory_space<vmem>>) offsets(%dma_start3A_241 : memref<128xi32, #tpu.memory_space<vmem>>) semaphore(%arg19 : memref<!tpu.dma_semaphore, #tpu.memory_space<semaphore_mem>>)
      %dma_wait3A_245 = arith.constant 4 : i32
      %dma_wait3A_246 = arith.constant 4 : i32
      %dma_wait3A_247 = arith.constant 0 : i32
      %dma_wait3A_248 = arith.constant 0 : i32
      %dma_wait3A_249 = tpu.memref_slice %arg8[%dma_wait3A_246, %dma_wait3A_247, %dma_wait3A_248] : memref<8x128x16xf32, #tpu.memory_space<vmem>> -> memref<1x128x16xf32, #tpu.memory_space<vmem>>
      %dma_wait3A_250 = tpu.memref_squeeze %dma_wait3A_249 : memref<1x128x16xf32, #tpu.memory_space<vmem>> -> memref<128x16xf32, #tpu.memory_space<vmem>>
      %dma_wait3A_251 = arith.constant 0 : i32
      %dma_wait3A_252 = tpu.memref_slice %arg6[%dma_wait3A_245, %dma_wait3A_251] : memref<80x128xi32, #tpu.memory_space<vmem>> -> memref<1x128xi32, #tpu.memory_space<vmem>>
      %dma_wait3A_253 = tpu.memref_squeeze %dma_wait3A_252 : memref<1x128xi32, #tpu.memory_space<vmem>> -> memref<128xi32, #tpu.memory_space<vmem>>
      %dma_wait3A_254 = arith.constant 0 : i32
      %dma_wait3A_255 = arith.constant 0 : i32
      %dma_wait3A_256 = tpu.memref_slice %arg2[%dma_wait3A_254, %dma_wait3A_255] : memref<10000x16xf32, #tpu.memory_space<hbm>> -> memref<10000x16xf32, #tpu.memory_space<hbm>>
      tpu.wait_indirect_dma semaphore(%arg16 : memref<!tpu.dma_semaphore, #tpu.memory_space<semaphore_mem>>) src(%dma_wait3A_256 : memref<10000x16xf32, #tpu.memory_space<hbm>>) dst(%dma_wait3A_250 : memref<128x16xf32, #tpu.memory_space<vmem>>)
      %dma_start3A_257 = arith.constant 4 : i32
      %dma_start3A_258 = arith.constant 4 : i32
      %dma_start3A_259 = arith.constant 0 : i32
      %dma_start3A_260 = arith.constant 0 : i32
      %dma_start3A_261 = tpu.memref_slice %arg8[%dma_start3A_257, %dma_start3A_259, %dma_start3A_260] : memref<8x128x16xf32, #tpu.memory_space<vmem>> -> memref<1x128x16xf32, #tpu.memory_space<vmem>>
      %dma_start3A_262 = tpu.memref_squeeze %dma_start3A_261 : memref<1x128x16xf32, #tpu.memory_space<vmem>> -> memref<128x16xf32, #tpu.memory_space<vmem>>
      %dma_start3A_263 = arith.constant 0 : i32
      %dma_start3A_264 = tpu.memref_slice %arg7[%dma_start3A_258, %dma_start3A_263] : memref<80x128xi32, #tpu.memory_space<vmem>> -> memref<1x128xi32, #tpu.memory_space<vmem>>
      %dma_start3A_265 = tpu.memref_squeeze %dma_start3A_264 : memref<1x128xi32, #tpu.memory_space<vmem>> -> memref<128xi32, #tpu.memory_space<vmem>>
      %dma_start3A_266 = arith.constant 0 : i32
      %dma_start3A_267 = arith.constant 0 : i32
      %dma_start3A_268 = tpu.memref_slice %arg10[%dma_start3A_266, %dma_start3A_267] : memref<10112x16xf32, #tpu.memory_space<vmem_shared>> -> memref<10112x16xf32, #tpu.memory_space<vmem_shared>>
      tpu.enqueue_indirect_dma source(%dma_start3A_262 : memref<128x16xf32, #tpu.memory_space<vmem>>) target(%dma_start3A_268 : memref<10112x16xf32, #tpu.memory_space<vmem_shared>>) offsets(%dma_start3A_265 : memref<128xi32, #tpu.memory_space<vmem>>) semaphore(%arg24 : memref<!tpu.dma_semaphore, #tpu.memory_space<semaphore_mem>>) {add = true}
      %dma_wait3A_269 = arith.constant 0 : i32
      %dma_wait3A_270 = arith.constant 0 : i32
      %dma_wait3A_271 = arith.constant 0 : i32
      %dma_wait3A_272 = arith.constant 0 : i32
      %dma_wait3A_273 = tpu.memref_slice %arg8[%dma_wait3A_269, %dma_wait3A_271, %dma_wait3A_272] : memref<8x128x16xf32, #tpu.memory_space<vmem>> -> memref<1x128x16xf32, #tpu.memory_space<vmem>>
      %dma_wait3A_274 = tpu.memref_squeeze %dma_wait3A_273 : memref<1x128x16xf32, #tpu.memory_space<vmem>> -> memref<128x16xf32, #tpu.memory_space<vmem>>
      %dma_wait3A_275 = arith.constant 0 : i32
      %dma_wait3A_276 = tpu.memref_slice %arg7[%dma_wait3A_270, %dma_wait3A_275] : memref<80x128xi32, #tpu.memory_space<vmem>> -> memref<1x128xi32, #tpu.memory_space<vmem>>
      %dma_wait3A_277 = tpu.memref_squeeze %dma_wait3A_276 : memref<1x128xi32, #tpu.memory_space<vmem>> -> memref<128xi32, #tpu.memory_space<vmem>>
      %dma_wait3A_278 = arith.constant 0 : i32
      %dma_wait3A_279 = arith.constant 0 : i32
      %dma_wait3A_280 = tpu.memref_slice %arg10[%dma_wait3A_278, %dma_wait3A_279] : memref<10112x16xf32, #tpu.memory_space<vmem_shared>> -> memref<10112x16xf32, #tpu.memory_space<vmem_shared>>
      tpu.wait_indirect_dma semaphore(%arg20 : memref<!tpu.dma_semaphore, #tpu.memory_space<semaphore_mem>>) src(%dma_wait3A_274 : memref<128x16xf32, #tpu.memory_space<vmem>>) dst(%dma_wait3A_280 : memref<10112x16xf32, #tpu.memory_space<vmem_shared>>)
      %dma_start3A_281 = arith.constant 8 : i32
      %dma_start3A_282 = arith.constant 0 : i32
      %dma_start3A_283 = arith.constant 0 : i32
      %dma_start3A_284 = arith.constant 0 : i32
      %dma_start3A_285 = tpu.memref_slice %arg8[%dma_start3A_282, %dma_start3A_283, %dma_start3A_284] : memref<8x128x16xf32, #tpu.memory_space<vmem>> -> memref<1x128x16xf32, #tpu.memory_space<vmem>>
      %dma_start3A_286 = tpu.memref_squeeze %dma_start3A_285 : memref<1x128x16xf32, #tpu.memory_space<vmem>> -> memref<128x16xf32, #tpu.memory_space<vmem>>
      %dma_start3A_287 = arith.constant 0 : i32
      %dma_start3A_288 = tpu.memref_slice %arg6[%dma_start3A_281, %dma_start3A_287] : memref<80x128xi32, #tpu.memory_space<vmem>> -> memref<1x128xi32, #tpu.memory_space<vmem>>
      %dma_start3A_289 = tpu.memref_squeeze %dma_start3A_288 : memref<1x128xi32, #tpu.memory_space<vmem>> -> memref<128xi32, #tpu.memory_space<vmem>>
      %dma_start3A_290 = arith.constant 0 : i32
      %dma_start3A_291 = arith.constant 0 : i32
      %dma_start3A_292 = tpu.memref_slice %arg2[%dma_start3A_290, %dma_start3A_291] : memref<10000x16xf32, #tpu.memory_space<hbm>> -> memref<10000x16xf32, #tpu.memory_space<hbm>>
      tpu.enqueue_indirect_dma source(%dma_start3A_292 : memref<10000x16xf32, #tpu.memory_space<hbm>>) target(%dma_start3A_286 : memref<128x16xf32, #tpu.memory_space<vmem>>) offsets(%dma_start3A_289 : memref<128xi32, #tpu.memory_space<vmem>>) semaphore(%arg12 : memref<!tpu.dma_semaphore, #tpu.memory_space<semaphore_mem>>)
      %dma_wait3A_293 = arith.constant 5 : i32
      %dma_wait3A_294 = arith.constant 5 : i32
      %dma_wait3A_295 = arith.constant 0 : i32
      %dma_wait3A_296 = arith.constant 0 : i32
      %dma_wait3A_297 = tpu.memref_slice %arg8[%dma_wait3A_294, %dma_wait3A_295, %dma_wait3A_296] : memref<8x128x16xf32, #tpu.memory_space<vmem>> -> memref<1x128x16xf32, #tpu.memory_space<vmem>>
      %dma_wait3A_298 = tpu.memref_squeeze %dma_wait3A_297 : memref<1x128x16xf32, #tpu.memory_space<vmem>> -> memref<128x16xf32, #tpu.memory_space<vmem>>
      %dma_wait3A_299 = arith.constant 0 : i32
      %dma_wait3A_300 = tpu.memref_slice %arg6[%dma_wait3A_293, %dma_wait3A_299] : memref<80x128xi32, #tpu.memory_space<vmem>> -> memref<1x128xi32, #tpu.memory_space<vmem>>
      %dma_wait3A_301 = tpu.memref_squeeze %dma_wait3A_300 : memref<1x128xi32, #tpu.memory_space<vmem>> -> memref<128xi32, #tpu.memory_space<vmem>>
      %dma_wait3A_302 = arith.constant 0 : i32
      %dma_wait3A_303 = arith.constant 0 : i32
      %dma_wait3A_304 = tpu.memref_slice %arg2[%dma_wait3A_302, %dma_wait3A_303] : memref<10000x16xf32, #tpu.memory_space<hbm>> -> memref<10000x16xf32, #tpu.memory_space<hbm>>
      tpu.wait_indirect_dma semaphore(%arg17 : memref<!tpu.dma_semaphore, #tpu.memory_space<semaphore_mem>>) src(%dma_wait3A_304 : memref<10000x16xf32, #tpu.memory_space<hbm>>) dst(%dma_wait3A_298 : memref<128x16xf32, #tpu.memory_space<vmem>>)
      %dma_start3A_305 = arith.constant 5 : i32
      %dma_start3A_306 = arith.constant 5 : i32
      %dma_start3A_307 = arith.constant 0 : i32
      %dma_start3A_308 = arith.constant 0 : i32
      %dma_start3A_309 = tpu.memref_slice %arg8[%dma_start3A_305, %dma_start3A_307, %dma_start3A_308] : memref<8x128x16xf32, #tpu.memory_space<vmem>> -> memref<1x128x16xf32, #tpu.memory_space<vmem>>
      %dma_start3A_310 = tpu.memref_squeeze %dma_start3A_309 : memref<1x128x16xf32, #tpu.memory_space<vmem>> -> memref<128x16xf32, #tpu.memory_space<vmem>>
      %dma_start3A_311 = arith.constant 0 : i32
      %dma_start3A_312 = tpu.memref_slice %arg7[%dma_start3A_306, %dma_start3A_311] : memref<80x128xi32, #tpu.memory_space<vmem>> -> memref<1x128xi32, #tpu.memory_space<vmem>>
      %dma_start3A_313 = tpu.memref_squeeze %dma_start3A_312 : memref<1x128xi32, #tpu.memory_space<vmem>> -> memref<128xi32, #tpu.memory_space<vmem>>
      %dma_start3A_314 = arith.constant 0 : i32
      %dma_start3A_315 = arith.constant 0 : i32
      %dma_start3A_316 = tpu.memref_slice %arg10[%dma_start3A_314, %dma_start3A_315] : memref<10112x16xf32, #tpu.memory_space<vmem_shared>> -> memref<10112x16xf32, #tpu.memory_space<vmem_shared>>
      tpu.enqueue_indirect_dma source(%dma_start3A_310 : memref<128x16xf32, #tpu.memory_space<vmem>>) target(%dma_start3A_316 : memref<10112x16xf32, #tpu.memory_space<vmem_shared>>) offsets(%dma_start3A_313 : memref<128xi32, #tpu.memory_space<vmem>>) semaphore(%arg25 : memref<!tpu.dma_semaphore, #tpu.memory_space<semaphore_mem>>) {add = true}
      %dma_wait3A_317 = arith.constant 1 : i32
      %dma_wait3A_318 = arith.constant 1 : i32
      %dma_wait3A_319 = arith.constant 0 : i32
      %dma_wait3A_320 = arith.constant 0 : i32
      %dma_wait3A_321 = tpu.memref_slice %arg8[%dma_wait3A_317, %dma_wait3A_319, %dma_wait3A_320] : memref<8x128x16xf32, #tpu.memory_space<vmem>> -> memref<1x128x16xf32, #tpu.memory_space<vmem>>
      %dma_wait3A_322 = tpu.memref_squeeze %dma_wait3A_321 : memref<1x128x16xf32, #tpu.memory_space<vmem>> -> memref<128x16xf32, #tpu.memory_space<vmem>>
      %dma_wait3A_323 = arith.constant 0 : i32
      %dma_wait3A_324 = tpu.memref_slice %arg7[%dma_wait3A_318, %dma_wait3A_323] : memref<80x128xi32, #tpu.memory_space<vmem>> -> memref<1x128xi32, #tpu.memory_space<vmem>>
      %dma_wait3A_325 = tpu.memref_squeeze %dma_wait3A_324 : memref<1x128xi32, #tpu.memory_space<vmem>> -> memref<128xi32, #tpu.memory_space<vmem>>
      %dma_wait3A_326 = arith.constant 0 : i32
      %dma_wait3A_327 = arith.constant 0 : i32
      %dma_wait3A_328 = tpu.memref_slice %arg10[%dma_wait3A_326, %dma_wait3A_327] : memref<10112x16xf32, #tpu.memory_space<vmem_shared>> -> memref<10112x16xf32, #tpu.memory_space<vmem_shared>>
      tpu.wait_indirect_dma semaphore(%arg21 : memref<!tpu.dma_semaphore, #tpu.memory_space<semaphore_mem>>) src(%dma_wait3A_322 : memref<128x16xf32, #tpu.memory_space<vmem>>) dst(%dma_wait3A_328 : memref<10112x16xf32, #tpu.memory_space<vmem_shared>>)
      %dma_start3A_329 = arith.constant 9 : i32
      %dma_start3A_330 = arith.constant 1 : i32
      %dma_start3A_331 = arith.constant 0 : i32
      %dma_start3A_332 = arith.constant 0 : i32
      %dma_start3A_333 = tpu.memref_slice %arg8[%dma_start3A_330, %dma_start3A_331, %dma_start3A_332] : memref<8x128x16xf32, #tpu.memory_space<vmem>> -> memref<1x128x16xf32, #tpu.memory_space<vmem>>
      %dma_start3A_334 = tpu.memref_squeeze %dma_start3A_333 : memref<1x128x16xf32, #tpu.memory_space<vmem>> -> memref<128x16xf32, #tpu.memory_space<vmem>>
      %dma_start3A_335 = arith.constant 0 : i32
      %dma_start3A_336 = tpu.memref_slice %arg6[%dma_start3A_329, %dma_start3A_335] : memref<80x128xi32, #tpu.memory_space<vmem>> -> memref<1x128xi32, #tpu.memory_space<vmem>>
      %dma_start3A_337 = tpu.memref_squeeze %dma_start3A_336 : memref<1x128xi32, #tpu.memory_space<vmem>> -> memref<128xi32, #tpu.memory_space<vmem>>
      %dma_start3A_338 = arith.constant 0 : i32
      %dma_start3A_339 = arith.constant 0 : i32
      %dma_start3A_340 = tpu.memref_slice %arg2[%dma_start3A_338, %dma_start3A_339] : memref<10000x16xf32, #tpu.memory_space<hbm>> -> memref<10000x16xf32, #tpu.memory_space<hbm>>
      tpu.enqueue_indirect_dma source(%dma_start3A_340 : memref<10000x16xf32, #tpu.memory_space<hbm>>) target(%dma_start3A_334 : memref<128x16xf32, #tpu.memory_space<vmem>>) offsets(%dma_start3A_337 : memref<128xi32, #tpu.memory_space<vmem>>) semaphore(%arg13 : memref<!tpu.dma_semaphore, #tpu.memory_space<semaphore_mem>>)
      %dma_wait3A_341 = arith.constant 6 : i32
      %dma_wait3A_342 = arith.constant 6 : i32
      %dma_wait3A_343 = arith.constant 0 : i32
      %dma_wait3A_344 = arith.constant 0 : i32
      %dma_wait3A_345 = tpu.memref_slice %arg8[%dma_wait3A_342, %dma_wait3A_343, %dma_wait3A_344] : memref<8x128x16xf32, #tpu.memory_space<vmem>> -> memref<1x128x16xf32, #tpu.memory_space<vmem>>
      %dma_wait3A_346 = tpu.memref_squeeze %dma_wait3A_345 : memref<1x128x16xf32, #tpu.memory_space<vmem>> -> memref<128x16xf32, #tpu.memory_space<vmem>>
      %dma_wait3A_347 = arith.constant 0 : i32
      %dma_wait3A_348 = tpu.memref_slice %arg6[%dma_wait3A_341, %dma_wait3A_347] : memref<80x128xi32, #tpu.memory_space<vmem>> -> memref<1x128xi32, #tpu.memory_space<vmem>>
      %dma_wait3A_349 = tpu.memref_squeeze %dma_wait3A_348 : memref<1x128xi32, #tpu.memory_space<vmem>> -> memref<128xi32, #tpu.memory_space<vmem>>
      %dma_wait3A_350 = arith.constant 0 : i32
      %dma_wait3A_351 = arith.constant 0 : i32
      %dma_wait3A_352 = tpu.memref_slice %arg2[%dma_wait3A_350, %dma_wait3A_351] : memref<10000x16xf32, #tpu.memory_space<hbm>> -> memref<10000x16xf32, #tpu.memory_space<hbm>>
      tpu.wait_indirect_dma semaphore(%arg18 : memref<!tpu.dma_semaphore, #tpu.memory_space<semaphore_mem>>) src(%dma_wait3A_352 : memref<10000x16xf32, #tpu.memory_space<hbm>>) dst(%dma_wait3A_346 : memref<128x16xf32, #tpu.memory_space<vmem>>)
      %dma_start3A_353 = arith.constant 6 : i32
      %dma_start3A_354 = arith.constant 6 : i32
      %dma_start3A_355 = arith.constant 0 : i32
      %dma_start3A_356 = arith.constant 0 : i32
      %dma_start3A_357 = tpu.memref_slice %arg8[%dma_start3A_353, %dma_start3A_355, %dma_start3A_356] : memref<8x128x16xf32, #tpu.memory_space<vmem>> -> memref<1x128x16xf32, #tpu.memory_space<vmem>>
      %dma_start3A_358 = tpu.memref_squeeze %dma_start3A_357 : memref<1x128x16xf32, #tpu.memory_space<vmem>> -> memref<128x16xf32, #tpu.memory_space<vmem>>
      %dma_start3A_359 = arith.constant 0 : i32
      %dma_start3A_360 = tpu.memref_slice %arg7[%dma_start3A_354, %dma_start3A_359] : memref<80x128xi32, #tpu.memory_space<vmem>> -> memref<1x128xi32, #tpu.memory_space<vmem>>
      %dma_start3A_361 = tpu.memref_squeeze %dma_start3A_360 : memref<1x128xi32, #tpu.memory_space<vmem>> -> memref<128xi32, #tpu.memory_space<vmem>>
      %dma_start3A_362 = arith.constant 0 : i32
      %dma_start3A_363 = arith.constant 0 : i32
      %dma_start3A_364 = tpu.memref_slice %arg10[%dma_start3A_362, %dma_start3A_363] : memref<10112x16xf32, #tpu.memory_space<vmem_shared>> -> memref<10112x16xf32, #tpu.memory_space<vmem_shared>>
      tpu.enqueue_indirect_dma source(%dma_start3A_358 : memref<128x16xf32, #tpu.memory_space<vmem>>) target(%dma_start3A_364 : memref<10112x16xf32, #tpu.memory_space<vmem_shared>>) offsets(%dma_start3A_361 : memref<128xi32, #tpu.memory_space<vmem>>) semaphore(%arg26 : memref<!tpu.dma_semaphore, #tpu.memory_space<semaphore_mem>>) {add = true}
      %dma_wait3A_365 = arith.constant 2 : i32
      %dma_wait3A_366 = arith.constant 2 : i32
      %dma_wait3A_367 = arith.constant 0 : i32
      %dma_wait3A_368 = arith.constant 0 : i32
      %dma_wait3A_369 = tpu.memref_slice %arg8[%dma_wait3A_365, %dma_wait3A_367, %dma_wait3A_368] : memref<8x128x16xf32, #tpu.memory_space<vmem>> -> memref<1x128x16xf32, #tpu.memory_space<vmem>>
      %dma_wait3A_370 = tpu.memref_squeeze %dma_wait3A_369 : memref<1x128x16xf32, #tpu.memory_space<vmem>> -> memref<128x16xf32, #tpu.memory_space<vmem>>
      %dma_wait3A_371 = arith.constant 0 : i32
      %dma_wait3A_372 = tpu.memref_slice %arg7[%dma_wait3A_366, %dma_wait3A_371] : memref<80x128xi32, #tpu.memory_space<vmem>> -> memref<1x128xi32, #tpu.memory_space<vmem>>
      %dma_wait3A_373 = tpu.memref_squeeze %dma_wait3A_372 : memref<1x128xi32, #tpu.memory_space<vmem>> -> memref<128xi32, #tpu.memory_space<vmem>>
      %dma_wait3A_374 = arith.constant 0 : i32
      %dma_wait3A_375 = arith.constant 0 : i32
      %dma_wait3A_376 = tpu.memref_slice %arg10[%dma_wait3A_374, %dma_wait3A_375] : memref<10112x16xf32, #tpu.memory_space<vmem_shared>> -> memref<10112x16xf32, #tpu.memory_space<vmem_shared>>
      tpu.wait_indirect_dma semaphore(%arg22 : memref<!tpu.dma_semaphore, #tpu.memory_space<semaphore_mem>>) src(%dma_wait3A_370 : memref<128x16xf32, #tpu.memory_space<vmem>>) dst(%dma_wait3A_376 : memref<10112x16xf32, #tpu.memory_space<vmem_shared>>)
      %dma_start3A_377 = arith.constant 10 : i32
      %dma_start3A_378 = arith.constant 2 : i32
      %dma_start3A_379 = arith.constant 0 : i32
      %dma_start3A_380 = arith.constant 0 : i32
      %dma_start3A_381 = tpu.memref_slice %arg8[%dma_start3A_378, %dma_start3A_379, %dma_start3A_380] : memref<8x128x16xf32, #tpu.memory_space<vmem>> -> memref<1x128x16xf32, #tpu.memory_space<vmem>>
      %dma_start3A_382 = tpu.memref_squeeze %dma_start3A_381 : memref<1x128x16xf32, #tpu.memory_space<vmem>> -> memref<128x16xf32, #tpu.memory_space<vmem>>
      %dma_start3A_383 = arith.constant 0 : i32
      %dma_start3A_384 = tpu.memref_slice %arg6[%dma_start3A_377, %dma_start3A_383] : memref<80x128xi32, #tpu.memory_space<vmem>> -> memref<1x128xi32, #tpu.memory_space<vmem>>
      %dma_start3A_385 = tpu.memref_squeeze %dma_start3A_384 : memref<1x128xi32, #tpu.memory_space<vmem>> -> memref<128xi32, #tpu.memory_space<vmem>>
      %dma_start3A_386 = arith.constant 0 : i32
      %dma_start3A_387 = arith.constant 0 : i32
      %dma_start3A_388 = tpu.memref_slice %arg2[%dma_start3A_386, %dma_start3A_387] : memref<10000x16xf32, #tpu.memory_space<hbm>> -> memref<10000x16xf32, #tpu.memory_space<hbm>>
      tpu.enqueue_indirect_dma source(%dma_start3A_388 : memref<10000x16xf32, #tpu.memory_space<hbm>>) target(%dma_start3A_382 : memref<128x16xf32, #tpu.memory_space<vmem>>) offsets(%dma_start3A_385 : memref<128xi32, #tpu.memory_space<vmem>>) semaphore(%arg14 : memref<!tpu.dma_semaphore, #tpu.memory_space<semaphore_mem>>)
      %dma_wait3A_389 = arith.constant 7 : i32
      %dma_wait3A_390 = arith.constant 7 : i32
      %dma_wait3A_391 = arith.constant 0 : i32
      %dma_wait3A_392 = arith.constant 0 : i32
      %dma_wait3A_393 = tpu.memref_slice %arg8[%dma_wait3A_390, %dma_wait3A_391, %dma_wait3A_392] : memref<8x128x16xf32, #tpu.memory_space<vmem>> -> memref<1x128x16xf32, #tpu.memory_space<vmem>>
      %dma_wait3A_394 = tpu.memref_squeeze %dma_wait3A_393 : memref<1x128x16xf32, #tpu.memory_space<vmem>> -> memref<128x16xf32, #tpu.memory_space<vmem>>
      %dma_wait3A_395 = arith.constant 0 : i32
      %dma_wait3A_396 = tpu.memref_slice %arg6[%dma_wait3A_389, %dma_wait3A_395] : memref<80x128xi32, #tpu.memory_space<vmem>> -> memref<1x128xi32, #tpu.memory_space<vmem>>
      %dma_wait3A_397 = tpu.memref_squeeze %dma_wait3A_396 : memref<1x128xi32, #tpu.memory_space<vmem>> -> memref<128xi32, #tpu.memory_space<vmem>>
      %dma_wait3A_398 = arith.constant 0 : i32
      %dma_wait3A_399 = arith.constant 0 : i32
      %dma_wait3A_400 = tpu.memref_slice %arg2[%dma_wait3A_398, %dma_wait3A_399] : memref<10000x16xf32, #tpu.memory_space<hbm>> -> memref<10000x16xf32, #tpu.memory_space<hbm>>
      tpu.wait_indirect_dma semaphore(%arg19 : memref<!tpu.dma_semaphore, #tpu.memory_space<semaphore_mem>>) src(%dma_wait3A_400 : memref<10000x16xf32, #tpu.memory_space<hbm>>) dst(%dma_wait3A_394 : memref<128x16xf32, #tpu.memory_space<vmem>>)
      %dma_start3A_401 = arith.constant 7 : i32
      %dma_start3A_402 = arith.constant 7 : i32
      %dma_start3A_403 = arith.constant 0 : i32
      %dma_start3A_404 = arith.constant 0 : i32
      %dma_start3A_405 = tpu.memref_slice %arg8[%dma_start3A_401, %dma_start3A_403, %dma_start3A_404] : memref<8x128x16xf32, #tpu.memory_space<vmem>> -> memref<1x128x16xf32, #tpu.memory_space<vmem>>
      %dma_start3A_406 = tpu.memref_squeeze %dma_start3A_405 : memref<1x128x16xf32, #tpu.memory_space<vmem>> -> memref<128x16xf32, #tpu.memory_space<vmem>>
      %dma_start3A_407 = arith.constant 0 : i32
      %dma_start3A_408 = tpu.memref_slice %arg7[%dma_start3A_402, %dma_start3A_407] : memref<80x128xi32, #tpu.memory_space<vmem>> -> memref<1x128xi32, #tpu.memory_space<vmem>>
      %dma_start3A_409 = tpu.memref_squeeze %dma_start3A_408 : memref<1x128xi32, #tpu.memory_space<vmem>> -> memref<128xi32, #tpu.memory_space<vmem>>
      %dma_start3A_410 = arith.constant 0 : i32
      %dma_start3A_411 = arith.constant 0 : i32
      %dma_start3A_412 = tpu.memref_slice %arg10[%dma_start3A_410, %dma_start3A_411] : memref<10112x16xf32, #tpu.memory_space<vmem_shared>> -> memref<10112x16xf32, #tpu.memory_space<vmem_shared>>
      tpu.enqueue_indirect_dma source(%dma_start3A_406 : memref<128x16xf32, #tpu.memory_space<vmem>>) target(%dma_start3A_412 : memref<10112x16xf32, #tpu.memory_space<vmem_shared>>) offsets(%dma_start3A_409 : memref<128xi32, #tpu.memory_space<vmem>>) semaphore(%arg27 : memref<!tpu.dma_semaphore, #tpu.memory_space<semaphore_mem>>) {add = true}
      %dma_wait3A_413 = arith.constant 3 : i32
      %dma_wait3A_414 = arith.constant 3 : i32
      %dma_wait3A_415 = arith.constant 0 : i32
      %dma_wait3A_416 = arith.constant 0 : i32
      %dma_wait3A_417 = tpu.memref_slice %arg8[%dma_wait3A_413, %dma_wait3A_415, %dma_wait3A_416] : memref<8x128x16xf32, #tpu.memory_space<vmem>> -> memref<1x128x16xf32, #tpu.memory_space<vmem>>
      %dma_wait3A_418 = tpu.memref_squeeze %dma_wait3A_417 : memref<1x128x16xf32, #tpu.memory_space<vmem>> -> memref<128x16xf32, #tpu.memory_space<vmem>>
      %dma_wait3A_419 = arith.constant 0 : i32
      %dma_wait3A_420 = tpu.memref_slice %arg7[%dma_wait3A_414, %dma_wait3A_419] : memref<80x128xi32, #tpu.memory_space<vmem>> -> memref<1x128xi32, #tpu.memory_space<vmem>>
      %dma_wait3A_421 = tpu.memref_squeeze %dma_wait3A_420 : memref<1x128xi32, #tpu.memory_space<vmem>> -> memref<128xi32, #tpu.memory_space<vmem>>
      %dma_wait3A_422 = arith.constant 0 : i32
      %dma_wait3A_423 = arith.constant 0 : i32
      %dma_wait3A_424 = tpu.memref_slice %arg10[%dma_wait3A_422, %dma_wait3A_423] : memref<10112x16xf32, #tpu.memory_space<vmem_shared>> -> memref<10112x16xf32, #tpu.memory_space<vmem_shared>>
      tpu.wait_indirect_dma semaphore(%arg23 : memref<!tpu.dma_semaphore, #tpu.memory_space<semaphore_mem>>) src(%dma_wait3A_418 : memref<128x16xf32, #tpu.memory_space<vmem>>) dst(%dma_wait3A_424 : memref<10112x16xf32, #tpu.memory_space<vmem_shared>>)
      %dma_start3A_425 = arith.constant 11 : i32
      %dma_start3A_426 = arith.constant 3 : i32
      %dma_start3A_427 = arith.constant 0 : i32
      %dma_start3A_428 = arith.constant 0 : i32
      %dma_start3A_429 = tpu.memref_slice %arg8[%dma_start3A_426, %dma_start3A_427, %dma_start3A_428] : memref<8x128x16xf32, #tpu.memory_space<vmem>> -> memref<1x128x16xf32, #tpu.memory_space<vmem>>
      %dma_start3A_430 = tpu.memref_squeeze %dma_start3A_429 : memref<1x128x16xf32, #tpu.memory_space<vmem>> -> memref<128x16xf32, #tpu.memory_space<vmem>>
      %dma_start3A_431 = arith.constant 0 : i32
      %dma_start3A_432 = tpu.memref_slice %arg6[%dma_start3A_425, %dma_start3A_431] : memref<80x128xi32, #tpu.memory_space<vmem>> -> memref<1x128xi32, #tpu.memory_space<vmem>>
      %dma_start3A_433 = tpu.memref_squeeze %dma_start3A_432 : memref<1x128xi32, #tpu.memory_space<vmem>> -> memref<128xi32, #tpu.memory_space<vmem>>
      %dma_start3A_434 = arith.constant 0 : i32
      %dma_start3A_435 = arith.constant 0 : i32
      %dma_start3A_436 = tpu.memref_slice %arg2[%dma_start3A_434, %dma_start3A_435] : memref<10000x16xf32, #tpu.memory_space<hbm>> -> memref<10000x16xf32, #tpu.memory_space<hbm>>
      tpu.enqueue_indirect_dma source(%dma_start3A_436 : memref<10000x16xf32, #tpu.memory_space<hbm>>) target(%dma_start3A_430 : memref<128x16xf32, #tpu.memory_space<vmem>>) offsets(%dma_start3A_433 : memref<128xi32, #tpu.memory_space<vmem>>) semaphore(%arg15 : memref<!tpu.dma_semaphore, #tpu.memory_space<semaphore_mem>>)
      %scan3A_437 = arith.constant 0 : i32
      %scan3A_438 = arith.constant 1 : i32
      %scan3A_439 = arith.constant 9 : i32
      %scan3A_440 = arith.addi %scan3A_438, %scan3A_439 : i32
      %scan3A_441 = arith.constant 1 : i32
      scf.for %scan3A_539 = %scan3A_438 to %scan3A_440 step %scan3A_441  : i32 {
        %mul3A_540 = arith.constant 8 : i32
        %mul3A_541 = arith.muli %scan3A_539, %mul3A_540 : i32
        %add3A_542 = arith.constant 0 : i32
        %add3A_543 = arith.addi %mul3A_541, %add3A_542 : i32
        %dma_wait3A_544 = arith.constant 0 : i32
        %dma_wait3A_545 = arith.constant 0 : i32
        %dma_wait3A_546 = arith.constant 0 : i32
        %dma_wait3A_547 = tpu.memref_slice %arg8[%dma_wait3A_544, %dma_wait3A_545, %dma_wait3A_546] : memref<8x128x16xf32, #tpu.memory_space<vmem>> -> memref<1x128x16xf32, #tpu.memory_space<vmem>>
        %dma_wait3A_548 = tpu.memref_squeeze %dma_wait3A_547 : memref<1x128x16xf32, #tpu.memory_space<vmem>> -> memref<128x16xf32, #tpu.memory_space<vmem>>
        %dma_wait3A_549 = arith.constant 0 : i32
        %dma_wait3A_550 = tpu.memref_slice %arg6[%add3A_543, %dma_wait3A_549] : memref<80x128xi32, #tpu.memory_space<vmem>> -> memref<1x128xi32, #tpu.memory_space<vmem>>
        %dma_wait3A_551 = tpu.memref_squeeze %dma_wait3A_550 : memref<1x128xi32, #tpu.memory_space<vmem>> -> memref<128xi32, #tpu.memory_space<vmem>>
        %dma_wait3A_552 = arith.constant 0 : i32
        %dma_wait3A_553 = arith.constant 0 : i32
        %dma_wait3A_554 = tpu.memref_slice %arg2[%dma_wait3A_552, %dma_wait3A_553] : memref<10000x16xf32, #tpu.memory_space<hbm>> -> memref<10000x16xf32, #tpu.memory_space<hbm>>
        tpu.wait_indirect_dma semaphore(%arg12 : memref<!tpu.dma_semaphore, #tpu.memory_space<semaphore_mem>>) src(%dma_wait3A_554 : memref<10000x16xf32, #tpu.memory_space<hbm>>) dst(%dma_wait3A_548 : memref<128x16xf32, #tpu.memory_space<vmem>>)
        %dma_start3A_555 = arith.constant 0 : i32
        %dma_start3A_556 = arith.constant 0 : i32
        %dma_start3A_557 = arith.constant 0 : i32
        %dma_start3A_558 = tpu.memref_slice %arg8[%dma_start3A_555, %dma_start3A_556, %dma_start3A_557] : memref<8x128x16xf32, #tpu.memory_space<vmem>> -> memref<1x128x16xf32, #tpu.memory_space<vmem>>
        %dma_start3A_559 = tpu.memref_squeeze %dma_start3A_558 : memref<1x128x16xf32, #tpu.memory_space<vmem>> -> memref<128x16xf32, #tpu.memory_space<vmem>>
        %dma_start3A_560 = arith.constant 0 : i32
        %dma_start3A_561 = tpu.memref_slice %arg7[%add3A_543, %dma_start3A_560] : memref<80x128xi32, #tpu.memory_space<vmem>> -> memref<1x128xi32, #tpu.memory_space<vmem>>
        %dma_start3A_562 = tpu.memref_squeeze %dma_start3A_561 : memref<1x128xi32, #tpu.memory_space<vmem>> -> memref<128xi32, #tpu.memory_space<vmem>>
        %dma_start3A_563 = arith.constant 0 : i32
        %dma_start3A_564 = arith.constant 0 : i32
        %dma_start3A_565 = tpu.memref_slice %arg10[%dma_start3A_563, %dma_start3A_564] : memref<10112x16xf32, #tpu.memory_space<vmem_shared>> -> memref<10112x16xf32, #tpu.memory_space<vmem_shared>>
        tpu.enqueue_indirect_dma source(%dma_start3A_559 : memref<128x16xf32, #tpu.memory_space<vmem>>) target(%dma_start3A_565 : memref<10112x16xf32, #tpu.memory_space<vmem_shared>>) offsets(%dma_start3A_562 : memref<128xi32, #tpu.memory_space<vmem>>) semaphore(%arg20 : memref<!tpu.dma_semaphore, #tpu.memory_space<semaphore_mem>>) {add = true}
        %add3A_566 = arith.constant 4 : i32
        %add3A_567 = arith.addi %add3A_543, %add3A_566 : i32
        %lt3A_568 = arith.constant 80 : i32
        %lt3A_569 = arith.cmpi slt, %add3A_567, %lt3A_568 : i32
        %convert_element_type3A_570 = arith.extui %lt3A_569 : i1 to i32
        %cond3A_571 = arith.constant 0 : i32
        %cond3A_572 = arith.cmpi ne, %convert_element_type3A_570, %cond3A_571 : i32
        scf.if %cond3A_572 {
          %sub3A = arith.constant 4 : i32
          %sub3A_804 = arith.subi %add3A_543, %sub3A : i32
          %dma_wait3A_805 = arith.constant 4 : i32
          %dma_wait3A_806 = arith.constant 0 : i32
          %dma_wait3A_807 = arith.constant 0 : i32
          %dma_wait3A_808 = tpu.memref_slice %arg8[%dma_wait3A_805, %dma_wait3A_806, %dma_wait3A_807] : memref<8x128x16xf32, #tpu.memory_space<vmem>> -> memref<1x128x16xf32, #tpu.memory_space<vmem>>
          %dma_wait3A_809 = tpu.memref_squeeze %dma_wait3A_808 : memref<1x128x16xf32, #tpu.memory_space<vmem>> -> memref<128x16xf32, #tpu.memory_space<vmem>>
          %dma_wait3A_810 = arith.constant 0 : i32
          %dma_wait3A_811 = tpu.memref_slice %arg7[%sub3A_804, %dma_wait3A_810] : memref<80x128xi32, #tpu.memory_space<vmem>> -> memref<1x128xi32, #tpu.memory_space<vmem>>
          %dma_wait3A_812 = tpu.memref_squeeze %dma_wait3A_811 : memref<1x128xi32, #tpu.memory_space<vmem>> -> memref<128xi32, #tpu.memory_space<vmem>>
          %dma_wait3A_813 = arith.constant 0 : i32
          %dma_wait3A_814 = arith.constant 0 : i32
          %dma_wait3A_815 = tpu.memref_slice %arg10[%dma_wait3A_813, %dma_wait3A_814] : memref<10112x16xf32, #tpu.memory_space<vmem_shared>> -> memref<10112x16xf32, #tpu.memory_space<vmem_shared>>
          tpu.wait_indirect_dma semaphore(%arg24 : memref<!tpu.dma_semaphore, #tpu.memory_space<semaphore_mem>>) src(%dma_wait3A_809 : memref<128x16xf32, #tpu.memory_space<vmem>>) dst(%dma_wait3A_815 : memref<10112x16xf32, #tpu.memory_space<vmem_shared>>)
          %add3A_816 = arith.constant 4 : i32
          %add3A_817 = arith.addi %add3A_543, %add3A_816 : i32
          %dma_start3A_818 = arith.constant 4 : i32
          %dma_start3A_819 = arith.constant 0 : i32
          %dma_start3A_820 = arith.constant 0 : i32
          %dma_start3A_821 = tpu.memref_slice %arg8[%dma_start3A_818, %dma_start3A_819, %dma_start3A_820] : memref<8x128x16xf32, #tpu.memory_space<vmem>> -> memref<1x128x16xf32, #tpu.memory_space<vmem>>
          %dma_start3A_822 = tpu.memref_squeeze %dma_start3A_821 : memref<1x128x16xf32, #tpu.memory_space<vmem>> -> memref<128x16xf32, #tpu.memory_space<vmem>>
          %dma_start3A_823 = arith.constant 0 : i32
          %dma_start3A_824 = tpu.memref_slice %arg6[%add3A_817, %dma_start3A_823] : memref<80x128xi32, #tpu.memory_space<vmem>> -> memref<1x128xi32, #tpu.memory_space<vmem>>
          %dma_start3A_825 = tpu.memref_squeeze %dma_start3A_824 : memref<1x128xi32, #tpu.memory_space<vmem>> -> memref<128xi32, #tpu.memory_space<vmem>>
          %dma_start3A_826 = arith.constant 0 : i32
          %dma_start3A_827 = arith.constant 0 : i32
          %dma_start3A_828 = tpu.memref_slice %arg2[%dma_start3A_826, %dma_start3A_827] : memref<10000x16xf32, #tpu.memory_space<hbm>> -> memref<10000x16xf32, #tpu.memory_space<hbm>>
          tpu.enqueue_indirect_dma source(%dma_start3A_828 : memref<10000x16xf32, #tpu.memory_space<hbm>>) target(%dma_start3A_822 : memref<128x16xf32, #tpu.memory_space<vmem>>) offsets(%dma_start3A_825 : memref<128xi32, #tpu.memory_space<vmem>>) semaphore(%arg16 : memref<!tpu.dma_semaphore, #tpu.memory_space<semaphore_mem>>)
        } else {
        }
        %mul3A_573 = arith.constant 8 : i32
        %mul3A_574 = arith.muli %scan3A_539, %mul3A_573 : i32
        %add3A_575 = arith.constant 1 : i32
        %add3A_576 = arith.addi %mul3A_574, %add3A_575 : i32
        %dma_wait3A_577 = arith.constant 1 : i32
        %dma_wait3A_578 = arith.constant 0 : i32
        %dma_wait3A_579 = arith.constant 0 : i32
        %dma_wait3A_580 = tpu.memref_slice %arg8[%dma_wait3A_577, %dma_wait3A_578, %dma_wait3A_579] : memref<8x128x16xf32, #tpu.memory_space<vmem>> -> memref<1x128x16xf32, #tpu.memory_space<vmem>>
        %dma_wait3A_581 = tpu.memref_squeeze %dma_wait3A_580 : memref<1x128x16xf32, #tpu.memory_space<vmem>> -> memref<128x16xf32, #tpu.memory_space<vmem>>
        %dma_wait3A_582 = arith.constant 0 : i32
        %dma_wait3A_583 = tpu.memref_slice %arg6[%add3A_576, %dma_wait3A_582] : memref<80x128xi32, #tpu.memory_space<vmem>> -> memref<1x128xi32, #tpu.memory_space<vmem>>
        %dma_wait3A_584 = tpu.memref_squeeze %dma_wait3A_583 : memref<1x128xi32, #tpu.memory_space<vmem>> -> memref<128xi32, #tpu.memory_space<vmem>>
        %dma_wait3A_585 = arith.constant 0 : i32
        %dma_wait3A_586 = arith.constant 0 : i32
        %dma_wait3A_587 = tpu.memref_slice %arg2[%dma_wait3A_585, %dma_wait3A_586] : memref<10000x16xf32, #tpu.memory_space<hbm>> -> memref<10000x16xf32, #tpu.memory_space<hbm>>
        tpu.wait_indirect_dma semaphore(%arg13 : memref<!tpu.dma_semaphore, #tpu.memory_space<semaphore_mem>>) src(%dma_wait3A_587 : memref<10000x16xf32, #tpu.memory_space<hbm>>) dst(%dma_wait3A_581 : memref<128x16xf32, #tpu.memory_space<vmem>>)
        %dma_start3A_588 = arith.constant 1 : i32
        %dma_start3A_589 = arith.constant 0 : i32
        %dma_start3A_590 = arith.constant 0 : i32
        %dma_start3A_591 = tpu.memref_slice %arg8[%dma_start3A_588, %dma_start3A_589, %dma_start3A_590] : memref<8x128x16xf32, #tpu.memory_space<vmem>> -> memref<1x128x16xf32, #tpu.memory_space<vmem>>
        %dma_start3A_592 = tpu.memref_squeeze %dma_start3A_591 : memref<1x128x16xf32, #tpu.memory_space<vmem>> -> memref<128x16xf32, #tpu.memory_space<vmem>>
        %dma_start3A_593 = arith.constant 0 : i32
        %dma_start3A_594 = tpu.memref_slice %arg7[%add3A_576, %dma_start3A_593] : memref<80x128xi32, #tpu.memory_space<vmem>> -> memref<1x128xi32, #tpu.memory_space<vmem>>
        %dma_start3A_595 = tpu.memref_squeeze %dma_start3A_594 : memref<1x128xi32, #tpu.memory_space<vmem>> -> memref<128xi32, #tpu.memory_space<vmem>>
        %dma_start3A_596 = arith.constant 0 : i32
        %dma_start3A_597 = arith.constant 0 : i32
        %dma_start3A_598 = tpu.memref_slice %arg10[%dma_start3A_596, %dma_start3A_597] : memref<10112x16xf32, #tpu.memory_space<vmem_shared>> -> memref<10112x16xf32, #tpu.memory_space<vmem_shared>>
        tpu.enqueue_indirect_dma source(%dma_start3A_592 : memref<128x16xf32, #tpu.memory_space<vmem>>) target(%dma_start3A_598 : memref<10112x16xf32, #tpu.memory_space<vmem_shared>>) offsets(%dma_start3A_595 : memref<128xi32, #tpu.memory_space<vmem>>) semaphore(%arg21 : memref<!tpu.dma_semaphore, #tpu.memory_space<semaphore_mem>>) {add = true}
        %add3A_599 = arith.constant 4 : i32
        %add3A_600 = arith.addi %add3A_576, %add3A_599 : i32
        %lt3A_601 = arith.constant 80 : i32
        %lt3A_602 = arith.cmpi slt, %add3A_600, %lt3A_601 : i32
        %convert_element_type3A_603 = arith.extui %lt3A_602 : i1 to i32
        %cond3A_604 = arith.constant 0 : i32
        %cond3A_605 = arith.cmpi ne, %convert_element_type3A_603, %cond3A_604 : i32
        scf.if %cond3A_605 {
          %sub3A = arith.constant 4 : i32
          %sub3A_804 = arith.subi %add3A_576, %sub3A : i32
          %dma_wait3A_805 = arith.constant 5 : i32
          %dma_wait3A_806 = arith.constant 0 : i32
          %dma_wait3A_807 = arith.constant 0 : i32
          %dma_wait3A_808 = tpu.memref_slice %arg8[%dma_wait3A_805, %dma_wait3A_806, %dma_wait3A_807] : memref<8x128x16xf32, #tpu.memory_space<vmem>> -> memref<1x128x16xf32, #tpu.memory_space<vmem>>
          %dma_wait3A_809 = tpu.memref_squeeze %dma_wait3A_808 : memref<1x128x16xf32, #tpu.memory_space<vmem>> -> memref<128x16xf32, #tpu.memory_space<vmem>>
          %dma_wait3A_810 = arith.constant 0 : i32
          %dma_wait3A_811 = tpu.memref_slice %arg7[%sub3A_804, %dma_wait3A_810] : memref<80x128xi32, #tpu.memory_space<vmem>> -> memref<1x128xi32, #tpu.memory_space<vmem>>
          %dma_wait3A_812 = tpu.memref_squeeze %dma_wait3A_811 : memref<1x128xi32, #tpu.memory_space<vmem>> -> memref<128xi32, #tpu.memory_space<vmem>>
          %dma_wait3A_813 = arith.constant 0 : i32
          %dma_wait3A_814 = arith.constant 0 : i32
          %dma_wait3A_815 = tpu.memref_slice %arg10[%dma_wait3A_813, %dma_wait3A_814] : memref<10112x16xf32, #tpu.memory_space<vmem_shared>> -> memref<10112x16xf32, #tpu.memory_space<vmem_shared>>
          tpu.wait_indirect_dma semaphore(%arg25 : memref<!tpu.dma_semaphore, #tpu.memory_space<semaphore_mem>>) src(%dma_wait3A_809 : memref<128x16xf32, #tpu.memory_space<vmem>>) dst(%dma_wait3A_815 : memref<10112x16xf32, #tpu.memory_space<vmem_shared>>)
          %add3A_816 = arith.constant 4 : i32
          %add3A_817 = arith.addi %add3A_576, %add3A_816 : i32
          %dma_start3A_818 = arith.constant 5 : i32
          %dma_start3A_819 = arith.constant 0 : i32
          %dma_start3A_820 = arith.constant 0 : i32
          %dma_start3A_821 = tpu.memref_slice %arg8[%dma_start3A_818, %dma_start3A_819, %dma_start3A_820] : memref<8x128x16xf32, #tpu.memory_space<vmem>> -> memref<1x128x16xf32, #tpu.memory_space<vmem>>
          %dma_start3A_822 = tpu.memref_squeeze %dma_start3A_821 : memref<1x128x16xf32, #tpu.memory_space<vmem>> -> memref<128x16xf32, #tpu.memory_space<vmem>>
          %dma_start3A_823 = arith.constant 0 : i32
          %dma_start3A_824 = tpu.memref_slice %arg6[%add3A_817, %dma_start3A_823] : memref<80x128xi32, #tpu.memory_space<vmem>> -> memref<1x128xi32, #tpu.memory_space<vmem>>
          %dma_start3A_825 = tpu.memref_squeeze %dma_start3A_824 : memref<1x128xi32, #tpu.memory_space<vmem>> -> memref<128xi32, #tpu.memory_space<vmem>>
          %dma_start3A_826 = arith.constant 0 : i32
          %dma_start3A_827 = arith.constant 0 : i32
          %dma_start3A_828 = tpu.memref_slice %arg2[%dma_start3A_826, %dma_start3A_827] : memref<10000x16xf32, #tpu.memory_space<hbm>> -> memref<10000x16xf32, #tpu.memory_space<hbm>>
          tpu.enqueue_indirect_dma source(%dma_start3A_828 : memref<10000x16xf32, #tpu.memory_space<hbm>>) target(%dma_start3A_822 : memref<128x16xf32, #tpu.memory_space<vmem>>) offsets(%dma_start3A_825 : memref<128xi32, #tpu.memory_space<vmem>>) semaphore(%arg17 : memref<!tpu.dma_semaphore, #tpu.memory_space<semaphore_mem>>)
        } else {
        }
        %mul3A_606 = arith.constant 8 : i32
        %mul3A_607 = arith.muli %scan3A_539, %mul3A_606 : i32
        %add3A_608 = arith.constant 2 : i32
        %add3A_609 = arith.addi %mul3A_607, %add3A_608 : i32
        %dma_wait3A_610 = arith.constant 2 : i32
        %dma_wait3A_611 = arith.constant 0 : i32
        %dma_wait3A_612 = arith.constant 0 : i32
        %dma_wait3A_613 = tpu.memref_slice %arg8[%dma_wait3A_610, %dma_wait3A_611, %dma_wait3A_612] : memref<8x128x16xf32, #tpu.memory_space<vmem>> -> memref<1x128x16xf32, #tpu.memory_space<vmem>>
        %dma_wait3A_614 = tpu.memref_squeeze %dma_wait3A_613 : memref<1x128x16xf32, #tpu.memory_space<vmem>> -> memref<128x16xf32, #tpu.memory_space<vmem>>
        %dma_wait3A_615 = arith.constant 0 : i32
        %dma_wait3A_616 = tpu.memref_slice %arg6[%add3A_609, %dma_wait3A_615] : memref<80x128xi32, #tpu.memory_space<vmem>> -> memref<1x128xi32, #tpu.memory_space<vmem>>
        %dma_wait3A_617 = tpu.memref_squeeze %dma_wait3A_616 : memref<1x128xi32, #tpu.memory_space<vmem>> -> memref<128xi32, #tpu.memory_space<vmem>>
        %dma_wait3A_618 = arith.constant 0 : i32
        %dma_wait3A_619 = arith.constant 0 : i32
        %dma_wait3A_620 = tpu.memref_slice %arg2[%dma_wait3A_618, %dma_wait3A_619] : memref<10000x16xf32, #tpu.memory_space<hbm>> -> memref<10000x16xf32, #tpu.memory_space<hbm>>
        tpu.wait_indirect_dma semaphore(%arg14 : memref<!tpu.dma_semaphore, #tpu.memory_space<semaphore_mem>>) src(%dma_wait3A_620 : memref<10000x16xf32, #tpu.memory_space<hbm>>) dst(%dma_wait3A_614 : memref<128x16xf32, #tpu.memory_space<vmem>>)
        %dma_start3A_621 = arith.constant 2 : i32
        %dma_start3A_622 = arith.constant 0 : i32
        %dma_start3A_623 = arith.constant 0 : i32
        %dma_start3A_624 = tpu.memref_slice %arg8[%dma_start3A_621, %dma_start3A_622, %dma_start3A_623] : memref<8x128x16xf32, #tpu.memory_space<vmem>> -> memref<1x128x16xf32, #tpu.memory_space<vmem>>
        %dma_start3A_625 = tpu.memref_squeeze %dma_start3A_624 : memref<1x128x16xf32, #tpu.memory_space<vmem>> -> memref<128x16xf32, #tpu.memory_space<vmem>>
        %dma_start3A_626 = arith.constant 0 : i32
        %dma_start3A_627 = tpu.memref_slice %arg7[%add3A_609, %dma_start3A_626] : memref<80x128xi32, #tpu.memory_space<vmem>> -> memref<1x128xi32, #tpu.memory_space<vmem>>
        %dma_start3A_628 = tpu.memref_squeeze %dma_start3A_627 : memref<1x128xi32, #tpu.memory_space<vmem>> -> memref<128xi32, #tpu.memory_space<vmem>>
        %dma_start3A_629 = arith.constant 0 : i32
        %dma_start3A_630 = arith.constant 0 : i32
        %dma_start3A_631 = tpu.memref_slice %arg10[%dma_start3A_629, %dma_start3A_630] : memref<10112x16xf32, #tpu.memory_space<vmem_shared>> -> memref<10112x16xf32, #tpu.memory_space<vmem_shared>>
        tpu.enqueue_indirect_dma source(%dma_start3A_625 : memref<128x16xf32, #tpu.memory_space<vmem>>) target(%dma_start3A_631 : memref<10112x16xf32, #tpu.memory_space<vmem_shared>>) offsets(%dma_start3A_628 : memref<128xi32, #tpu.memory_space<vmem>>) semaphore(%arg22 : memref<!tpu.dma_semaphore, #tpu.memory_space<semaphore_mem>>) {add = true}
        %add3A_632 = arith.constant 4 : i32
        %add3A_633 = arith.addi %add3A_609, %add3A_632 : i32
        %lt3A_634 = arith.constant 80 : i32
        %lt3A_635 = arith.cmpi slt, %add3A_633, %lt3A_634 : i32
        %convert_element_type3A_636 = arith.extui %lt3A_635 : i1 to i32
        %cond3A_637 = arith.constant 0 : i32
        %cond3A_638 = arith.cmpi ne, %convert_element_type3A_636, %cond3A_637 : i32
        scf.if %cond3A_638 {
          %sub3A = arith.constant 4 : i32
          %sub3A_804 = arith.subi %add3A_609, %sub3A : i32
          %dma_wait3A_805 = arith.constant 6 : i32
          %dma_wait3A_806 = arith.constant 0 : i32
          %dma_wait3A_807 = arith.constant 0 : i32
          %dma_wait3A_808 = tpu.memref_slice %arg8[%dma_wait3A_805, %dma_wait3A_806, %dma_wait3A_807] : memref<8x128x16xf32, #tpu.memory_space<vmem>> -> memref<1x128x16xf32, #tpu.memory_space<vmem>>
          %dma_wait3A_809 = tpu.memref_squeeze %dma_wait3A_808 : memref<1x128x16xf32, #tpu.memory_space<vmem>> -> memref<128x16xf32, #tpu.memory_space<vmem>>
          %dma_wait3A_810 = arith.constant 0 : i32
          %dma_wait3A_811 = tpu.memref_slice %arg7[%sub3A_804, %dma_wait3A_810] : memref<80x128xi32, #tpu.memory_space<vmem>> -> memref<1x128xi32, #tpu.memory_space<vmem>>
          %dma_wait3A_812 = tpu.memref_squeeze %dma_wait3A_811 : memref<1x128xi32, #tpu.memory_space<vmem>> -> memref<128xi32, #tpu.memory_space<vmem>>
          %dma_wait3A_813 = arith.constant 0 : i32
          %dma_wait3A_814 = arith.constant 0 : i32
          %dma_wait3A_815 = tpu.memref_slice %arg10[%dma_wait3A_813, %dma_wait3A_814] : memref<10112x16xf32, #tpu.memory_space<vmem_shared>> -> memref<10112x16xf32, #tpu.memory_space<vmem_shared>>
          tpu.wait_indirect_dma semaphore(%arg26 : memref<!tpu.dma_semaphore, #tpu.memory_space<semaphore_mem>>) src(%dma_wait3A_809 : memref<128x16xf32, #tpu.memory_space<vmem>>) dst(%dma_wait3A_815 : memref<10112x16xf32, #tpu.memory_space<vmem_shared>>)
          %add3A_816 = arith.constant 4 : i32
          %add3A_817 = arith.addi %add3A_609, %add3A_816 : i32
          %dma_start3A_818 = arith.constant 6 : i32
          %dma_start3A_819 = arith.constant 0 : i32
          %dma_start3A_820 = arith.constant 0 : i32
          %dma_start3A_821 = tpu.memref_slice %arg8[%dma_start3A_818, %dma_start3A_819, %dma_start3A_820] : memref<8x128x16xf32, #tpu.memory_space<vmem>> -> memref<1x128x16xf32, #tpu.memory_space<vmem>>
          %dma_start3A_822 = tpu.memref_squeeze %dma_start3A_821 : memref<1x128x16xf32, #tpu.memory_space<vmem>> -> memref<128x16xf32, #tpu.memory_space<vmem>>
          %dma_start3A_823 = arith.constant 0 : i32
          %dma_start3A_824 = tpu.memref_slice %arg6[%add3A_817, %dma_start3A_823] : memref<80x128xi32, #tpu.memory_space<vmem>> -> memref<1x128xi32, #tpu.memory_space<vmem>>
          %dma_start3A_825 = tpu.memref_squeeze %dma_start3A_824 : memref<1x128xi32, #tpu.memory_space<vmem>> -> memref<128xi32, #tpu.memory_space<vmem>>
          %dma_start3A_826 = arith.constant 0 : i32
          %dma_start3A_827 = arith.constant 0 : i32
          %dma_start3A_828 = tpu.memref_slice %arg2[%dma_start3A_826, %dma_start3A_827] : memref<10000x16xf32, #tpu.memory_space<hbm>> -> memref<10000x16xf32, #tpu.memory_space<hbm>>
          tpu.enqueue_indirect_dma source(%dma_start3A_828 : memref<10000x16xf32, #tpu.memory_space<hbm>>) target(%dma_start3A_822 : memref<128x16xf32, #tpu.memory_space<vmem>>) offsets(%dma_start3A_825 : memref<128xi32, #tpu.memory_space<vmem>>) semaphore(%arg18 : memref<!tpu.dma_semaphore, #tpu.memory_space<semaphore_mem>>)
        } else {
        }
        %mul3A_639 = arith.constant 8 : i32
        %mul3A_640 = arith.muli %scan3A_539, %mul3A_639 : i32
        %add3A_641 = arith.constant 3 : i32
        %add3A_642 = arith.addi %mul3A_640, %add3A_641 : i32
        %dma_wait3A_643 = arith.constant 3 : i32
        %dma_wait3A_644 = arith.constant 0 : i32
        %dma_wait3A_645 = arith.constant 0 : i32
        %dma_wait3A_646 = tpu.memref_slice %arg8[%dma_wait3A_643, %dma_wait3A_644, %dma_wait3A_645] : memref<8x128x16xf32, #tpu.memory_space<vmem>> -> memref<1x128x16xf32, #tpu.memory_space<vmem>>
        %dma_wait3A_647 = tpu.memref_squeeze %dma_wait3A_646 : memref<1x128x16xf32, #tpu.memory_space<vmem>> -> memref<128x16xf32, #tpu.memory_space<vmem>>
        %dma_wait3A_648 = arith.constant 0 : i32
        %dma_wait3A_649 = tpu.memref_slice %arg6[%add3A_642, %dma_wait3A_648] : memref<80x128xi32, #tpu.memory_space<vmem>> -> memref<1x128xi32, #tpu.memory_space<vmem>>
        %dma_wait3A_650 = tpu.memref_squeeze %dma_wait3A_649 : memref<1x128xi32, #tpu.memory_space<vmem>> -> memref<128xi32, #tpu.memory_space<vmem>>
        %dma_wait3A_651 = arith.constant 0 : i32
        %dma_wait3A_652 = arith.constant 0 : i32
        %dma_wait3A_653 = tpu.memref_slice %arg2[%dma_wait3A_651, %dma_wait3A_652] : memref<10000x16xf32, #tpu.memory_space<hbm>> -> memref<10000x16xf32, #tpu.memory_space<hbm>>
        tpu.wait_indirect_dma semaphore(%arg15 : memref<!tpu.dma_semaphore, #tpu.memory_space<semaphore_mem>>) src(%dma_wait3A_653 : memref<10000x16xf32, #tpu.memory_space<hbm>>) dst(%dma_wait3A_647 : memref<128x16xf32, #tpu.memory_space<vmem>>)
        %dma_start3A_654 = arith.constant 3 : i32
        %dma_start3A_655 = arith.constant 0 : i32
        %dma_start3A_656 = arith.constant 0 : i32
        %dma_start3A_657 = tpu.memref_slice %arg8[%dma_start3A_654, %dma_start3A_655, %dma_start3A_656] : memref<8x128x16xf32, #tpu.memory_space<vmem>> -> memref<1x128x16xf32, #tpu.memory_space<vmem>>
        %dma_start3A_658 = tpu.memref_squeeze %dma_start3A_657 : memref<1x128x16xf32, #tpu.memory_space<vmem>> -> memref<128x16xf32, #tpu.memory_space<vmem>>
        %dma_start3A_659 = arith.constant 0 : i32
        %dma_start3A_660 = tpu.memref_slice %arg7[%add3A_642, %dma_start3A_659] : memref<80x128xi32, #tpu.memory_space<vmem>> -> memref<1x128xi32, #tpu.memory_space<vmem>>
        %dma_start3A_661 = tpu.memref_squeeze %dma_start3A_660 : memref<1x128xi32, #tpu.memory_space<vmem>> -> memref<128xi32, #tpu.memory_space<vmem>>
        %dma_start3A_662 = arith.constant 0 : i32
        %dma_start3A_663 = arith.constant 0 : i32
        %dma_start3A_664 = tpu.memref_slice %arg10[%dma_start3A_662, %dma_start3A_663] : memref<10112x16xf32, #tpu.memory_space<vmem_shared>> -> memref<10112x16xf32, #tpu.memory_space<vmem_shared>>
        tpu.enqueue_indirect_dma source(%dma_start3A_658 : memref<128x16xf32, #tpu.memory_space<vmem>>) target(%dma_start3A_664 : memref<10112x16xf32, #tpu.memory_space<vmem_shared>>) offsets(%dma_start3A_661 : memref<128xi32, #tpu.memory_space<vmem>>) semaphore(%arg23 : memref<!tpu.dma_semaphore, #tpu.memory_space<semaphore_mem>>) {add = true}
        %add3A_665 = arith.constant 4 : i32
        %add3A_666 = arith.addi %add3A_642, %add3A_665 : i32
        %lt3A_667 = arith.constant 80 : i32
        %lt3A_668 = arith.cmpi slt, %add3A_666, %lt3A_667 : i32
        %convert_element_type3A_669 = arith.extui %lt3A_668 : i1 to i32
        %cond3A_670 = arith.constant 0 : i32
        %cond3A_671 = arith.cmpi ne, %convert_element_type3A_669, %cond3A_670 : i32
        scf.if %cond3A_671 {
          %sub3A = arith.constant 4 : i32
          %sub3A_804 = arith.subi %add3A_642, %sub3A : i32
          %dma_wait3A_805 = arith.constant 7 : i32
          %dma_wait3A_806 = arith.constant 0 : i32
          %dma_wait3A_807 = arith.constant 0 : i32
          %dma_wait3A_808 = tpu.memref_slice %arg8[%dma_wait3A_805, %dma_wait3A_806, %dma_wait3A_807] : memref<8x128x16xf32, #tpu.memory_space<vmem>> -> memref<1x128x16xf32, #tpu.memory_space<vmem>>
          %dma_wait3A_809 = tpu.memref_squeeze %dma_wait3A_808 : memref<1x128x16xf32, #tpu.memory_space<vmem>> -> memref<128x16xf32, #tpu.memory_space<vmem>>
          %dma_wait3A_810 = arith.constant 0 : i32
          %dma_wait3A_811 = tpu.memref_slice %arg7[%sub3A_804, %dma_wait3A_810] : memref<80x128xi32, #tpu.memory_space<vmem>> -> memref<1x128xi32, #tpu.memory_space<vmem>>
          %dma_wait3A_812 = tpu.memref_squeeze %dma_wait3A_811 : memref<1x128xi32, #tpu.memory_space<vmem>> -> memref<128xi32, #tpu.memory_space<vmem>>
          %dma_wait3A_813 = arith.constant 0 : i32
          %dma_wait3A_814 = arith.constant 0 : i32
          %dma_wait3A_815 = tpu.memref_slice %arg10[%dma_wait3A_813, %dma_wait3A_814] : memref<10112x16xf32, #tpu.memory_space<vmem_shared>> -> memref<10112x16xf32, #tpu.memory_space<vmem_shared>>
          tpu.wait_indirect_dma semaphore(%arg27 : memref<!tpu.dma_semaphore, #tpu.memory_space<semaphore_mem>>) src(%dma_wait3A_809 : memref<128x16xf32, #tpu.memory_space<vmem>>) dst(%dma_wait3A_815 : memref<10112x16xf32, #tpu.memory_space<vmem_shared>>)
          %add3A_816 = arith.constant 4 : i32
          %add3A_817 = arith.addi %add3A_642, %add3A_816 : i32
          %dma_start3A_818 = arith.constant 7 : i32
          %dma_start3A_819 = arith.constant 0 : i32
          %dma_start3A_820 = arith.constant 0 : i32
          %dma_start3A_821 = tpu.memref_slice %arg8[%dma_start3A_818, %dma_start3A_819, %dma_start3A_820] : memref<8x128x16xf32, #tpu.memory_space<vmem>> -> memref<1x128x16xf32, #tpu.memory_space<vmem>>
          %dma_start3A_822 = tpu.memref_squeeze %dma_start3A_821 : memref<1x128x16xf32, #tpu.memory_space<vmem>> -> memref<128x16xf32, #tpu.memory_space<vmem>>
          %dma_start3A_823 = arith.constant 0 : i32
          %dma_start3A_824 = tpu.memref_slice %arg6[%add3A_817, %dma_start3A_823] : memref<80x128xi32, #tpu.memory_space<vmem>> -> memref<1x128xi32, #tpu.memory_space<vmem>>
          %dma_start3A_825 = tpu.memref_squeeze %dma_start3A_824 : memref<1x128xi32, #tpu.memory_space<vmem>> -> memref<128xi32, #tpu.memory_space<vmem>>
          %dma_start3A_826 = arith.constant 0 : i32
          %dma_start3A_827 = arith.constant 0 : i32
          %dma_start3A_828 = tpu.memref_slice %arg2[%dma_start3A_826, %dma_start3A_827] : memref<10000x16xf32, #tpu.memory_space<hbm>> -> memref<10000x16xf32, #tpu.memory_space<hbm>>
          tpu.enqueue_indirect_dma source(%dma_start3A_828 : memref<10000x16xf32, #tpu.memory_space<hbm>>) target(%dma_start3A_822 : memref<128x16xf32, #tpu.memory_space<vmem>>) offsets(%dma_start3A_825 : memref<128xi32, #tpu.memory_space<vmem>>) semaphore(%arg19 : memref<!tpu.dma_semaphore, #tpu.memory_space<semaphore_mem>>)
        } else {
        }
        %mul3A_672 = arith.constant 8 : i32
        %mul3A_673 = arith.muli %scan3A_539, %mul3A_672 : i32
        %add3A_674 = arith.constant 4 : i32
        %add3A_675 = arith.addi %mul3A_673, %add3A_674 : i32
        %dma_wait3A_676 = arith.constant 4 : i32
        %dma_wait3A_677 = arith.constant 0 : i32
        %dma_wait3A_678 = arith.constant 0 : i32
        %dma_wait3A_679 = tpu.memref_slice %arg8[%dma_wait3A_676, %dma_wait3A_677, %dma_wait3A_678] : memref<8x128x16xf32, #tpu.memory_space<vmem>> -> memref<1x128x16xf32, #tpu.memory_space<vmem>>
        %dma_wait3A_680 = tpu.memref_squeeze %dma_wait3A_679 : memref<1x128x16xf32, #tpu.memory_space<vmem>> -> memref<128x16xf32, #tpu.memory_space<vmem>>
        %dma_wait3A_681 = arith.constant 0 : i32
        %dma_wait3A_682 = tpu.memref_slice %arg6[%add3A_675, %dma_wait3A_681] : memref<80x128xi32, #tpu.memory_space<vmem>> -> memref<1x128xi32, #tpu.memory_space<vmem>>
        %dma_wait3A_683 = tpu.memref_squeeze %dma_wait3A_682 : memref<1x128xi32, #tpu.memory_space<vmem>> -> memref<128xi32, #tpu.memory_space<vmem>>
        %dma_wait3A_684 = arith.constant 0 : i32
        %dma_wait3A_685 = arith.constant 0 : i32
        %dma_wait3A_686 = tpu.memref_slice %arg2[%dma_wait3A_684, %dma_wait3A_685] : memref<10000x16xf32, #tpu.memory_space<hbm>> -> memref<10000x16xf32, #tpu.memory_space<hbm>>
        tpu.wait_indirect_dma semaphore(%arg16 : memref<!tpu.dma_semaphore, #tpu.memory_space<semaphore_mem>>) src(%dma_wait3A_686 : memref<10000x16xf32, #tpu.memory_space<hbm>>) dst(%dma_wait3A_680 : memref<128x16xf32, #tpu.memory_space<vmem>>)
        %dma_start3A_687 = arith.constant 4 : i32
        %dma_start3A_688 = arith.constant 0 : i32
        %dma_start3A_689 = arith.constant 0 : i32
        %dma_start3A_690 = tpu.memref_slice %arg8[%dma_start3A_687, %dma_start3A_688, %dma_start3A_689] : memref<8x128x16xf32, #tpu.memory_space<vmem>> -> memref<1x128x16xf32, #tpu.memory_space<vmem>>
        %dma_start3A_691 = tpu.memref_squeeze %dma_start3A_690 : memref<1x128x16xf32, #tpu.memory_space<vmem>> -> memref<128x16xf32, #tpu.memory_space<vmem>>
        %dma_start3A_692 = arith.constant 0 : i32
        %dma_start3A_693 = tpu.memref_slice %arg7[%add3A_675, %dma_start3A_692] : memref<80x128xi32, #tpu.memory_space<vmem>> -> memref<1x128xi32, #tpu.memory_space<vmem>>
        %dma_start3A_694 = tpu.memref_squeeze %dma_start3A_693 : memref<1x128xi32, #tpu.memory_space<vmem>> -> memref<128xi32, #tpu.memory_space<vmem>>
        %dma_start3A_695 = arith.constant 0 : i32
        %dma_start3A_696 = arith.constant 0 : i32
        %dma_start3A_697 = tpu.memref_slice %arg10[%dma_start3A_695, %dma_start3A_696] : memref<10112x16xf32, #tpu.memory_space<vmem_shared>> -> memref<10112x16xf32, #tpu.memory_space<vmem_shared>>
        tpu.enqueue_indirect_dma source(%dma_start3A_691 : memref<128x16xf32, #tpu.memory_space<vmem>>) target(%dma_start3A_697 : memref<10112x16xf32, #tpu.memory_space<vmem_shared>>) offsets(%dma_start3A_694 : memref<128xi32, #tpu.memory_space<vmem>>) semaphore(%arg24 : memref<!tpu.dma_semaphore, #tpu.memory_space<semaphore_mem>>) {add = true}
        %add3A_698 = arith.constant 4 : i32
        %add3A_699 = arith.addi %add3A_675, %add3A_698 : i32
        %lt3A_700 = arith.constant 80 : i32
        %lt3A_701 = arith.cmpi slt, %add3A_699, %lt3A_700 : i32
        %convert_element_type3A_702 = arith.extui %lt3A_701 : i1 to i32
        %cond3A_703 = arith.constant 0 : i32
        %cond3A_704 = arith.cmpi ne, %convert_element_type3A_702, %cond3A_703 : i32
        scf.if %cond3A_704 {
          %sub3A = arith.constant 4 : i32
          %sub3A_804 = arith.subi %add3A_675, %sub3A : i32
          %dma_wait3A_805 = arith.constant 0 : i32
          %dma_wait3A_806 = arith.constant 0 : i32
          %dma_wait3A_807 = arith.constant 0 : i32
          %dma_wait3A_808 = tpu.memref_slice %arg8[%dma_wait3A_805, %dma_wait3A_806, %dma_wait3A_807] : memref<8x128x16xf32, #tpu.memory_space<vmem>> -> memref<1x128x16xf32, #tpu.memory_space<vmem>>
          %dma_wait3A_809 = tpu.memref_squeeze %dma_wait3A_808 : memref<1x128x16xf32, #tpu.memory_space<vmem>> -> memref<128x16xf32, #tpu.memory_space<vmem>>
          %dma_wait3A_810 = arith.constant 0 : i32
          %dma_wait3A_811 = tpu.memref_slice %arg7[%sub3A_804, %dma_wait3A_810] : memref<80x128xi32, #tpu.memory_space<vmem>> -> memref<1x128xi32, #tpu.memory_space<vmem>>
          %dma_wait3A_812 = tpu.memref_squeeze %dma_wait3A_811 : memref<1x128xi32, #tpu.memory_space<vmem>> -> memref<128xi32, #tpu.memory_space<vmem>>
          %dma_wait3A_813 = arith.constant 0 : i32
          %dma_wait3A_814 = arith.constant 0 : i32
          %dma_wait3A_815 = tpu.memref_slice %arg10[%dma_wait3A_813, %dma_wait3A_814] : memref<10112x16xf32, #tpu.memory_space<vmem_shared>> -> memref<10112x16xf32, #tpu.memory_space<vmem_shared>>
          tpu.wait_indirect_dma semaphore(%arg20 : memref<!tpu.dma_semaphore, #tpu.memory_space<semaphore_mem>>) src(%dma_wait3A_809 : memref<128x16xf32, #tpu.memory_space<vmem>>) dst(%dma_wait3A_815 : memref<10112x16xf32, #tpu.memory_space<vmem_shared>>)
          %add3A_816 = arith.constant 4 : i32
          %add3A_817 = arith.addi %add3A_675, %add3A_816 : i32
          %dma_start3A_818 = arith.constant 0 : i32
          %dma_start3A_819 = arith.constant 0 : i32
          %dma_start3A_820 = arith.constant 0 : i32
          %dma_start3A_821 = tpu.memref_slice %arg8[%dma_start3A_818, %dma_start3A_819, %dma_start3A_820] : memref<8x128x16xf32, #tpu.memory_space<vmem>> -> memref<1x128x16xf32, #tpu.memory_space<vmem>>
          %dma_start3A_822 = tpu.memref_squeeze %dma_start3A_821 : memref<1x128x16xf32, #tpu.memory_space<vmem>> -> memref<128x16xf32, #tpu.memory_space<vmem>>
          %dma_start3A_823 = arith.constant 0 : i32
          %dma_start3A_824 = tpu.memref_slice %arg6[%add3A_817, %dma_start3A_823] : memref<80x128xi32, #tpu.memory_space<vmem>> -> memref<1x128xi32, #tpu.memory_space<vmem>>
          %dma_start3A_825 = tpu.memref_squeeze %dma_start3A_824 : memref<1x128xi32, #tpu.memory_space<vmem>> -> memref<128xi32, #tpu.memory_space<vmem>>
          %dma_start3A_826 = arith.constant 0 : i32
          %dma_start3A_827 = arith.constant 0 : i32
          %dma_start3A_828 = tpu.memref_slice %arg2[%dma_start3A_826, %dma_start3A_827] : memref<10000x16xf32, #tpu.memory_space<hbm>> -> memref<10000x16xf32, #tpu.memory_space<hbm>>
          tpu.enqueue_indirect_dma source(%dma_start3A_828 : memref<10000x16xf32, #tpu.memory_space<hbm>>) target(%dma_start3A_822 : memref<128x16xf32, #tpu.memory_space<vmem>>) offsets(%dma_start3A_825 : memref<128xi32, #tpu.memory_space<vmem>>) semaphore(%arg12 : memref<!tpu.dma_semaphore, #tpu.memory_space<semaphore_mem>>)
        } else {
        }
        %mul3A_705 = arith.constant 8 : i32
        %mul3A_706 = arith.muli %scan3A_539, %mul3A_705 : i32
        %add3A_707 = arith.constant 5 : i32
        %add3A_708 = arith.addi %mul3A_706, %add3A_707 : i32
        %dma_wait3A_709 = arith.constant 5 : i32
        %dma_wait3A_710 = arith.constant 0 : i32
        %dma_wait3A_711 = arith.constant 0 : i32
        %dma_wait3A_712 = tpu.memref_slice %arg8[%dma_wait3A_709, %dma_wait3A_710, %dma_wait3A_711] : memref<8x128x16xf32, #tpu.memory_space<vmem>> -> memref<1x128x16xf32, #tpu.memory_space<vmem>>
        %dma_wait3A_713 = tpu.memref_squeeze %dma_wait3A_712 : memref<1x128x16xf32, #tpu.memory_space<vmem>> -> memref<128x16xf32, #tpu.memory_space<vmem>>
        %dma_wait3A_714 = arith.constant 0 : i32
        %dma_wait3A_715 = tpu.memref_slice %arg6[%add3A_708, %dma_wait3A_714] : memref<80x128xi32, #tpu.memory_space<vmem>> -> memref<1x128xi32, #tpu.memory_space<vmem>>
        %dma_wait3A_716 = tpu.memref_squeeze %dma_wait3A_715 : memref<1x128xi32, #tpu.memory_space<vmem>> -> memref<128xi32, #tpu.memory_space<vmem>>
        %dma_wait3A_717 = arith.constant 0 : i32
        %dma_wait3A_718 = arith.constant 0 : i32
        %dma_wait3A_719 = tpu.memref_slice %arg2[%dma_wait3A_717, %dma_wait3A_718] : memref<10000x16xf32, #tpu.memory_space<hbm>> -> memref<10000x16xf32, #tpu.memory_space<hbm>>
        tpu.wait_indirect_dma semaphore(%arg17 : memref<!tpu.dma_semaphore, #tpu.memory_space<semaphore_mem>>) src(%dma_wait3A_719 : memref<10000x16xf32, #tpu.memory_space<hbm>>) dst(%dma_wait3A_713 : memref<128x16xf32, #tpu.memory_space<vmem>>)
        %dma_start3A_720 = arith.constant 5 : i32
        %dma_start3A_721 = arith.constant 0 : i32
        %dma_start3A_722 = arith.constant 0 : i32
        %dma_start3A_723 = tpu.memref_slice %arg8[%dma_start3A_720, %dma_start3A_721, %dma_start3A_722] : memref<8x128x16xf32, #tpu.memory_space<vmem>> -> memref<1x128x16xf32, #tpu.memory_space<vmem>>
        %dma_start3A_724 = tpu.memref_squeeze %dma_start3A_723 : memref<1x128x16xf32, #tpu.memory_space<vmem>> -> memref<128x16xf32, #tpu.memory_space<vmem>>
        %dma_start3A_725 = arith.constant 0 : i32
        %dma_start3A_726 = tpu.memref_slice %arg7[%add3A_708, %dma_start3A_725] : memref<80x128xi32, #tpu.memory_space<vmem>> -> memref<1x128xi32, #tpu.memory_space<vmem>>
        %dma_start3A_727 = tpu.memref_squeeze %dma_start3A_726 : memref<1x128xi32, #tpu.memory_space<vmem>> -> memref<128xi32, #tpu.memory_space<vmem>>
        %dma_start3A_728 = arith.constant 0 : i32
        %dma_start3A_729 = arith.constant 0 : i32
        %dma_start3A_730 = tpu.memref_slice %arg10[%dma_start3A_728, %dma_start3A_729] : memref<10112x16xf32, #tpu.memory_space<vmem_shared>> -> memref<10112x16xf32, #tpu.memory_space<vmem_shared>>
        tpu.enqueue_indirect_dma source(%dma_start3A_724 : memref<128x16xf32, #tpu.memory_space<vmem>>) target(%dma_start3A_730 : memref<10112x16xf32, #tpu.memory_space<vmem_shared>>) offsets(%dma_start3A_727 : memref<128xi32, #tpu.memory_space<vmem>>) semaphore(%arg25 : memref<!tpu.dma_semaphore, #tpu.memory_space<semaphore_mem>>) {add = true}
        %add3A_731 = arith.constant 4 : i32
        %add3A_732 = arith.addi %add3A_708, %add3A_731 : i32
        %lt3A_733 = arith.constant 80 : i32
        %lt3A_734 = arith.cmpi slt, %add3A_732, %lt3A_733 : i32
        %convert_element_type3A_735 = arith.extui %lt3A_734 : i1 to i32
        %cond3A_736 = arith.constant 0 : i32
        %cond3A_737 = arith.cmpi ne, %convert_element_type3A_735, %cond3A_736 : i32
        scf.if %cond3A_737 {
          %sub3A = arith.constant 4 : i32
          %sub3A_804 = arith.subi %add3A_708, %sub3A : i32
          %dma_wait3A_805 = arith.constant 1 : i32
          %dma_wait3A_806 = arith.constant 0 : i32
          %dma_wait3A_807 = arith.constant 0 : i32
          %dma_wait3A_808 = tpu.memref_slice %arg8[%dma_wait3A_805, %dma_wait3A_806, %dma_wait3A_807] : memref<8x128x16xf32, #tpu.memory_space<vmem>> -> memref<1x128x16xf32, #tpu.memory_space<vmem>>
          %dma_wait3A_809 = tpu.memref_squeeze %dma_wait3A_808 : memref<1x128x16xf32, #tpu.memory_space<vmem>> -> memref<128x16xf32, #tpu.memory_space<vmem>>
          %dma_wait3A_810 = arith.constant 0 : i32
          %dma_wait3A_811 = tpu.memref_slice %arg7[%sub3A_804, %dma_wait3A_810] : memref<80x128xi32, #tpu.memory_space<vmem>> -> memref<1x128xi32, #tpu.memory_space<vmem>>
          %dma_wait3A_812 = tpu.memref_squeeze %dma_wait3A_811 : memref<1x128xi32, #tpu.memory_space<vmem>> -> memref<128xi32, #tpu.memory_space<vmem>>
          %dma_wait3A_813 = arith.constant 0 : i32
          %dma_wait3A_814 = arith.constant 0 : i32
          %dma_wait3A_815 = tpu.memref_slice %arg10[%dma_wait3A_813, %dma_wait3A_814] : memref<10112x16xf32, #tpu.memory_space<vmem_shared>> -> memref<10112x16xf32, #tpu.memory_space<vmem_shared>>
          tpu.wait_indirect_dma semaphore(%arg21 : memref<!tpu.dma_semaphore, #tpu.memory_space<semaphore_mem>>) src(%dma_wait3A_809 : memref<128x16xf32, #tpu.memory_space<vmem>>) dst(%dma_wait3A_815 : memref<10112x16xf32, #tpu.memory_space<vmem_shared>>)
          %add3A_816 = arith.constant 4 : i32
          %add3A_817 = arith.addi %add3A_708, %add3A_816 : i32
          %dma_start3A_818 = arith.constant 1 : i32
          %dma_start3A_819 = arith.constant 0 : i32
          %dma_start3A_820 = arith.constant 0 : i32
          %dma_start3A_821 = tpu.memref_slice %arg8[%dma_start3A_818, %dma_start3A_819, %dma_start3A_820] : memref<8x128x16xf32, #tpu.memory_space<vmem>> -> memref<1x128x16xf32, #tpu.memory_space<vmem>>
          %dma_start3A_822 = tpu.memref_squeeze %dma_start3A_821 : memref<1x128x16xf32, #tpu.memory_space<vmem>> -> memref<128x16xf32, #tpu.memory_space<vmem>>
          %dma_start3A_823 = arith.constant 0 : i32
          %dma_start3A_824 = tpu.memref_slice %arg6[%add3A_817, %dma_start3A_823] : memref<80x128xi32, #tpu.memory_space<vmem>> -> memref<1x128xi32, #tpu.memory_space<vmem>>
          %dma_start3A_825 = tpu.memref_squeeze %dma_start3A_824 : memref<1x128xi32, #tpu.memory_space<vmem>> -> memref<128xi32, #tpu.memory_space<vmem>>
          %dma_start3A_826 = arith.constant 0 : i32
          %dma_start3A_827 = arith.constant 0 : i32
          %dma_start3A_828 = tpu.memref_slice %arg2[%dma_start3A_826, %dma_start3A_827] : memref<10000x16xf32, #tpu.memory_space<hbm>> -> memref<10000x16xf32, #tpu.memory_space<hbm>>
          tpu.enqueue_indirect_dma source(%dma_start3A_828 : memref<10000x16xf32, #tpu.memory_space<hbm>>) target(%dma_start3A_822 : memref<128x16xf32, #tpu.memory_space<vmem>>) offsets(%dma_start3A_825 : memref<128xi32, #tpu.memory_space<vmem>>) semaphore(%arg13 : memref<!tpu.dma_semaphore, #tpu.memory_space<semaphore_mem>>)
        } else {
        }
        %mul3A_738 = arith.constant 8 : i32
        %mul3A_739 = arith.muli %scan3A_539, %mul3A_738 : i32
        %add3A_740 = arith.constant 6 : i32
        %add3A_741 = arith.addi %mul3A_739, %add3A_740 : i32
        %dma_wait3A_742 = arith.constant 6 : i32
        %dma_wait3A_743 = arith.constant 0 : i32
        %dma_wait3A_744 = arith.constant 0 : i32
        %dma_wait3A_745 = tpu.memref_slice %arg8[%dma_wait3A_742, %dma_wait3A_743, %dma_wait3A_744] : memref<8x128x16xf32, #tpu.memory_space<vmem>> -> memref<1x128x16xf32, #tpu.memory_space<vmem>>
        %dma_wait3A_746 = tpu.memref_squeeze %dma_wait3A_745 : memref<1x128x16xf32, #tpu.memory_space<vmem>> -> memref<128x16xf32, #tpu.memory_space<vmem>>
        %dma_wait3A_747 = arith.constant 0 : i32
        %dma_wait3A_748 = tpu.memref_slice %arg6[%add3A_741, %dma_wait3A_747] : memref<80x128xi32, #tpu.memory_space<vmem>> -> memref<1x128xi32, #tpu.memory_space<vmem>>
        %dma_wait3A_749 = tpu.memref_squeeze %dma_wait3A_748 : memref<1x128xi32, #tpu.memory_space<vmem>> -> memref<128xi32, #tpu.memory_space<vmem>>
        %dma_wait3A_750 = arith.constant 0 : i32
        %dma_wait3A_751 = arith.constant 0 : i32
        %dma_wait3A_752 = tpu.memref_slice %arg2[%dma_wait3A_750, %dma_wait3A_751] : memref<10000x16xf32, #tpu.memory_space<hbm>> -> memref<10000x16xf32, #tpu.memory_space<hbm>>
        tpu.wait_indirect_dma semaphore(%arg18 : memref<!tpu.dma_semaphore, #tpu.memory_space<semaphore_mem>>) src(%dma_wait3A_752 : memref<10000x16xf32, #tpu.memory_space<hbm>>) dst(%dma_wait3A_746 : memref<128x16xf32, #tpu.memory_space<vmem>>)
        %dma_start3A_753 = arith.constant 6 : i32
        %dma_start3A_754 = arith.constant 0 : i32
        %dma_start3A_755 = arith.constant 0 : i32
        %dma_start3A_756 = tpu.memref_slice %arg8[%dma_start3A_753, %dma_start3A_754, %dma_start3A_755] : memref<8x128x16xf32, #tpu.memory_space<vmem>> -> memref<1x128x16xf32, #tpu.memory_space<vmem>>
        %dma_start3A_757 = tpu.memref_squeeze %dma_start3A_756 : memref<1x128x16xf32, #tpu.memory_space<vmem>> -> memref<128x16xf32, #tpu.memory_space<vmem>>
        %dma_start3A_758 = arith.constant 0 : i32
        %dma_start3A_759 = tpu.memref_slice %arg7[%add3A_741, %dma_start3A_758] : memref<80x128xi32, #tpu.memory_space<vmem>> -> memref<1x128xi32, #tpu.memory_space<vmem>>
        %dma_start3A_760 = tpu.memref_squeeze %dma_start3A_759 : memref<1x128xi32, #tpu.memory_space<vmem>> -> memref<128xi32, #tpu.memory_space<vmem>>
        %dma_start3A_761 = arith.constant 0 : i32
        %dma_start3A_762 = arith.constant 0 : i32
        %dma_start3A_763 = tpu.memref_slice %arg10[%dma_start3A_761, %dma_start3A_762] : memref<10112x16xf32, #tpu.memory_space<vmem_shared>> -> memref<10112x16xf32, #tpu.memory_space<vmem_shared>>
        tpu.enqueue_indirect_dma source(%dma_start3A_757 : memref<128x16xf32, #tpu.memory_space<vmem>>) target(%dma_start3A_763 : memref<10112x16xf32, #tpu.memory_space<vmem_shared>>) offsets(%dma_start3A_760 : memref<128xi32, #tpu.memory_space<vmem>>) semaphore(%arg26 : memref<!tpu.dma_semaphore, #tpu.memory_space<semaphore_mem>>) {add = true}
        %add3A_764 = arith.constant 4 : i32
        %add3A_765 = arith.addi %add3A_741, %add3A_764 : i32
        %lt3A_766 = arith.constant 80 : i32
        %lt3A_767 = arith.cmpi slt, %add3A_765, %lt3A_766 : i32
        %convert_element_type3A_768 = arith.extui %lt3A_767 : i1 to i32
        %cond3A_769 = arith.constant 0 : i32
        %cond3A_770 = arith.cmpi ne, %convert_element_type3A_768, %cond3A_769 : i32
        scf.if %cond3A_770 {
          %sub3A = arith.constant 4 : i32
          %sub3A_804 = arith.subi %add3A_741, %sub3A : i32
          %dma_wait3A_805 = arith.constant 2 : i32
          %dma_wait3A_806 = arith.constant 0 : i32
          %dma_wait3A_807 = arith.constant 0 : i32
          %dma_wait3A_808 = tpu.memref_slice %arg8[%dma_wait3A_805, %dma_wait3A_806, %dma_wait3A_807] : memref<8x128x16xf32, #tpu.memory_space<vmem>> -> memref<1x128x16xf32, #tpu.memory_space<vmem>>
          %dma_wait3A_809 = tpu.memref_squeeze %dma_wait3A_808 : memref<1x128x16xf32, #tpu.memory_space<vmem>> -> memref<128x16xf32, #tpu.memory_space<vmem>>
          %dma_wait3A_810 = arith.constant 0 : i32
          %dma_wait3A_811 = tpu.memref_slice %arg7[%sub3A_804, %dma_wait3A_810] : memref<80x128xi32, #tpu.memory_space<vmem>> -> memref<1x128xi32, #tpu.memory_space<vmem>>
          %dma_wait3A_812 = tpu.memref_squeeze %dma_wait3A_811 : memref<1x128xi32, #tpu.memory_space<vmem>> -> memref<128xi32, #tpu.memory_space<vmem>>
          %dma_wait3A_813 = arith.constant 0 : i32
          %dma_wait3A_814 = arith.constant 0 : i32
          %dma_wait3A_815 = tpu.memref_slice %arg10[%dma_wait3A_813, %dma_wait3A_814] : memref<10112x16xf32, #tpu.memory_space<vmem_shared>> -> memref<10112x16xf32, #tpu.memory_space<vmem_shared>>
          tpu.wait_indirect_dma semaphore(%arg22 : memref<!tpu.dma_semaphore, #tpu.memory_space<semaphore_mem>>) src(%dma_wait3A_809 : memref<128x16xf32, #tpu.memory_space<vmem>>) dst(%dma_wait3A_815 : memref<10112x16xf32, #tpu.memory_space<vmem_shared>>)
          %add3A_816 = arith.constant 4 : i32
          %add3A_817 = arith.addi %add3A_741, %add3A_816 : i32
          %dma_start3A_818 = arith.constant 2 : i32
          %dma_start3A_819 = arith.constant 0 : i32
          %dma_start3A_820 = arith.constant 0 : i32
          %dma_start3A_821 = tpu.memref_slice %arg8[%dma_start3A_818, %dma_start3A_819, %dma_start3A_820] : memref<8x128x16xf32, #tpu.memory_space<vmem>> -> memref<1x128x16xf32, #tpu.memory_space<vmem>>
          %dma_start3A_822 = tpu.memref_squeeze %dma_start3A_821 : memref<1x128x16xf32, #tpu.memory_space<vmem>> -> memref<128x16xf32, #tpu.memory_space<vmem>>
          %dma_start3A_823 = arith.constant 0 : i32
          %dma_start3A_824 = tpu.memref_slice %arg6[%add3A_817, %dma_start3A_823] : memref<80x128xi32, #tpu.memory_space<vmem>> -> memref<1x128xi32, #tpu.memory_space<vmem>>
          %dma_start3A_825 = tpu.memref_squeeze %dma_start3A_824 : memref<1x128xi32, #tpu.memory_space<vmem>> -> memref<128xi32, #tpu.memory_space<vmem>>
          %dma_start3A_826 = arith.constant 0 : i32
          %dma_start3A_827 = arith.constant 0 : i32
          %dma_start3A_828 = tpu.memref_slice %arg2[%dma_start3A_826, %dma_start3A_827] : memref<10000x16xf32, #tpu.memory_space<hbm>> -> memref<10000x16xf32, #tpu.memory_space<hbm>>
          tpu.enqueue_indirect_dma source(%dma_start3A_828 : memref<10000x16xf32, #tpu.memory_space<hbm>>) target(%dma_start3A_822 : memref<128x16xf32, #tpu.memory_space<vmem>>) offsets(%dma_start3A_825 : memref<128xi32, #tpu.memory_space<vmem>>) semaphore(%arg14 : memref<!tpu.dma_semaphore, #tpu.memory_space<semaphore_mem>>)
        } else {
        }
        %mul3A_771 = arith.constant 8 : i32
        %mul3A_772 = arith.muli %scan3A_539, %mul3A_771 : i32
        %add3A_773 = arith.constant 7 : i32
        %add3A_774 = arith.addi %mul3A_772, %add3A_773 : i32
        %dma_wait3A_775 = arith.constant 7 : i32
        %dma_wait3A_776 = arith.constant 0 : i32
        %dma_wait3A_777 = arith.constant 0 : i32
        %dma_wait3A_778 = tpu.memref_slice %arg8[%dma_wait3A_775, %dma_wait3A_776, %dma_wait3A_777] : memref<8x128x16xf32, #tpu.memory_space<vmem>> -> memref<1x128x16xf32, #tpu.memory_space<vmem>>
        %dma_wait3A_779 = tpu.memref_squeeze %dma_wait3A_778 : memref<1x128x16xf32, #tpu.memory_space<vmem>> -> memref<128x16xf32, #tpu.memory_space<vmem>>
        %dma_wait3A_780 = arith.constant 0 : i32
        %dma_wait3A_781 = tpu.memref_slice %arg6[%add3A_774, %dma_wait3A_780] : memref<80x128xi32, #tpu.memory_space<vmem>> -> memref<1x128xi32, #tpu.memory_space<vmem>>
        %dma_wait3A_782 = tpu.memref_squeeze %dma_wait3A_781 : memref<1x128xi32, #tpu.memory_space<vmem>> -> memref<128xi32, #tpu.memory_space<vmem>>
        %dma_wait3A_783 = arith.constant 0 : i32
        %dma_wait3A_784 = arith.constant 0 : i32
        %dma_wait3A_785 = tpu.memref_slice %arg2[%dma_wait3A_783, %dma_wait3A_784] : memref<10000x16xf32, #tpu.memory_space<hbm>> -> memref<10000x16xf32, #tpu.memory_space<hbm>>
        tpu.wait_indirect_dma semaphore(%arg19 : memref<!tpu.dma_semaphore, #tpu.memory_space<semaphore_mem>>) src(%dma_wait3A_785 : memref<10000x16xf32, #tpu.memory_space<hbm>>) dst(%dma_wait3A_779 : memref<128x16xf32, #tpu.memory_space<vmem>>)
        %dma_start3A_786 = arith.constant 7 : i32
        %dma_start3A_787 = arith.constant 0 : i32
        %dma_start3A_788 = arith.constant 0 : i32
        %dma_start3A_789 = tpu.memref_slice %arg8[%dma_start3A_786, %dma_start3A_787, %dma_start3A_788] : memref<8x128x16xf32, #tpu.memory_space<vmem>> -> memref<1x128x16xf32, #tpu.memory_space<vmem>>
        %dma_start3A_790 = tpu.memref_squeeze %dma_start3A_789 : memref<1x128x16xf32, #tpu.memory_space<vmem>> -> memref<128x16xf32, #tpu.memory_space<vmem>>
        %dma_start3A_791 = arith.constant 0 : i32
        %dma_start3A_792 = tpu.memref_slice %arg7[%add3A_774, %dma_start3A_791] : memref<80x128xi32, #tpu.memory_space<vmem>> -> memref<1x128xi32, #tpu.memory_space<vmem>>
        %dma_start3A_793 = tpu.memref_squeeze %dma_start3A_792 : memref<1x128xi32, #tpu.memory_space<vmem>> -> memref<128xi32, #tpu.memory_space<vmem>>
        %dma_start3A_794 = arith.constant 0 : i32
        %dma_start3A_795 = arith.constant 0 : i32
        %dma_start3A_796 = tpu.memref_slice %arg10[%dma_start3A_794, %dma_start3A_795] : memref<10112x16xf32, #tpu.memory_space<vmem_shared>> -> memref<10112x16xf32, #tpu.memory_space<vmem_shared>>
        tpu.enqueue_indirect_dma source(%dma_start3A_790 : memref<128x16xf32, #tpu.memory_space<vmem>>) target(%dma_start3A_796 : memref<10112x16xf32, #tpu.memory_space<vmem_shared>>) offsets(%dma_start3A_793 : memref<128xi32, #tpu.memory_space<vmem>>) semaphore(%arg27 : memref<!tpu.dma_semaphore, #tpu.memory_space<semaphore_mem>>) {add = true}
        %add3A_797 = arith.constant 4 : i32
        %add3A_798 = arith.addi %add3A_774, %add3A_797 : i32
        %lt3A_799 = arith.constant 80 : i32
        %lt3A_800 = arith.cmpi slt, %add3A_798, %lt3A_799 : i32
        %convert_element_type3A_801 = arith.extui %lt3A_800 : i1 to i32
        %cond3A_802 = arith.constant 0 : i32
        %cond3A_803 = arith.cmpi ne, %convert_element_type3A_801, %cond3A_802 : i32
        scf.if %cond3A_803 {
          %sub3A = arith.constant 4 : i32
          %sub3A_804 = arith.subi %add3A_774, %sub3A : i32
          %dma_wait3A_805 = arith.constant 3 : i32
          %dma_wait3A_806 = arith.constant 0 : i32
          %dma_wait3A_807 = arith.constant 0 : i32
          %dma_wait3A_808 = tpu.memref_slice %arg8[%dma_wait3A_805, %dma_wait3A_806, %dma_wait3A_807] : memref<8x128x16xf32, #tpu.memory_space<vmem>> -> memref<1x128x16xf32, #tpu.memory_space<vmem>>
          %dma_wait3A_809 = tpu.memref_squeeze %dma_wait3A_808 : memref<1x128x16xf32, #tpu.memory_space<vmem>> -> memref<128x16xf32, #tpu.memory_space<vmem>>
          %dma_wait3A_810 = arith.constant 0 : i32
          %dma_wait3A_811 = tpu.memref_slice %arg7[%sub3A_804, %dma_wait3A_810] : memref<80x128xi32, #tpu.memory_space<vmem>> -> memref<1x128xi32, #tpu.memory_space<vmem>>
          %dma_wait3A_812 = tpu.memref_squeeze %dma_wait3A_811 : memref<1x128xi32, #tpu.memory_space<vmem>> -> memref<128xi32, #tpu.memory_space<vmem>>
          %dma_wait3A_813 = arith.constant 0 : i32
          %dma_wait3A_814 = arith.constant 0 : i32
          %dma_wait3A_815 = tpu.memref_slice %arg10[%dma_wait3A_813, %dma_wait3A_814] : memref<10112x16xf32, #tpu.memory_space<vmem_shared>> -> memref<10112x16xf32, #tpu.memory_space<vmem_shared>>
          tpu.wait_indirect_dma semaphore(%arg23 : memref<!tpu.dma_semaphore, #tpu.memory_space<semaphore_mem>>) src(%dma_wait3A_809 : memref<128x16xf32, #tpu.memory_space<vmem>>) dst(%dma_wait3A_815 : memref<10112x16xf32, #tpu.memory_space<vmem_shared>>)
          %add3A_816 = arith.constant 4 : i32
          %add3A_817 = arith.addi %add3A_774, %add3A_816 : i32
          %dma_start3A_818 = arith.constant 3 : i32
          %dma_start3A_819 = arith.constant 0 : i32
          %dma_start3A_820 = arith.constant 0 : i32
          %dma_start3A_821 = tpu.memref_slice %arg8[%dma_start3A_818, %dma_start3A_819, %dma_start3A_820] : memref<8x128x16xf32, #tpu.memory_space<vmem>> -> memref<1x128x16xf32, #tpu.memory_space<vmem>>
          %dma_start3A_822 = tpu.memref_squeeze %dma_start3A_821 : memref<1x128x16xf32, #tpu.memory_space<vmem>> -> memref<128x16xf32, #tpu.memory_space<vmem>>
          %dma_start3A_823 = arith.constant 0 : i32
          %dma_start3A_824 = tpu.memref_slice %arg6[%add3A_817, %dma_start3A_823] : memref<80x128xi32, #tpu.memory_space<vmem>> -> memref<1x128xi32, #tpu.memory_space<vmem>>
          %dma_start3A_825 = tpu.memref_squeeze %dma_start3A_824 : memref<1x128xi32, #tpu.memory_space<vmem>> -> memref<128xi32, #tpu.memory_space<vmem>>
          %dma_start3A_826 = arith.constant 0 : i32
          %dma_start3A_827 = arith.constant 0 : i32
          %dma_start3A_828 = tpu.memref_slice %arg2[%dma_start3A_826, %dma_start3A_827] : memref<10000x16xf32, #tpu.memory_space<hbm>> -> memref<10000x16xf32, #tpu.memory_space<hbm>>
          tpu.enqueue_indirect_dma source(%dma_start3A_828 : memref<10000x16xf32, #tpu.memory_space<hbm>>) target(%dma_start3A_822 : memref<128x16xf32, #tpu.memory_space<vmem>>) offsets(%dma_start3A_825 : memref<128xi32, #tpu.memory_space<vmem>>) semaphore(%arg15 : memref<!tpu.dma_semaphore, #tpu.memory_space<semaphore_mem>>)
        } else {
        }
      }
      %scan3A_442 = arith.constant 9 : i32
      %dma_wait3A_443 = arith.constant 0 : i32
      %dma_wait3A_444 = arith.constant 72 : i32
      %dma_wait3A_445 = arith.constant 0 : i32
      %dma_wait3A_446 = arith.constant 0 : i32
      %dma_wait3A_447 = tpu.memref_slice %arg8[%dma_wait3A_443, %dma_wait3A_445, %dma_wait3A_446] : memref<8x128x16xf32, #tpu.memory_space<vmem>> -> memref<1x128x16xf32, #tpu.memory_space<vmem>>
      %dma_wait3A_448 = tpu.memref_squeeze %dma_wait3A_447 : memref<1x128x16xf32, #tpu.memory_space<vmem>> -> memref<128x16xf32, #tpu.memory_space<vmem>>
      %dma_wait3A_449 = arith.constant 0 : i32
      %dma_wait3A_450 = tpu.memref_slice %arg7[%dma_wait3A_444, %dma_wait3A_449] : memref<80x128xi32, #tpu.memory_space<vmem>> -> memref<1x128xi32, #tpu.memory_space<vmem>>
      %dma_wait3A_451 = tpu.memref_squeeze %dma_wait3A_450 : memref<1x128xi32, #tpu.memory_space<vmem>> -> memref<128xi32, #tpu.memory_space<vmem>>
      %dma_wait3A_452 = arith.constant 0 : i32
      %dma_wait3A_453 = arith.constant 0 : i32
      %dma_wait3A_454 = tpu.memref_slice %arg10[%dma_wait3A_452, %dma_wait3A_453] : memref<10112x16xf32, #tpu.memory_space<vmem_shared>> -> memref<10112x16xf32, #tpu.memory_space<vmem_shared>>
      tpu.wait_indirect_dma semaphore(%arg20 : memref<!tpu.dma_semaphore, #tpu.memory_space<semaphore_mem>>) src(%dma_wait3A_448 : memref<128x16xf32, #tpu.memory_space<vmem>>) dst(%dma_wait3A_454 : memref<10112x16xf32, #tpu.memory_space<vmem_shared>>)
      %dma_wait3A_455 = arith.constant 1 : i32
      %dma_wait3A_456 = arith.constant 73 : i32
      %dma_wait3A_457 = arith.constant 0 : i32
      %dma_wait3A_458 = arith.constant 0 : i32
      %dma_wait3A_459 = tpu.memref_slice %arg8[%dma_wait3A_455, %dma_wait3A_457, %dma_wait3A_458] : memref<8x128x16xf32, #tpu.memory_space<vmem>> -> memref<1x128x16xf32, #tpu.memory_space<vmem>>
      %dma_wait3A_460 = tpu.memref_squeeze %dma_wait3A_459 : memref<1x128x16xf32, #tpu.memory_space<vmem>> -> memref<128x16xf32, #tpu.memory_space<vmem>>
      %dma_wait3A_461 = arith.constant 0 : i32
      %dma_wait3A_462 = tpu.memref_slice %arg7[%dma_wait3A_456, %dma_wait3A_461] : memref<80x128xi32, #tpu.memory_space<vmem>> -> memref<1x128xi32, #tpu.memory_space<vmem>>
      %dma_wait3A_463 = tpu.memref_squeeze %dma_wait3A_462 : memref<1x128xi32, #tpu.memory_space<vmem>> -> memref<128xi32, #tpu.memory_space<vmem>>
      %dma_wait3A_464 = arith.constant 0 : i32
      %dma_wait3A_465 = arith.constant 0 : i32
      %dma_wait3A_466 = tpu.memref_slice %arg10[%dma_wait3A_464, %dma_wait3A_465] : memref<10112x16xf32, #tpu.memory_space<vmem_shared>> -> memref<10112x16xf32, #tpu.memory_space<vmem_shared>>
      tpu.wait_indirect_dma semaphore(%arg21 : memref<!tpu.dma_semaphore, #tpu.memory_space<semaphore_mem>>) src(%dma_wait3A_460 : memref<128x16xf32, #tpu.memory_space<vmem>>) dst(%dma_wait3A_466 : memref<10112x16xf32, #tpu.memory_space<vmem_shared>>)
      %dma_wait3A_467 = arith.constant 2 : i32
      %dma_wait3A_468 = arith.constant 74 : i32
      %dma_wait3A_469 = arith.constant 0 : i32
      %dma_wait3A_470 = arith.constant 0 : i32
      %dma_wait3A_471 = tpu.memref_slice %arg8[%dma_wait3A_467, %dma_wait3A_469, %dma_wait3A_470] : memref<8x128x16xf32, #tpu.memory_space<vmem>> -> memref<1x128x16xf32, #tpu.memory_space<vmem>>
      %dma_wait3A_472 = tpu.memref_squeeze %dma_wait3A_471 : memref<1x128x16xf32, #tpu.memory_space<vmem>> -> memref<128x16xf32, #tpu.memory_space<vmem>>
      %dma_wait3A_473 = arith.constant 0 : i32
      %dma_wait3A_474 = tpu.memref_slice %arg7[%dma_wait3A_468, %dma_wait3A_473] : memref<80x128xi32, #tpu.memory_space<vmem>> -> memref<1x128xi32, #tpu.memory_space<vmem>>
      %dma_wait3A_475 = tpu.memref_squeeze %dma_wait3A_474 : memref<1x128xi32, #tpu.memory_space<vmem>> -> memref<128xi32, #tpu.memory_space<vmem>>
      %dma_wait3A_476 = arith.constant 0 : i32
      %dma_wait3A_477 = arith.constant 0 : i32
      %dma_wait3A_478 = tpu.memref_slice %arg10[%dma_wait3A_476, %dma_wait3A_477] : memref<10112x16xf32, #tpu.memory_space<vmem_shared>> -> memref<10112x16xf32, #tpu.memory_space<vmem_shared>>
      tpu.wait_indirect_dma semaphore(%arg22 : memref<!tpu.dma_semaphore, #tpu.memory_space<semaphore_mem>>) src(%dma_wait3A_472 : memref<128x16xf32, #tpu.memory_space<vmem>>) dst(%dma_wait3A_478 : memref<10112x16xf32, #tpu.memory_space<vmem_shared>>)
      %dma_wait3A_479 = arith.constant 3 : i32
      %dma_wait3A_480 = arith.constant 75 : i32
      %dma_wait3A_481 = arith.constant 0 : i32
      %dma_wait3A_482 = arith.constant 0 : i32
      %dma_wait3A_483 = tpu.memref_slice %arg8[%dma_wait3A_479, %dma_wait3A_481, %dma_wait3A_482] : memref<8x128x16xf32, #tpu.memory_space<vmem>> -> memref<1x128x16xf32, #tpu.memory_space<vmem>>
      %dma_wait3A_484 = tpu.memref_squeeze %dma_wait3A_483 : memref<1x128x16xf32, #tpu.memory_space<vmem>> -> memref<128x16xf32, #tpu.memory_space<vmem>>
      %dma_wait3A_485 = arith.constant 0 : i32
      %dma_wait3A_486 = tpu.memref_slice %arg7[%dma_wait3A_480, %dma_wait3A_485] : memref<80x128xi32, #tpu.memory_space<vmem>> -> memref<1x128xi32, #tpu.memory_space<vmem>>
      %dma_wait3A_487 = tpu.memref_squeeze %dma_wait3A_486 : memref<1x128xi32, #tpu.memory_space<vmem>> -> memref<128xi32, #tpu.memory_space<vmem>>
      %dma_wait3A_488 = arith.constant 0 : i32
      %dma_wait3A_489 = arith.constant 0 : i32
      %dma_wait3A_490 = tpu.memref_slice %arg10[%dma_wait3A_488, %dma_wait3A_489] : memref<10112x16xf32, #tpu.memory_space<vmem_shared>> -> memref<10112x16xf32, #tpu.memory_space<vmem_shared>>
      tpu.wait_indirect_dma semaphore(%arg23 : memref<!tpu.dma_semaphore, #tpu.memory_space<semaphore_mem>>) src(%dma_wait3A_484 : memref<128x16xf32, #tpu.memory_space<vmem>>) dst(%dma_wait3A_490 : memref<10112x16xf32, #tpu.memory_space<vmem_shared>>)
      %dma_wait3A_491 = arith.constant 4 : i32
      %dma_wait3A_492 = arith.constant 76 : i32
      %dma_wait3A_493 = arith.constant 0 : i32
      %dma_wait3A_494 = arith.constant 0 : i32
      %dma_wait3A_495 = tpu.memref_slice %arg8[%dma_wait3A_491, %dma_wait3A_493, %dma_wait3A_494] : memref<8x128x16xf32, #tpu.memory_space<vmem>> -> memref<1x128x16xf32, #tpu.memory_space<vmem>>
      %dma_wait3A_496 = tpu.memref_squeeze %dma_wait3A_495 : memref<1x128x16xf32, #tpu.memory_space<vmem>> -> memref<128x16xf32, #tpu.memory_space<vmem>>
      %dma_wait3A_497 = arith.constant 0 : i32
      %dma_wait3A_498 = tpu.memref_slice %arg7[%dma_wait3A_492, %dma_wait3A_497] : memref<80x128xi32, #tpu.memory_space<vmem>> -> memref<1x128xi32, #tpu.memory_space<vmem>>
      %dma_wait3A_499 = tpu.memref_squeeze %dma_wait3A_498 : memref<1x128xi32, #tpu.memory_space<vmem>> -> memref<128xi32, #tpu.memory_space<vmem>>
      %dma_wait3A_500 = arith.constant 0 : i32
      %dma_wait3A_501 = arith.constant 0 : i32
      %dma_wait3A_502 = tpu.memref_slice %arg10[%dma_wait3A_500, %dma_wait3A_501] : memref<10112x16xf32, #tpu.memory_space<vmem_shared>> -> memref<10112x16xf32, #tpu.memory_space<vmem_shared>>
      tpu.wait_indirect_dma semaphore(%arg24 : memref<!tpu.dma_semaphore, #tpu.memory_space<semaphore_mem>>) src(%dma_wait3A_496 : memref<128x16xf32, #tpu.memory_space<vmem>>) dst(%dma_wait3A_502 : memref<10112x16xf32, #tpu.memory_space<vmem_shared>>)
      %dma_wait3A_503 = arith.constant 5 : i32
      %dma_wait3A_504 = arith.constant 77 : i32
      %dma_wait3A_505 = arith.constant 0 : i32
      %dma_wait3A_506 = arith.constant 0 : i32
      %dma_wait3A_507 = tpu.memref_slice %arg8[%dma_wait3A_503, %dma_wait3A_505, %dma_wait3A_506] : memref<8x128x16xf32, #tpu.memory_space<vmem>> -> memref<1x128x16xf32, #tpu.memory_space<vmem>>
      %dma_wait3A_508 = tpu.memref_squeeze %dma_wait3A_507 : memref<1x128x16xf32, #tpu.memory_space<vmem>> -> memref<128x16xf32, #tpu.memory_space<vmem>>
      %dma_wait3A_509 = arith.constant 0 : i32
      %dma_wait3A_510 = tpu.memref_slice %arg7[%dma_wait3A_504, %dma_wait3A_509] : memref<80x128xi32, #tpu.memory_space<vmem>> -> memref<1x128xi32, #tpu.memory_space<vmem>>
      %dma_wait3A_511 = tpu.memref_squeeze %dma_wait3A_510 : memref<1x128xi32, #tpu.memory_space<vmem>> -> memref<128xi32, #tpu.memory_space<vmem>>
      %dma_wait3A_512 = arith.constant 0 : i32
      %dma_wait3A_513 = arith.constant 0 : i32
      %dma_wait3A_514 = tpu.memref_slice %arg10[%dma_wait3A_512, %dma_wait3A_513] : memref<10112x16xf32, #tpu.memory_space<vmem_shared>> -> memref<10112x16xf32, #tpu.memory_space<vmem_shared>>
      tpu.wait_indirect_dma semaphore(%arg25 : memref<!tpu.dma_semaphore, #tpu.memory_space<semaphore_mem>>) src(%dma_wait3A_508 : memref<128x16xf32, #tpu.memory_space<vmem>>) dst(%dma_wait3A_514 : memref<10112x16xf32, #tpu.memory_space<vmem_shared>>)
      %dma_wait3A_515 = arith.constant 6 : i32
      %dma_wait3A_516 = arith.constant 78 : i32
      %dma_wait3A_517 = arith.constant 0 : i32
      %dma_wait3A_518 = arith.constant 0 : i32
      %dma_wait3A_519 = tpu.memref_slice %arg8[%dma_wait3A_515, %dma_wait3A_517, %dma_wait3A_518] : memref<8x128x16xf32, #tpu.memory_space<vmem>> -> memref<1x128x16xf32, #tpu.memory_space<vmem>>
      %dma_wait3A_520 = tpu.memref_squeeze %dma_wait3A_519 : memref<1x128x16xf32, #tpu.memory_space<vmem>> -> memref<128x16xf32, #tpu.memory_space<vmem>>
      %dma_wait3A_521 = arith.constant 0 : i32
      %dma_wait3A_522 = tpu.memref_slice %arg7[%dma_wait3A_516, %dma_wait3A_521] : memref<80x128xi32, #tpu.memory_space<vmem>> -> memref<1x128xi32, #tpu.memory_space<vmem>>
      %dma_wait3A_523 = tpu.memref_squeeze %dma_wait3A_522 : memref<1x128xi32, #tpu.memory_space<vmem>> -> memref<128xi32, #tpu.memory_space<vmem>>
      %dma_wait3A_524 = arith.constant 0 : i32
      %dma_wait3A_525 = arith.constant 0 : i32
      %dma_wait3A_526 = tpu.memref_slice %arg10[%dma_wait3A_524, %dma_wait3A_525] : memref<10112x16xf32, #tpu.memory_space<vmem_shared>> -> memref<10112x16xf32, #tpu.memory_space<vmem_shared>>
      tpu.wait_indirect_dma semaphore(%arg26 : memref<!tpu.dma_semaphore, #tpu.memory_space<semaphore_mem>>) src(%dma_wait3A_520 : memref<128x16xf32, #tpu.memory_space<vmem>>) dst(%dma_wait3A_526 : memref<10112x16xf32, #tpu.memory_space<vmem_shared>>)
      %dma_wait3A_527 = arith.constant 7 : i32
      %dma_wait3A_528 = arith.constant 79 : i32
      %dma_wait3A_529 = arith.constant 0 : i32
      %dma_wait3A_530 = arith.constant 0 : i32
      %dma_wait3A_531 = tpu.memref_slice %arg8[%dma_wait3A_527, %dma_wait3A_529, %dma_wait3A_530] : memref<8x128x16xf32, #tpu.memory_space<vmem>> -> memref<1x128x16xf32, #tpu.memory_space<vmem>>
      %dma_wait3A_532 = tpu.memref_squeeze %dma_wait3A_531 : memref<1x128x16xf32, #tpu.memory_space<vmem>> -> memref<128x16xf32, #tpu.memory_space<vmem>>
      %dma_wait3A_533 = arith.constant 0 : i32
      %dma_wait3A_534 = tpu.memref_slice %arg7[%dma_wait3A_528, %dma_wait3A_533] : memref<80x128xi32, #tpu.memory_space<vmem>> -> memref<1x128xi32, #tpu.memory_space<vmem>>
      %dma_wait3A_535 = tpu.memref_squeeze %dma_wait3A_534 : memref<1x128xi32, #tpu.memory_space<vmem>> -> memref<128xi32, #tpu.memory_space<vmem>>
      %dma_wait3A_536 = arith.constant 0 : i32
      %dma_wait3A_537 = arith.constant 0 : i32
      %dma_wait3A_538 = tpu.memref_slice %arg10[%dma_wait3A_536, %dma_wait3A_537] : memref<10112x16xf32, #tpu.memory_space<vmem_shared>> -> memref<10112x16xf32, #tpu.memory_space<vmem_shared>>
      tpu.wait_indirect_dma semaphore(%arg27 : memref<!tpu.dma_semaphore, #tpu.memory_space<semaphore_mem>>) src(%dma_wait3A_532 : memref<128x16xf32, #tpu.memory_space<vmem>>) dst(%dma_wait3A_538 : memref<10112x16xf32, #tpu.memory_space<vmem_shared>>)
    } else {
    }
    %ge3A = arith.constant 4 : i32
    %ge3A_44 = arith.cmpi sge, %arg1, %ge3A : i32
    %convert_element_type3A_45 = arith.extui %ge3A_44 : i1 to i32
    %cond3A_46 = arith.constant 0 : i32
    %cond3A_47 = arith.cmpi ne, %convert_element_type3A_45, %cond3A_46 : i32
    scf.if %cond3A_47 {
      %dma_start3A_53 = arith.constant 0 : i32
      %dma_start3A_54 = arith.constant 0 : i32
      %dma_start3A_55 = arith.constant 0 : i32
      %dma_start3A_56 = arith.constant 0 : i32
      %dma_start3A_57 = tpu.memref_slice %arg8[%dma_start3A_54, %dma_start3A_55, %dma_start3A_56] : memref<8x128x16xf32, #tpu.memory_space<vmem>> -> memref<1x128x16xf32, #tpu.memory_space<vmem>>
      %dma_start3A_58 = tpu.memref_squeeze %dma_start3A_57 : memref<1x128x16xf32, #tpu.memory_space<vmem>> -> memref<128x16xf32, #tpu.memory_space<vmem>>
      %dma_start3A_59 = arith.constant 0 : i32
      %dma_start3A_60 = tpu.memref_slice %arg6[%dma_start3A_53, %dma_start3A_59] : memref<80x128xi32, #tpu.memory_space<vmem>> -> memref<1x128xi32, #tpu.memory_space<vmem>>
      %dma_start3A_61 = tpu.memref_squeeze %dma_start3A_60 : memref<1x128xi32, #tpu.memory_space<vmem>> -> memref<128xi32, #tpu.memory_space<vmem>>
      %dma_start3A_62 = arith.constant 0 : i32
      %dma_start3A_63 = arith.constant 0 : i32
      %dma_start3A_64 = tpu.memref_slice %arg11[%dma_start3A_62, %dma_start3A_63] : memref<10000x16xf32, #tpu.memory_space<vmem_shared>> -> memref<10000x16xf32, #tpu.memory_space<vmem_shared>>
      tpu.enqueue_indirect_dma source(%dma_start3A_64 : memref<10000x16xf32, #tpu.memory_space<vmem_shared>>) target(%dma_start3A_58 : memref<128x16xf32, #tpu.memory_space<vmem>>) offsets(%dma_start3A_61 : memref<128xi32, #tpu.memory_space<vmem>>) semaphore(%arg12 : memref<!tpu.dma_semaphore, #tpu.memory_space<semaphore_mem>>)
      %dma_start3A_65 = arith.constant 1 : i32
      %dma_start3A_66 = arith.constant 1 : i32
      %dma_start3A_67 = arith.constant 0 : i32
      %dma_start3A_68 = arith.constant 0 : i32
      %dma_start3A_69 = tpu.memref_slice %arg8[%dma_start3A_66, %dma_start3A_67, %dma_start3A_68] : memref<8x128x16xf32, #tpu.memory_space<vmem>> -> memref<1x128x16xf32, #tpu.memory_space<vmem>>
      %dma_start3A_70 = tpu.memref_squeeze %dma_start3A_69 : memref<1x128x16xf32, #tpu.memory_space<vmem>> -> memref<128x16xf32, #tpu.memory_space<vmem>>
      %dma_start3A_71 = arith.constant 0 : i32
      %dma_start3A_72 = tpu.memref_slice %arg6[%dma_start3A_65, %dma_start3A_71] : memref<80x128xi32, #tpu.memory_space<vmem>> -> memref<1x128xi32, #tpu.memory_space<vmem>>
      %dma_start3A_73 = tpu.memref_squeeze %dma_start3A_72 : memref<1x128xi32, #tpu.memory_space<vmem>> -> memref<128xi32, #tpu.memory_space<vmem>>
      %dma_start3A_74 = arith.constant 0 : i32
      %dma_start3A_75 = arith.constant 0 : i32
      %dma_start3A_76 = tpu.memref_slice %arg11[%dma_start3A_74, %dma_start3A_75] : memref<10000x16xf32, #tpu.memory_space<vmem_shared>> -> memref<10000x16xf32, #tpu.memory_space<vmem_shared>>
      tpu.enqueue_indirect_dma source(%dma_start3A_76 : memref<10000x16xf32, #tpu.memory_space<vmem_shared>>) target(%dma_start3A_70 : memref<128x16xf32, #tpu.memory_space<vmem>>) offsets(%dma_start3A_73 : memref<128xi32, #tpu.memory_space<vmem>>) semaphore(%arg13 : memref<!tpu.dma_semaphore, #tpu.memory_space<semaphore_mem>>)
      %dma_start3A_77 = arith.constant 2 : i32
      %dma_start3A_78 = arith.constant 2 : i32
      %dma_start3A_79 = arith.constant 0 : i32
      %dma_start3A_80 = arith.constant 0 : i32
      %dma_start3A_81 = tpu.memref_slice %arg8[%dma_start3A_78, %dma_start3A_79, %dma_start3A_80] : memref<8x128x16xf32, #tpu.memory_space<vmem>> -> memref<1x128x16xf32, #tpu.memory_space<vmem>>
      %dma_start3A_82 = tpu.memref_squeeze %dma_start3A_81 : memref<1x128x16xf32, #tpu.memory_space<vmem>> -> memref<128x16xf32, #tpu.memory_space<vmem>>
      %dma_start3A_83 = arith.constant 0 : i32
      %dma_start3A_84 = tpu.memref_slice %arg6[%dma_start3A_77, %dma_start3A_83] : memref<80x128xi32, #tpu.memory_space<vmem>> -> memref<1x128xi32, #tpu.memory_space<vmem>>
      %dma_start3A_85 = tpu.memref_squeeze %dma_start3A_84 : memref<1x128xi32, #tpu.memory_space<vmem>> -> memref<128xi32, #tpu.memory_space<vmem>>
      %dma_start3A_86 = arith.constant 0 : i32
      %dma_start3A_87 = arith.constant 0 : i32
      %dma_start3A_88 = tpu.memref_slice %arg11[%dma_start3A_86, %dma_start3A_87] : memref<10000x16xf32, #tpu.memory_space<vmem_shared>> -> memref<10000x16xf32, #tpu.memory_space<vmem_shared>>
      tpu.enqueue_indirect_dma source(%dma_start3A_88 : memref<10000x16xf32, #tpu.memory_space<vmem_shared>>) target(%dma_start3A_82 : memref<128x16xf32, #tpu.memory_space<vmem>>) offsets(%dma_start3A_85 : memref<128xi32, #tpu.memory_space<vmem>>) semaphore(%arg14 : memref<!tpu.dma_semaphore, #tpu.memory_space<semaphore_mem>>)
      %dma_start3A_89 = arith.constant 3 : i32
      %dma_start3A_90 = arith.constant 3 : i32
      %dma_start3A_91 = arith.constant 0 : i32
      %dma_start3A_92 = arith.constant 0 : i32
      %dma_start3A_93 = tpu.memref_slice %arg8[%dma_start3A_90, %dma_start3A_91, %dma_start3A_92] : memref<8x128x16xf32, #tpu.memory_space<vmem>> -> memref<1x128x16xf32, #tpu.memory_space<vmem>>
      %dma_start3A_94 = tpu.memref_squeeze %dma_start3A_93 : memref<1x128x16xf32, #tpu.memory_space<vmem>> -> memref<128x16xf32, #tpu.memory_space<vmem>>
      %dma_start3A_95 = arith.constant 0 : i32
      %dma_start3A_96 = tpu.memref_slice %arg6[%dma_start3A_89, %dma_start3A_95] : memref<80x128xi32, #tpu.memory_space<vmem>> -> memref<1x128xi32, #tpu.memory_space<vmem>>
      %dma_start3A_97 = tpu.memref_squeeze %dma_start3A_96 : memref<1x128xi32, #tpu.memory_space<vmem>> -> memref<128xi32, #tpu.memory_space<vmem>>
      %dma_start3A_98 = arith.constant 0 : i32
      %dma_start3A_99 = arith.constant 0 : i32
      %dma_start3A_100 = tpu.memref_slice %arg11[%dma_start3A_98, %dma_start3A_99] : memref<10000x16xf32, #tpu.memory_space<vmem_shared>> -> memref<10000x16xf32, #tpu.memory_space<vmem_shared>>
      tpu.enqueue_indirect_dma source(%dma_start3A_100 : memref<10000x16xf32, #tpu.memory_space<vmem_shared>>) target(%dma_start3A_94 : memref<128x16xf32, #tpu.memory_space<vmem>>) offsets(%dma_start3A_97 : memref<128xi32, #tpu.memory_space<vmem>>) semaphore(%arg15 : memref<!tpu.dma_semaphore, #tpu.memory_space<semaphore_mem>>)
      %dma_wait3A_101 = arith.constant 0 : i32
      %dma_wait3A_102 = arith.constant 0 : i32
      %dma_wait3A_103 = arith.constant 0 : i32
      %dma_wait3A_104 = arith.constant 0 : i32
      %dma_wait3A_105 = tpu.memref_slice %arg8[%dma_wait3A_102, %dma_wait3A_103, %dma_wait3A_104] : memref<8x128x16xf32, #tpu.memory_space<vmem>> -> memref<1x128x16xf32, #tpu.memory_space<vmem>>
      %dma_wait3A_106 = tpu.memref_squeeze %dma_wait3A_105 : memref<1x128x16xf32, #tpu.memory_space<vmem>> -> memref<128x16xf32, #tpu.memory_space<vmem>>
      %dma_wait3A_107 = arith.constant 0 : i32
      %dma_wait3A_108 = tpu.memref_slice %arg6[%dma_wait3A_101, %dma_wait3A_107] : memref<80x128xi32, #tpu.memory_space<vmem>> -> memref<1x128xi32, #tpu.memory_space<vmem>>
      %dma_wait3A_109 = tpu.memref_squeeze %dma_wait3A_108 : memref<1x128xi32, #tpu.memory_space<vmem>> -> memref<128xi32, #tpu.memory_space<vmem>>
      %dma_wait3A_110 = arith.constant 0 : i32
      %dma_wait3A_111 = arith.constant 0 : i32
      %dma_wait3A_112 = tpu.memref_slice %arg11[%dma_wait3A_110, %dma_wait3A_111] : memref<10000x16xf32, #tpu.memory_space<vmem_shared>> -> memref<10000x16xf32, #tpu.memory_space<vmem_shared>>
      tpu.wait_indirect_dma semaphore(%arg12 : memref<!tpu.dma_semaphore, #tpu.memory_space<semaphore_mem>>) src(%dma_wait3A_112 : memref<10000x16xf32, #tpu.memory_space<vmem_shared>>) dst(%dma_wait3A_106 : memref<128x16xf32, #tpu.memory_space<vmem>>)
      %dma_start3A_113 = arith.constant 0 : i32
      %dma_start3A_114 = arith.constant 0 : i32
      %dma_start3A_115 = arith.constant 0 : i32
      %dma_start3A_116 = arith.constant 0 : i32
      %dma_start3A_117 = tpu.memref_slice %arg8[%dma_start3A_113, %dma_start3A_115, %dma_start3A_116] : memref<8x128x16xf32, #tpu.memory_space<vmem>> -> memref<1x128x16xf32, #tpu.memory_space<vmem>>
      %dma_start3A_118 = tpu.memref_squeeze %dma_start3A_117 : memref<1x128x16xf32, #tpu.memory_space<vmem>> -> memref<128x16xf32, #tpu.memory_space<vmem>>
      %dma_start3A_119 = arith.constant 0 : i32
      %dma_start3A_120 = tpu.memref_slice %arg7[%dma_start3A_114, %dma_start3A_119] : memref<80x128xi32, #tpu.memory_space<vmem>> -> memref<1x128xi32, #tpu.memory_space<vmem>>
      %dma_start3A_121 = tpu.memref_squeeze %dma_start3A_120 : memref<1x128xi32, #tpu.memory_space<vmem>> -> memref<128xi32, #tpu.memory_space<vmem>>
      %dma_start3A_122 = arith.constant 0 : i32
      %dma_start3A_123 = arith.constant 0 : i32
      %dma_start3A_124 = tpu.memref_slice %arg10[%dma_start3A_122, %dma_start3A_123] : memref<10112x16xf32, #tpu.memory_space<vmem_shared>> -> memref<10112x16xf32, #tpu.memory_space<vmem_shared>>
      tpu.enqueue_indirect_dma source(%dma_start3A_118 : memref<128x16xf32, #tpu.memory_space<vmem>>) target(%dma_start3A_124 : memref<10112x16xf32, #tpu.memory_space<vmem_shared>>) offsets(%dma_start3A_121 : memref<128xi32, #tpu.memory_space<vmem>>) semaphore(%arg20 : memref<!tpu.dma_semaphore, #tpu.memory_space<semaphore_mem>>) {add = true}
      %dma_start3A_125 = arith.constant 4 : i32
      %dma_start3A_126 = arith.constant 4 : i32
      %dma_start3A_127 = arith.constant 0 : i32
      %dma_start3A_128 = arith.constant 0 : i32
      %dma_start3A_129 = tpu.memref_slice %arg8[%dma_start3A_126, %dma_start3A_127, %dma_start3A_128] : memref<8x128x16xf32, #tpu.memory_space<vmem>> -> memref<1x128x16xf32, #tpu.memory_space<vmem>>
      %dma_start3A_130 = tpu.memref_squeeze %dma_start3A_129 : memref<1x128x16xf32, #tpu.memory_space<vmem>> -> memref<128x16xf32, #tpu.memory_space<vmem>>
      %dma_start3A_131 = arith.constant 0 : i32
      %dma_start3A_132 = tpu.memref_slice %arg6[%dma_start3A_125, %dma_start3A_131] : memref<80x128xi32, #tpu.memory_space<vmem>> -> memref<1x128xi32, #tpu.memory_space<vmem>>
      %dma_start3A_133 = tpu.memref_squeeze %dma_start3A_132 : memref<1x128xi32, #tpu.memory_space<vmem>> -> memref<128xi32, #tpu.memory_space<vmem>>
      %dma_start3A_134 = arith.constant 0 : i32
      %dma_start3A_135 = arith.constant 0 : i32
      %dma_start3A_136 = tpu.memref_slice %arg11[%dma_start3A_134, %dma_start3A_135] : memref<10000x16xf32, #tpu.memory_space<vmem_shared>> -> memref<10000x16xf32, #tpu.memory_space<vmem_shared>>
      tpu.enqueue_indirect_dma source(%dma_start3A_136 : memref<10000x16xf32, #tpu.memory_space<vmem_shared>>) target(%dma_start3A_130 : memref<128x16xf32, #tpu.memory_space<vmem>>) offsets(%dma_start3A_133 : memref<128xi32, #tpu.memory_space<vmem>>) semaphore(%arg16 : memref<!tpu.dma_semaphore, #tpu.memory_space<semaphore_mem>>)
      %dma_wait3A_137 = arith.constant 1 : i32
      %dma_wait3A_138 = arith.constant 1 : i32
      %dma_wait3A_139 = arith.constant 0 : i32
      %dma_wait3A_140 = arith.constant 0 : i32
      %dma_wait3A_141 = tpu.memref_slice %arg8[%dma_wait3A_138, %dma_wait3A_139, %dma_wait3A_140] : memref<8x128x16xf32, #tpu.memory_space<vmem>> -> memref<1x128x16xf32, #tpu.memory_space<vmem>>
      %dma_wait3A_142 = tpu.memref_squeeze %dma_wait3A_141 : memref<1x128x16xf32, #tpu.memory_space<vmem>> -> memref<128x16xf32, #tpu.memory_space<vmem>>
      %dma_wait3A_143 = arith.constant 0 : i32
      %dma_wait3A_144 = tpu.memref_slice %arg6[%dma_wait3A_137, %dma_wait3A_143] : memref<80x128xi32, #tpu.memory_space<vmem>> -> memref<1x128xi32, #tpu.memory_space<vmem>>
      %dma_wait3A_145 = tpu.memref_squeeze %dma_wait3A_144 : memref<1x128xi32, #tpu.memory_space<vmem>> -> memref<128xi32, #tpu.memory_space<vmem>>
      %dma_wait3A_146 = arith.constant 0 : i32
      %dma_wait3A_147 = arith.constant 0 : i32
      %dma_wait3A_148 = tpu.memref_slice %arg11[%dma_wait3A_146, %dma_wait3A_147] : memref<10000x16xf32, #tpu.memory_space<vmem_shared>> -> memref<10000x16xf32, #tpu.memory_space<vmem_shared>>
      tpu.wait_indirect_dma semaphore(%arg13 : memref<!tpu.dma_semaphore, #tpu.memory_space<semaphore_mem>>) src(%dma_wait3A_148 : memref<10000x16xf32, #tpu.memory_space<vmem_shared>>) dst(%dma_wait3A_142 : memref<128x16xf32, #tpu.memory_space<vmem>>)
      %dma_start3A_149 = arith.constant 1 : i32
      %dma_start3A_150 = arith.constant 1 : i32
      %dma_start3A_151 = arith.constant 0 : i32
      %dma_start3A_152 = arith.constant 0 : i32
      %dma_start3A_153 = tpu.memref_slice %arg8[%dma_start3A_149, %dma_start3A_151, %dma_start3A_152] : memref<8x128x16xf32, #tpu.memory_space<vmem>> -> memref<1x128x16xf32, #tpu.memory_space<vmem>>
      %dma_start3A_154 = tpu.memref_squeeze %dma_start3A_153 : memref<1x128x16xf32, #tpu.memory_space<vmem>> -> memref<128x16xf32, #tpu.memory_space<vmem>>
      %dma_start3A_155 = arith.constant 0 : i32
      %dma_start3A_156 = tpu.memref_slice %arg7[%dma_start3A_150, %dma_start3A_155] : memref<80x128xi32, #tpu.memory_space<vmem>> -> memref<1x128xi32, #tpu.memory_space<vmem>>
      %dma_start3A_157 = tpu.memref_squeeze %dma_start3A_156 : memref<1x128xi32, #tpu.memory_space<vmem>> -> memref<128xi32, #tpu.memory_space<vmem>>
      %dma_start3A_158 = arith.constant 0 : i32
      %dma_start3A_159 = arith.constant 0 : i32
      %dma_start3A_160 = tpu.memref_slice %arg10[%dma_start3A_158, %dma_start3A_159] : memref<10112x16xf32, #tpu.memory_space<vmem_shared>> -> memref<10112x16xf32, #tpu.memory_space<vmem_shared>>
      tpu.enqueue_indirect_dma source(%dma_start3A_154 : memref<128x16xf32, #tpu.memory_space<vmem>>) target(%dma_start3A_160 : memref<10112x16xf32, #tpu.memory_space<vmem_shared>>) offsets(%dma_start3A_157 : memref<128xi32, #tpu.memory_space<vmem>>) semaphore(%arg21 : memref<!tpu.dma_semaphore, #tpu.memory_space<semaphore_mem>>) {add = true}
      %dma_start3A_161 = arith.constant 5 : i32
      %dma_start3A_162 = arith.constant 5 : i32
      %dma_start3A_163 = arith.constant 0 : i32
      %dma_start3A_164 = arith.constant 0 : i32
      %dma_start3A_165 = tpu.memref_slice %arg8[%dma_start3A_162, %dma_start3A_163, %dma_start3A_164] : memref<8x128x16xf32, #tpu.memory_space<vmem>> -> memref<1x128x16xf32, #tpu.memory_space<vmem>>
      %dma_start3A_166 = tpu.memref_squeeze %dma_start3A_165 : memref<1x128x16xf32, #tpu.memory_space<vmem>> -> memref<128x16xf32, #tpu.memory_space<vmem>>
      %dma_start3A_167 = arith.constant 0 : i32
      %dma_start3A_168 = tpu.memref_slice %arg6[%dma_start3A_161, %dma_start3A_167] : memref<80x128xi32, #tpu.memory_space<vmem>> -> memref<1x128xi32, #tpu.memory_space<vmem>>
      %dma_start3A_169 = tpu.memref_squeeze %dma_start3A_168 : memref<1x128xi32, #tpu.memory_space<vmem>> -> memref<128xi32, #tpu.memory_space<vmem>>
      %dma_start3A_170 = arith.constant 0 : i32
      %dma_start3A_171 = arith.constant 0 : i32
      %dma_start3A_172 = tpu.memref_slice %arg11[%dma_start3A_170, %dma_start3A_171] : memref<10000x16xf32, #tpu.memory_space<vmem_shared>> -> memref<10000x16xf32, #tpu.memory_space<vmem_shared>>
      tpu.enqueue_indirect_dma source(%dma_start3A_172 : memref<10000x16xf32, #tpu.memory_space<vmem_shared>>) target(%dma_start3A_166 : memref<128x16xf32, #tpu.memory_space<vmem>>) offsets(%dma_start3A_169 : memref<128xi32, #tpu.memory_space<vmem>>) semaphore(%arg17 : memref<!tpu.dma_semaphore, #tpu.memory_space<semaphore_mem>>)
      %dma_wait3A_173 = arith.constant 2 : i32
      %dma_wait3A_174 = arith.constant 2 : i32
      %dma_wait3A_175 = arith.constant 0 : i32
      %dma_wait3A_176 = arith.constant 0 : i32
      %dma_wait3A_177 = tpu.memref_slice %arg8[%dma_wait3A_174, %dma_wait3A_175, %dma_wait3A_176] : memref<8x128x16xf32, #tpu.memory_space<vmem>> -> memref<1x128x16xf32, #tpu.memory_space<vmem>>
      %dma_wait3A_178 = tpu.memref_squeeze %dma_wait3A_177 : memref<1x128x16xf32, #tpu.memory_space<vmem>> -> memref<128x16xf32, #tpu.memory_space<vmem>>
      %dma_wait3A_179 = arith.constant 0 : i32
      %dma_wait3A_180 = tpu.memref_slice %arg6[%dma_wait3A_173, %dma_wait3A_179] : memref<80x128xi32, #tpu.memory_space<vmem>> -> memref<1x128xi32, #tpu.memory_space<vmem>>
      %dma_wait3A_181 = tpu.memref_squeeze %dma_wait3A_180 : memref<1x128xi32, #tpu.memory_space<vmem>> -> memref<128xi32, #tpu.memory_space<vmem>>
      %dma_wait3A_182 = arith.constant 0 : i32
      %dma_wait3A_183 = arith.constant 0 : i32
      %dma_wait3A_184 = tpu.memref_slice %arg11[%dma_wait3A_182, %dma_wait3A_183] : memref<10000x16xf32, #tpu.memory_space<vmem_shared>> -> memref<10000x16xf32, #tpu.memory_space<vmem_shared>>
      tpu.wait_indirect_dma semaphore(%arg14 : memref<!tpu.dma_semaphore, #tpu.memory_space<semaphore_mem>>) src(%dma_wait3A_184 : memref<10000x16xf32, #tpu.memory_space<vmem_shared>>) dst(%dma_wait3A_178 : memref<128x16xf32, #tpu.memory_space<vmem>>)
      %dma_start3A_185 = arith.constant 2 : i32
      %dma_start3A_186 = arith.constant 2 : i32
      %dma_start3A_187 = arith.constant 0 : i32
      %dma_start3A_188 = arith.constant 0 : i32
      %dma_start3A_189 = tpu.memref_slice %arg8[%dma_start3A_185, %dma_start3A_187, %dma_start3A_188] : memref<8x128x16xf32, #tpu.memory_space<vmem>> -> memref<1x128x16xf32, #tpu.memory_space<vmem>>
      %dma_start3A_190 = tpu.memref_squeeze %dma_start3A_189 : memref<1x128x16xf32, #tpu.memory_space<vmem>> -> memref<128x16xf32, #tpu.memory_space<vmem>>
      %dma_start3A_191 = arith.constant 0 : i32
      %dma_start3A_192 = tpu.memref_slice %arg7[%dma_start3A_186, %dma_start3A_191] : memref<80x128xi32, #tpu.memory_space<vmem>> -> memref<1x128xi32, #tpu.memory_space<vmem>>
      %dma_start3A_193 = tpu.memref_squeeze %dma_start3A_192 : memref<1x128xi32, #tpu.memory_space<vmem>> -> memref<128xi32, #tpu.memory_space<vmem>>
      %dma_start3A_194 = arith.constant 0 : i32
      %dma_start3A_195 = arith.constant 0 : i32
      %dma_start3A_196 = tpu.memref_slice %arg10[%dma_start3A_194, %dma_start3A_195] : memref<10112x16xf32, #tpu.memory_space<vmem_shared>> -> memref<10112x16xf32, #tpu.memory_space<vmem_shared>>
      tpu.enqueue_indirect_dma source(%dma_start3A_190 : memref<128x16xf32, #tpu.memory_space<vmem>>) target(%dma_start3A_196 : memref<10112x16xf32, #tpu.memory_space<vmem_shared>>) offsets(%dma_start3A_193 : memref<128xi32, #tpu.memory_space<vmem>>) semaphore(%arg22 : memref<!tpu.dma_semaphore, #tpu.memory_space<semaphore_mem>>) {add = true}
      %dma_start3A_197 = arith.constant 6 : i32
      %dma_start3A_198 = arith.constant 6 : i32
      %dma_start3A_199 = arith.constant 0 : i32
      %dma_start3A_200 = arith.constant 0 : i32
      %dma_start3A_201 = tpu.memref_slice %arg8[%dma_start3A_198, %dma_start3A_199, %dma_start3A_200] : memref<8x128x16xf32, #tpu.memory_space<vmem>> -> memref<1x128x16xf32, #tpu.memory_space<vmem>>
      %dma_start3A_202 = tpu.memref_squeeze %dma_start3A_201 : memref<1x128x16xf32, #tpu.memory_space<vmem>> -> memref<128x16xf32, #tpu.memory_space<vmem>>
      %dma_start3A_203 = arith.constant 0 : i32
      %dma_start3A_204 = tpu.memref_slice %arg6[%dma_start3A_197, %dma_start3A_203] : memref<80x128xi32, #tpu.memory_space<vmem>> -> memref<1x128xi32, #tpu.memory_space<vmem>>
      %dma_start3A_205 = tpu.memref_squeeze %dma_start3A_204 : memref<1x128xi32, #tpu.memory_space<vmem>> -> memref<128xi32, #tpu.memory_space<vmem>>
      %dma_start3A_206 = arith.constant 0 : i32
      %dma_start3A_207 = arith.constant 0 : i32
      %dma_start3A_208 = tpu.memref_slice %arg11[%dma_start3A_206, %dma_start3A_207] : memref<10000x16xf32, #tpu.memory_space<vmem_shared>> -> memref<10000x16xf32, #tpu.memory_space<vmem_shared>>
      tpu.enqueue_indirect_dma source(%dma_start3A_208 : memref<10000x16xf32, #tpu.memory_space<vmem_shared>>) target(%dma_start3A_202 : memref<128x16xf32, #tpu.memory_space<vmem>>) offsets(%dma_start3A_205 : memref<128xi32, #tpu.memory_space<vmem>>) semaphore(%arg18 : memref<!tpu.dma_semaphore, #tpu.memory_space<semaphore_mem>>)
      %dma_wait3A_209 = arith.constant 3 : i32
      %dma_wait3A_210 = arith.constant 3 : i32
      %dma_wait3A_211 = arith.constant 0 : i32
      %dma_wait3A_212 = arith.constant 0 : i32
      %dma_wait3A_213 = tpu.memref_slice %arg8[%dma_wait3A_210, %dma_wait3A_211, %dma_wait3A_212] : memref<8x128x16xf32, #tpu.memory_space<vmem>> -> memref<1x128x16xf32, #tpu.memory_space<vmem>>
      %dma_wait3A_214 = tpu.memref_squeeze %dma_wait3A_213 : memref<1x128x16xf32, #tpu.memory_space<vmem>> -> memref<128x16xf32, #tpu.memory_space<vmem>>
      %dma_wait3A_215 = arith.constant 0 : i32
      %dma_wait3A_216 = tpu.memref_slice %arg6[%dma_wait3A_209, %dma_wait3A_215] : memref<80x128xi32, #tpu.memory_space<vmem>> -> memref<1x128xi32, #tpu.memory_space<vmem>>
      %dma_wait3A_217 = tpu.memref_squeeze %dma_wait3A_216 : memref<1x128xi32, #tpu.memory_space<vmem>> -> memref<128xi32, #tpu.memory_space<vmem>>
      %dma_wait3A_218 = arith.constant 0 : i32
      %dma_wait3A_219 = arith.constant 0 : i32
      %dma_wait3A_220 = tpu.memref_slice %arg11[%dma_wait3A_218, %dma_wait3A_219] : memref<10000x16xf32, #tpu.memory_space<vmem_shared>> -> memref<10000x16xf32, #tpu.memory_space<vmem_shared>>
      tpu.wait_indirect_dma semaphore(%arg15 : memref<!tpu.dma_semaphore, #tpu.memory_space<semaphore_mem>>) src(%dma_wait3A_220 : memref<10000x16xf32, #tpu.memory_space<vmem_shared>>) dst(%dma_wait3A_214 : memref<128x16xf32, #tpu.memory_space<vmem>>)
      %dma_start3A_221 = arith.constant 3 : i32
      %dma_start3A_222 = arith.constant 3 : i32
      %dma_start3A_223 = arith.constant 0 : i32
      %dma_start3A_224 = arith.constant 0 : i32
      %dma_start3A_225 = tpu.memref_slice %arg8[%dma_start3A_221, %dma_start3A_223, %dma_start3A_224] : memref<8x128x16xf32, #tpu.memory_space<vmem>> -> memref<1x128x16xf32, #tpu.memory_space<vmem>>
      %dma_start3A_226 = tpu.memref_squeeze %dma_start3A_225 : memref<1x128x16xf32, #tpu.memory_space<vmem>> -> memref<128x16xf32, #tpu.memory_space<vmem>>
      %dma_start3A_227 = arith.constant 0 : i32
      %dma_start3A_228 = tpu.memref_slice %arg7[%dma_start3A_222, %dma_start3A_227] : memref<80x128xi32, #tpu.memory_space<vmem>> -> memref<1x128xi32, #tpu.memory_space<vmem>>
      %dma_start3A_229 = tpu.memref_squeeze %dma_start3A_228 : memref<1x128xi32, #tpu.memory_space<vmem>> -> memref<128xi32, #tpu.memory_space<vmem>>
      %dma_start3A_230 = arith.constant 0 : i32
      %dma_start3A_231 = arith.constant 0 : i32
      %dma_start3A_232 = tpu.memref_slice %arg10[%dma_start3A_230, %dma_start3A_231] : memref<10112x16xf32, #tpu.memory_space<vmem_shared>> -> memref<10112x16xf32, #tpu.memory_space<vmem_shared>>
      tpu.enqueue_indirect_dma source(%dma_start3A_226 : memref<128x16xf32, #tpu.memory_space<vmem>>) target(%dma_start3A_232 : memref<10112x16xf32, #tpu.memory_space<vmem_shared>>) offsets(%dma_start3A_229 : memref<128xi32, #tpu.memory_space<vmem>>) semaphore(%arg23 : memref<!tpu.dma_semaphore, #tpu.memory_space<semaphore_mem>>) {add = true}
      %dma_start3A_233 = arith.constant 7 : i32
      %dma_start3A_234 = arith.constant 7 : i32
      %dma_start3A_235 = arith.constant 0 : i32
      %dma_start3A_236 = arith.constant 0 : i32
      %dma_start3A_237 = tpu.memref_slice %arg8[%dma_start3A_234, %dma_start3A_235, %dma_start3A_236] : memref<8x128x16xf32, #tpu.memory_space<vmem>> -> memref<1x128x16xf32, #tpu.memory_space<vmem>>
      %dma_start3A_238 = tpu.memref_squeeze %dma_start3A_237 : memref<1x128x16xf32, #tpu.memory_space<vmem>> -> memref<128x16xf32, #tpu.memory_space<vmem>>
      %dma_start3A_239 = arith.constant 0 : i32
      %dma_start3A_240 = tpu.memref_slice %arg6[%dma_start3A_233, %dma_start3A_239] : memref<80x128xi32, #tpu.memory_space<vmem>> -> memref<1x128xi32, #tpu.memory_space<vmem>>
      %dma_start3A_241 = tpu.memref_squeeze %dma_start3A_240 : memref<1x128xi32, #tpu.memory_space<vmem>> -> memref<128xi32, #tpu.memory_space<vmem>>
      %dma_start3A_242 = arith.constant 0 : i32
      %dma_start3A_243 = arith.constant 0 : i32
      %dma_start3A_244 = tpu.memref_slice %arg11[%dma_start3A_242, %dma_start3A_243] : memref<10000x16xf32, #tpu.memory_space<vmem_shared>> -> memref<10000x16xf32, #tpu.memory_space<vmem_shared>>
      tpu.enqueue_indirect_dma source(%dma_start3A_244 : memref<10000x16xf32, #tpu.memory_space<vmem_shared>>) target(%dma_start3A_238 : memref<128x16xf32, #tpu.memory_space<vmem>>) offsets(%dma_start3A_241 : memref<128xi32, #tpu.memory_space<vmem>>) semaphore(%arg19 : memref<!tpu.dma_semaphore, #tpu.memory_space<semaphore_mem>>)
      %dma_wait3A_245 = arith.constant 4 : i32
      %dma_wait3A_246 = arith.constant 4 : i32
      %dma_wait3A_247 = arith.constant 0 : i32
      %dma_wait3A_248 = arith.constant 0 : i32
      %dma_wait3A_249 = tpu.memref_slice %arg8[%dma_wait3A_246, %dma_wait3A_247, %dma_wait3A_248] : memref<8x128x16xf32, #tpu.memory_space<vmem>> -> memref<1x128x16xf32, #tpu.memory_space<vmem>>
      %dma_wait3A_250 = tpu.memref_squeeze %dma_wait3A_249 : memref<1x128x16xf32, #tpu.memory_space<vmem>> -> memref<128x16xf32, #tpu.memory_space<vmem>>
      %dma_wait3A_251 = arith.constant 0 : i32
      %dma_wait3A_252 = tpu.memref_slice %arg6[%dma_wait3A_245, %dma_wait3A_251] : memref<80x128xi32, #tpu.memory_space<vmem>> -> memref<1x128xi32, #tpu.memory_space<vmem>>
      %dma_wait3A_253 = tpu.memref_squeeze %dma_wait3A_252 : memref<1x128xi32, #tpu.memory_space<vmem>> -> memref<128xi32, #tpu.memory_space<vmem>>
      %dma_wait3A_254 = arith.constant 0 : i32
      %dma_wait3A_255 = arith.constant 0 : i32
      %dma_wait3A_256 = tpu.memref_slice %arg11[%dma_wait3A_254, %dma_wait3A_255] : memref<10000x16xf32, #tpu.memory_space<vmem_shared>> -> memref<10000x16xf32, #tpu.memory_space<vmem_shared>>
      tpu.wait_indirect_dma semaphore(%arg16 : memref<!tpu.dma_semaphore, #tpu.memory_space<semaphore_mem>>) src(%dma_wait3A_256 : memref<10000x16xf32, #tpu.memory_space<vmem_shared>>) dst(%dma_wait3A_250 : memref<128x16xf32, #tpu.memory_space<vmem>>)
      %dma_start3A_257 = arith.constant 4 : i32
      %dma_start3A_258 = arith.constant 4 : i32
      %dma_start3A_259 = arith.constant 0 : i32
      %dma_start3A_260 = arith.constant 0 : i32
      %dma_start3A_261 = tpu.memref_slice %arg8[%dma_start3A_257, %dma_start3A_259, %dma_start3A_260] : memref<8x128x16xf32, #tpu.memory_space<vmem>> -> memref<1x128x16xf32, #tpu.memory_space<vmem>>
      %dma_start3A_262 = tpu.memref_squeeze %dma_start3A_261 : memref<1x128x16xf32, #tpu.memory_space<vmem>> -> memref<128x16xf32, #tpu.memory_space<vmem>>
      %dma_start3A_263 = arith.constant 0 : i32
      %dma_start3A_264 = tpu.memref_slice %arg7[%dma_start3A_258, %dma_start3A_263] : memref<80x128xi32, #tpu.memory_space<vmem>> -> memref<1x128xi32, #tpu.memory_space<vmem>>
      %dma_start3A_265 = tpu.memref_squeeze %dma_start3A_264 : memref<1x128xi32, #tpu.memory_space<vmem>> -> memref<128xi32, #tpu.memory_space<vmem>>
      %dma_start3A_266 = arith.constant 0 : i32
      %dma_start3A_267 = arith.constant 0 : i32
      %dma_start3A_268 = tpu.memref_slice %arg10[%dma_start3A_266, %dma_start3A_267] : memref<10112x16xf32, #tpu.memory_space<vmem_shared>> -> memref<10112x16xf32, #tpu.memory_space<vmem_shared>>
      tpu.enqueue_indirect_dma source(%dma_start3A_262 : memref<128x16xf32, #tpu.memory_space<vmem>>) target(%dma_start3A_268 : memref<10112x16xf32, #tpu.memory_space<vmem_shared>>) offsets(%dma_start3A_265 : memref<128xi32, #tpu.memory_space<vmem>>) semaphore(%arg24 : memref<!tpu.dma_semaphore, #tpu.memory_space<semaphore_mem>>) {add = true}
      %dma_wait3A_269 = arith.constant 0 : i32
      %dma_wait3A_270 = arith.constant 0 : i32
      %dma_wait3A_271 = arith.constant 0 : i32
      %dma_wait3A_272 = arith.constant 0 : i32
      %dma_wait3A_273 = tpu.memref_slice %arg8[%dma_wait3A_269, %dma_wait3A_271, %dma_wait3A_272] : memref<8x128x16xf32, #tpu.memory_space<vmem>> -> memref<1x128x16xf32, #tpu.memory_space<vmem>>
      %dma_wait3A_274 = tpu.memref_squeeze %dma_wait3A_273 : memref<1x128x16xf32, #tpu.memory_space<vmem>> -> memref<128x16xf32, #tpu.memory_space<vmem>>
      %dma_wait3A_275 = arith.constant 0 : i32
      %dma_wait3A_276 = tpu.memref_slice %arg7[%dma_wait3A_270, %dma_wait3A_275] : memref<80x128xi32, #tpu.memory_space<vmem>> -> memref<1x128xi32, #tpu.memory_space<vmem>>
      %dma_wait3A_277 = tpu.memref_squeeze %dma_wait3A_276 : memref<1x128xi32, #tpu.memory_space<vmem>> -> memref<128xi32, #tpu.memory_space<vmem>>
      %dma_wait3A_278 = arith.constant 0 : i32
      %dma_wait3A_279 = arith.constant 0 : i32
      %dma_wait3A_280 = tpu.memref_slice %arg10[%dma_wait3A_278, %dma_wait3A_279] : memref<10112x16xf32, #tpu.memory_space<vmem_shared>> -> memref<10112x16xf32, #tpu.memory_space<vmem_shared>>
      tpu.wait_indirect_dma semaphore(%arg20 : memref<!tpu.dma_semaphore, #tpu.memory_space<semaphore_mem>>) src(%dma_wait3A_274 : memref<128x16xf32, #tpu.memory_space<vmem>>) dst(%dma_wait3A_280 : memref<10112x16xf32, #tpu.memory_space<vmem_shared>>)
      %dma_start3A_281 = arith.constant 8 : i32
      %dma_start3A_282 = arith.constant 0 : i32
      %dma_start3A_283 = arith.constant 0 : i32
      %dma_start3A_284 = arith.constant 0 : i32
      %dma_start3A_285 = tpu.memref_slice %arg8[%dma_start3A_282, %dma_start3A_283, %dma_start3A_284] : memref<8x128x16xf32, #tpu.memory_space<vmem>> -> memref<1x128x16xf32, #tpu.memory_space<vmem>>
      %dma_start3A_286 = tpu.memref_squeeze %dma_start3A_285 : memref<1x128x16xf32, #tpu.memory_space<vmem>> -> memref<128x16xf32, #tpu.memory_space<vmem>>
      %dma_start3A_287 = arith.constant 0 : i32
      %dma_start3A_288 = tpu.memref_slice %arg6[%dma_start3A_281, %dma_start3A_287] : memref<80x128xi32, #tpu.memory_space<vmem>> -> memref<1x128xi32, #tpu.memory_space<vmem>>
      %dma_start3A_289 = tpu.memref_squeeze %dma_start3A_288 : memref<1x128xi32, #tpu.memory_space<vmem>> -> memref<128xi32, #tpu.memory_space<vmem>>
      %dma_start3A_290 = arith.constant 0 : i32
      %dma_start3A_291 = arith.constant 0 : i32
      %dma_start3A_292 = tpu.memref_slice %arg11[%dma_start3A_290, %dma_start3A_291] : memref<10000x16xf32, #tpu.memory_space<vmem_shared>> -> memref<10000x16xf32, #tpu.memory_space<vmem_shared>>
      tpu.enqueue_indirect_dma source(%dma_start3A_292 : memref<10000x16xf32, #tpu.memory_space<vmem_shared>>) target(%dma_start3A_286 : memref<128x16xf32, #tpu.memory_space<vmem>>) offsets(%dma_start3A_289 : memref<128xi32, #tpu.memory_space<vmem>>) semaphore(%arg12 : memref<!tpu.dma_semaphore, #tpu.memory_space<semaphore_mem>>)
      %dma_wait3A_293 = arith.constant 5 : i32
      %dma_wait3A_294 = arith.constant 5 : i32
      %dma_wait3A_295 = arith.constant 0 : i32
      %dma_wait3A_296 = arith.constant 0 : i32
      %dma_wait3A_297 = tpu.memref_slice %arg8[%dma_wait3A_294, %dma_wait3A_295, %dma_wait3A_296] : memref<8x128x16xf32, #tpu.memory_space<vmem>> -> memref<1x128x16xf32, #tpu.memory_space<vmem>>
      %dma_wait3A_298 = tpu.memref_squeeze %dma_wait3A_297 : memref<1x128x16xf32, #tpu.memory_space<vmem>> -> memref<128x16xf32, #tpu.memory_space<vmem>>
      %dma_wait3A_299 = arith.constant 0 : i32
      %dma_wait3A_300 = tpu.memref_slice %arg6[%dma_wait3A_293, %dma_wait3A_299] : memref<80x128xi32, #tpu.memory_space<vmem>> -> memref<1x128xi32, #tpu.memory_space<vmem>>
      %dma_wait3A_301 = tpu.memref_squeeze %dma_wait3A_300 : memref<1x128xi32, #tpu.memory_space<vmem>> -> memref<128xi32, #tpu.memory_space<vmem>>
      %dma_wait3A_302 = arith.constant 0 : i32
      %dma_wait3A_303 = arith.constant 0 : i32
      %dma_wait3A_304 = tpu.memref_slice %arg11[%dma_wait3A_302, %dma_wait3A_303] : memref<10000x16xf32, #tpu.memory_space<vmem_shared>> -> memref<10000x16xf32, #tpu.memory_space<vmem_shared>>
      tpu.wait_indirect_dma semaphore(%arg17 : memref<!tpu.dma_semaphore, #tpu.memory_space<semaphore_mem>>) src(%dma_wait3A_304 : memref<10000x16xf32, #tpu.memory_space<vmem_shared>>) dst(%dma_wait3A_298 : memref<128x16xf32, #tpu.memory_space<vmem>>)
      %dma_start3A_305 = arith.constant 5 : i32
      %dma_start3A_306 = arith.constant 5 : i32
      %dma_start3A_307 = arith.constant 0 : i32
      %dma_start3A_308 = arith.constant 0 : i32
      %dma_start3A_309 = tpu.memref_slice %arg8[%dma_start3A_305, %dma_start3A_307, %dma_start3A_308] : memref<8x128x16xf32, #tpu.memory_space<vmem>> -> memref<1x128x16xf32, #tpu.memory_space<vmem>>
      %dma_start3A_310 = tpu.memref_squeeze %dma_start3A_309 : memref<1x128x16xf32, #tpu.memory_space<vmem>> -> memref<128x16xf32, #tpu.memory_space<vmem>>
      %dma_start3A_311 = arith.constant 0 : i32
      %dma_start3A_312 = tpu.memref_slice %arg7[%dma_start3A_306, %dma_start3A_311] : memref<80x128xi32, #tpu.memory_space<vmem>> -> memref<1x128xi32, #tpu.memory_space<vmem>>
      %dma_start3A_313 = tpu.memref_squeeze %dma_start3A_312 : memref<1x128xi32, #tpu.memory_space<vmem>> -> memref<128xi32, #tpu.memory_space<vmem>>
      %dma_start3A_314 = arith.constant 0 : i32
      %dma_start3A_315 = arith.constant 0 : i32
      %dma_start3A_316 = tpu.memref_slice %arg10[%dma_start3A_314, %dma_start3A_315] : memref<10112x16xf32, #tpu.memory_space<vmem_shared>> -> memref<10112x16xf32, #tpu.memory_space<vmem_shared>>
      tpu.enqueue_indirect_dma source(%dma_start3A_310 : memref<128x16xf32, #tpu.memory_space<vmem>>) target(%dma_start3A_316 : memref<10112x16xf32, #tpu.memory_space<vmem_shared>>) offsets(%dma_start3A_313 : memref<128xi32, #tpu.memory_space<vmem>>) semaphore(%arg25 : memref<!tpu.dma_semaphore, #tpu.memory_space<semaphore_mem>>) {add = true}
      %dma_wait3A_317 = arith.constant 1 : i32
      %dma_wait3A_318 = arith.constant 1 : i32
      %dma_wait3A_319 = arith.constant 0 : i32
      %dma_wait3A_320 = arith.constant 0 : i32
      %dma_wait3A_321 = tpu.memref_slice %arg8[%dma_wait3A_317, %dma_wait3A_319, %dma_wait3A_320] : memref<8x128x16xf32, #tpu.memory_space<vmem>> -> memref<1x128x16xf32, #tpu.memory_space<vmem>>
      %dma_wait3A_322 = tpu.memref_squeeze %dma_wait3A_321 : memref<1x128x16xf32, #tpu.memory_space<vmem>> -> memref<128x16xf32, #tpu.memory_space<vmem>>
      %dma_wait3A_323 = arith.constant 0 : i32
      %dma_wait3A_324 = tpu.memref_slice %arg7[%dma_wait3A_318, %dma_wait3A_323] : memref<80x128xi32, #tpu.memory_space<vmem>> -> memref<1x128xi32, #tpu.memory_space<vmem>>
      %dma_wait3A_325 = tpu.memref_squeeze %dma_wait3A_324 : memref<1x128xi32, #tpu.memory_space<vmem>> -> memref<128xi32, #tpu.memory_space<vmem>>
      %dma_wait3A_326 = arith.constant 0 : i32
      %dma_wait3A_327 = arith.constant 0 : i32
      %dma_wait3A_328 = tpu.memref_slice %arg10[%dma_wait3A_326, %dma_wait3A_327] : memref<10112x16xf32, #tpu.memory_space<vmem_shared>> -> memref<10112x16xf32, #tpu.memory_space<vmem_shared>>
      tpu.wait_indirect_dma semaphore(%arg21 : memref<!tpu.dma_semaphore, #tpu.memory_space<semaphore_mem>>) src(%dma_wait3A_322 : memref<128x16xf32, #tpu.memory_space<vmem>>) dst(%dma_wait3A_328 : memref<10112x16xf32, #tpu.memory_space<vmem_shared>>)
      %dma_start3A_329 = arith.constant 9 : i32
      %dma_start3A_330 = arith.constant 1 : i32
      %dma_start3A_331 = arith.constant 0 : i32
      %dma_start3A_332 = arith.constant 0 : i32
      %dma_start3A_333 = tpu.memref_slice %arg8[%dma_start3A_330, %dma_start3A_331, %dma_start3A_332] : memref<8x128x16xf32, #tpu.memory_space<vmem>> -> memref<1x128x16xf32, #tpu.memory_space<vmem>>
      %dma_start3A_334 = tpu.memref_squeeze %dma_start3A_333 : memref<1x128x16xf32, #tpu.memory_space<vmem>> -> memref<128x16xf32, #tpu.memory_space<vmem>>
      %dma_start3A_335 = arith.constant 0 : i32
      %dma_start3A_336 = tpu.memref_slice %arg6[%dma_start3A_329, %dma_start3A_335] : memref<80x128xi32, #tpu.memory_space<vmem>> -> memref<1x128xi32, #tpu.memory_space<vmem>>
      %dma_start3A_337 = tpu.memref_squeeze %dma_start3A_336 : memref<1x128xi32, #tpu.memory_space<vmem>> -> memref<128xi32, #tpu.memory_space<vmem>>
      %dma_start3A_338 = arith.constant 0 : i32
      %dma_start3A_339 = arith.constant 0 : i32
      %dma_start3A_340 = tpu.memref_slice %arg11[%dma_start3A_338, %dma_start3A_339] : memref<10000x16xf32, #tpu.memory_space<vmem_shared>> -> memref<10000x16xf32, #tpu.memory_space<vmem_shared>>
      tpu.enqueue_indirect_dma source(%dma_start3A_340 : memref<10000x16xf32, #tpu.memory_space<vmem_shared>>) target(%dma_start3A_334 : memref<128x16xf32, #tpu.memory_space<vmem>>) offsets(%dma_start3A_337 : memref<128xi32, #tpu.memory_space<vmem>>) semaphore(%arg13 : memref<!tpu.dma_semaphore, #tpu.memory_space<semaphore_mem>>)
      %dma_wait3A_341 = arith.constant 6 : i32
      %dma_wait3A_342 = arith.constant 6 : i32
      %dma_wait3A_343 = arith.constant 0 : i32
      %dma_wait3A_344 = arith.constant 0 : i32
      %dma_wait3A_345 = tpu.memref_slice %arg8[%dma_wait3A_342, %dma_wait3A_343, %dma_wait3A_344] : memref<8x128x16xf32, #tpu.memory_space<vmem>> -> memref<1x128x16xf32, #tpu.memory_space<vmem>>
      %dma_wait3A_346 = tpu.memref_squeeze %dma_wait3A_345 : memref<1x128x16xf32, #tpu.memory_space<vmem>> -> memref<128x16xf32, #tpu.memory_space<vmem>>
      %dma_wait3A_347 = arith.constant 0 : i32
      %dma_wait3A_348 = tpu.memref_slice %arg6[%dma_wait3A_341, %dma_wait3A_347] : memref<80x128xi32, #tpu.memory_space<vmem>> -> memref<1x128xi32, #tpu.memory_space<vmem>>
      %dma_wait3A_349 = tpu.memref_squeeze %dma_wait3A_348 : memref<1x128xi32, #tpu.memory_space<vmem>> -> memref<128xi32, #tpu.memory_space<vmem>>
      %dma_wait3A_350 = arith.constant 0 : i32
      %dma_wait3A_351 = arith.constant 0 : i32
      %dma_wait3A_352 = tpu.memref_slice %arg11[%dma_wait3A_350, %dma_wait3A_351] : memref<10000x16xf32, #tpu.memory_space<vmem_shared>> -> memref<10000x16xf32, #tpu.memory_space<vmem_shared>>
      tpu.wait_indirect_dma semaphore(%arg18 : memref<!tpu.dma_semaphore, #tpu.memory_space<semaphore_mem>>) src(%dma_wait3A_352 : memref<10000x16xf32, #tpu.memory_space<vmem_shared>>) dst(%dma_wait3A_346 : memref<128x16xf32, #tpu.memory_space<vmem>>)
      %dma_start3A_353 = arith.constant 6 : i32
      %dma_start3A_354 = arith.constant 6 : i32
      %dma_start3A_355 = arith.constant 0 : i32
      %dma_start3A_356 = arith.constant 0 : i32
      %dma_start3A_357 = tpu.memref_slice %arg8[%dma_start3A_353, %dma_start3A_355, %dma_start3A_356] : memref<8x128x16xf32, #tpu.memory_space<vmem>> -> memref<1x128x16xf32, #tpu.memory_space<vmem>>
      %dma_start3A_358 = tpu.memref_squeeze %dma_start3A_357 : memref<1x128x16xf32, #tpu.memory_space<vmem>> -> memref<128x16xf32, #tpu.memory_space<vmem>>
      %dma_start3A_359 = arith.constant 0 : i32
      %dma_start3A_360 = tpu.memref_slice %arg7[%dma_start3A_354, %dma_start3A_359] : memref<80x128xi32, #tpu.memory_space<vmem>> -> memref<1x128xi32, #tpu.memory_space<vmem>>
      %dma_start3A_361 = tpu.memref_squeeze %dma_start3A_360 : memref<1x128xi32, #tpu.memory_space<vmem>> -> memref<128xi32, #tpu.memory_space<vmem>>
      %dma_start3A_362 = arith.constant 0 : i32
      %dma_start3A_363 = arith.constant 0 : i32
      %dma_start3A_364 = tpu.memref_slice %arg10[%dma_start3A_362, %dma_start3A_363] : memref<10112x16xf32, #tpu.memory_space<vmem_shared>> -> memref<10112x16xf32, #tpu.memory_space<vmem_shared>>
      tpu.enqueue_indirect_dma source(%dma_start3A_358 : memref<128x16xf32, #tpu.memory_space<vmem>>) target(%dma_start3A_364 : memref<10112x16xf32, #tpu.memory_space<vmem_shared>>) offsets(%dma_start3A_361 : memref<128xi32, #tpu.memory_space<vmem>>) semaphore(%arg26 : memref<!tpu.dma_semaphore, #tpu.memory_space<semaphore_mem>>) {add = true}
      %dma_wait3A_365 = arith.constant 2 : i32
      %dma_wait3A_366 = arith.constant 2 : i32
      %dma_wait3A_367 = arith.constant 0 : i32
      %dma_wait3A_368 = arith.constant 0 : i32
      %dma_wait3A_369 = tpu.memref_slice %arg8[%dma_wait3A_365, %dma_wait3A_367, %dma_wait3A_368] : memref<8x128x16xf32, #tpu.memory_space<vmem>> -> memref<1x128x16xf32, #tpu.memory_space<vmem>>
      %dma_wait3A_370 = tpu.memref_squeeze %dma_wait3A_369 : memref<1x128x16xf32, #tpu.memory_space<vmem>> -> memref<128x16xf32, #tpu.memory_space<vmem>>
      %dma_wait3A_371 = arith.constant 0 : i32
      %dma_wait3A_372 = tpu.memref_slice %arg7[%dma_wait3A_366, %dma_wait3A_371] : memref<80x128xi32, #tpu.memory_space<vmem>> -> memref<1x128xi32, #tpu.memory_space<vmem>>
      %dma_wait3A_373 = tpu.memref_squeeze %dma_wait3A_372 : memref<1x128xi32, #tpu.memory_space<vmem>> -> memref<128xi32, #tpu.memory_space<vmem>>
      %dma_wait3A_374 = arith.constant 0 : i32
      %dma_wait3A_375 = arith.constant 0 : i32
      %dma_wait3A_376 = tpu.memref_slice %arg10[%dma_wait3A_374, %dma_wait3A_375] : memref<10112x16xf32, #tpu.memory_space<vmem_shared>> -> memref<10112x16xf32, #tpu.memory_space<vmem_shared>>
      tpu.wait_indirect_dma semaphore(%arg22 : memref<!tpu.dma_semaphore, #tpu.memory_space<semaphore_mem>>) src(%dma_wait3A_370 : memref<128x16xf32, #tpu.memory_space<vmem>>) dst(%dma_wait3A_376 : memref<10112x16xf32, #tpu.memory_space<vmem_shared>>)
      %dma_start3A_377 = arith.constant 10 : i32
      %dma_start3A_378 = arith.constant 2 : i32
      %dma_start3A_379 = arith.constant 0 : i32
      %dma_start3A_380 = arith.constant 0 : i32
      %dma_start3A_381 = tpu.memref_slice %arg8[%dma_start3A_378, %dma_start3A_379, %dma_start3A_380] : memref<8x128x16xf32, #tpu.memory_space<vmem>> -> memref<1x128x16xf32, #tpu.memory_space<vmem>>
      %dma_start3A_382 = tpu.memref_squeeze %dma_start3A_381 : memref<1x128x16xf32, #tpu.memory_space<vmem>> -> memref<128x16xf32, #tpu.memory_space<vmem>>
      %dma_start3A_383 = arith.constant 0 : i32
      %dma_start3A_384 = tpu.memref_slice %arg6[%dma_start3A_377, %dma_start3A_383] : memref<80x128xi32, #tpu.memory_space<vmem>> -> memref<1x128xi32, #tpu.memory_space<vmem>>
      %dma_start3A_385 = tpu.memref_squeeze %dma_start3A_384 : memref<1x128xi32, #tpu.memory_space<vmem>> -> memref<128xi32, #tpu.memory_space<vmem>>
      %dma_start3A_386 = arith.constant 0 : i32
      %dma_start3A_387 = arith.constant 0 : i32
      %dma_start3A_388 = tpu.memref_slice %arg11[%dma_start3A_386, %dma_start3A_387] : memref<10000x16xf32, #tpu.memory_space<vmem_shared>> -> memref<10000x16xf32, #tpu.memory_space<vmem_shared>>
      tpu.enqueue_indirect_dma source(%dma_start3A_388 : memref<10000x16xf32, #tpu.memory_space<vmem_shared>>) target(%dma_start3A_382 : memref<128x16xf32, #tpu.memory_space<vmem>>) offsets(%dma_start3A_385 : memref<128xi32, #tpu.memory_space<vmem>>) semaphore(%arg14 : memref<!tpu.dma_semaphore, #tpu.memory_space<semaphore_mem>>)
      %dma_wait3A_389 = arith.constant 7 : i32
      %dma_wait3A_390 = arith.constant 7 : i32
      %dma_wait3A_391 = arith.constant 0 : i32
      %dma_wait3A_392 = arith.constant 0 : i32
      %dma_wait3A_393 = tpu.memref_slice %arg8[%dma_wait3A_390, %dma_wait3A_391, %dma_wait3A_392] : memref<8x128x16xf32, #tpu.memory_space<vmem>> -> memref<1x128x16xf32, #tpu.memory_space<vmem>>
      %dma_wait3A_394 = tpu.memref_squeeze %dma_wait3A_393 : memref<1x128x16xf32, #tpu.memory_space<vmem>> -> memref<128x16xf32, #tpu.memory_space<vmem>>
      %dma_wait3A_395 = arith.constant 0 : i32
      %dma_wait3A_396 = tpu.memref_slice %arg6[%dma_wait3A_389, %dma_wait3A_395] : memref<80x128xi32, #tpu.memory_space<vmem>> -> memref<1x128xi32, #tpu.memory_space<vmem>>
      %dma_wait3A_397 = tpu.memref_squeeze %dma_wait3A_396 : memref<1x128xi32, #tpu.memory_space<vmem>> -> memref<128xi32, #tpu.memory_space<vmem>>
      %dma_wait3A_398 = arith.constant 0 : i32
      %dma_wait3A_399 = arith.constant 0 : i32
      %dma_wait3A_400 = tpu.memref_slice %arg11[%dma_wait3A_398, %dma_wait3A_399] : memref<10000x16xf32, #tpu.memory_space<vmem_shared>> -> memref<10000x16xf32, #tpu.memory_space<vmem_shared>>
      tpu.wait_indirect_dma semaphore(%arg19 : memref<!tpu.dma_semaphore, #tpu.memory_space<semaphore_mem>>) src(%dma_wait3A_400 : memref<10000x16xf32, #tpu.memory_space<vmem_shared>>) dst(%dma_wait3A_394 : memref<128x16xf32, #tpu.memory_space<vmem>>)
      %dma_start3A_401 = arith.constant 7 : i32
      %dma_start3A_402 = arith.constant 7 : i32
      %dma_start3A_403 = arith.constant 0 : i32
      %dma_start3A_404 = arith.constant 0 : i32
      %dma_start3A_405 = tpu.memref_slice %arg8[%dma_start3A_401, %dma_start3A_403, %dma_start3A_404] : memref<8x128x16xf32, #tpu.memory_space<vmem>> -> memref<1x128x16xf32, #tpu.memory_space<vmem>>
      %dma_start3A_406 = tpu.memref_squeeze %dma_start3A_405 : memref<1x128x16xf32, #tpu.memory_space<vmem>> -> memref<128x16xf32, #tpu.memory_space<vmem>>
      %dma_start3A_407 = arith.constant 0 : i32
      %dma_start3A_408 = tpu.memref_slice %arg7[%dma_start3A_402, %dma_start3A_407] : memref<80x128xi32, #tpu.memory_space<vmem>> -> memref<1x128xi32, #tpu.memory_space<vmem>>
      %dma_start3A_409 = tpu.memref_squeeze %dma_start3A_408 : memref<1x128xi32, #tpu.memory_space<vmem>> -> memref<128xi32, #tpu.memory_space<vmem>>
      %dma_start3A_410 = arith.constant 0 : i32
      %dma_start3A_411 = arith.constant 0 : i32
      %dma_start3A_412 = tpu.memref_slice %arg10[%dma_start3A_410, %dma_start3A_411] : memref<10112x16xf32, #tpu.memory_space<vmem_shared>> -> memref<10112x16xf32, #tpu.memory_space<vmem_shared>>
      tpu.enqueue_indirect_dma source(%dma_start3A_406 : memref<128x16xf32, #tpu.memory_space<vmem>>) target(%dma_start3A_412 : memref<10112x16xf32, #tpu.memory_space<vmem_shared>>) offsets(%dma_start3A_409 : memref<128xi32, #tpu.memory_space<vmem>>) semaphore(%arg27 : memref<!tpu.dma_semaphore, #tpu.memory_space<semaphore_mem>>) {add = true}
      %dma_wait3A_413 = arith.constant 3 : i32
      %dma_wait3A_414 = arith.constant 3 : i32
      %dma_wait3A_415 = arith.constant 0 : i32
      %dma_wait3A_416 = arith.constant 0 : i32
      %dma_wait3A_417 = tpu.memref_slice %arg8[%dma_wait3A_413, %dma_wait3A_415, %dma_wait3A_416] : memref<8x128x16xf32, #tpu.memory_space<vmem>> -> memref<1x128x16xf32, #tpu.memory_space<vmem>>
      %dma_wait3A_418 = tpu.memref_squeeze %dma_wait3A_417 : memref<1x128x16xf32, #tpu.memory_space<vmem>> -> memref<128x16xf32, #tpu.memory_space<vmem>>
      %dma_wait3A_419 = arith.constant 0 : i32
      %dma_wait3A_420 = tpu.memref_slice %arg7[%dma_wait3A_414, %dma_wait3A_419] : memref<80x128xi32, #tpu.memory_space<vmem>> -> memref<1x128xi32, #tpu.memory_space<vmem>>
      %dma_wait3A_421 = tpu.memref_squeeze %dma_wait3A_420 : memref<1x128xi32, #tpu.memory_space<vmem>> -> memref<128xi32, #tpu.memory_space<vmem>>
      %dma_wait3A_422 = arith.constant 0 : i32
      %dma_wait3A_423 = arith.constant 0 : i32
      %dma_wait3A_424 = tpu.memref_slice %arg10[%dma_wait3A_422, %dma_wait3A_423] : memref<10112x16xf32, #tpu.memory_space<vmem_shared>> -> memref<10112x16xf32, #tpu.memory_space<vmem_shared>>
      tpu.wait_indirect_dma semaphore(%arg23 : memref<!tpu.dma_semaphore, #tpu.memory_space<semaphore_mem>>) src(%dma_wait3A_418 : memref<128x16xf32, #tpu.memory_space<vmem>>) dst(%dma_wait3A_424 : memref<10112x16xf32, #tpu.memory_space<vmem_shared>>)
      %dma_start3A_425 = arith.constant 11 : i32
      %dma_start3A_426 = arith.constant 3 : i32
      %dma_start3A_427 = arith.constant 0 : i32
      %dma_start3A_428 = arith.constant 0 : i32
      %dma_start3A_429 = tpu.memref_slice %arg8[%dma_start3A_426, %dma_start3A_427, %dma_start3A_428] : memref<8x128x16xf32, #tpu.memory_space<vmem>> -> memref<1x128x16xf32, #tpu.memory_space<vmem>>
      %dma_start3A_430 = tpu.memref_squeeze %dma_start3A_429 : memref<1x128x16xf32, #tpu.memory_space<vmem>> -> memref<128x16xf32, #tpu.memory_space<vmem>>
      %dma_start3A_431 = arith.constant 0 : i32
      %dma_start3A_432 = tpu.memref_slice %arg6[%dma_start3A_425, %dma_start3A_431] : memref<80x128xi32, #tpu.memory_space<vmem>> -> memref<1x128xi32, #tpu.memory_space<vmem>>
      %dma_start3A_433 = tpu.memref_squeeze %dma_start3A_432 : memref<1x128xi32, #tpu.memory_space<vmem>> -> memref<128xi32, #tpu.memory_space<vmem>>
      %dma_start3A_434 = arith.constant 0 : i32
      %dma_start3A_435 = arith.constant 0 : i32
      %dma_start3A_436 = tpu.memref_slice %arg11[%dma_start3A_434, %dma_start3A_435] : memref<10000x16xf32, #tpu.memory_space<vmem_shared>> -> memref<10000x16xf32, #tpu.memory_space<vmem_shared>>
      tpu.enqueue_indirect_dma source(%dma_start3A_436 : memref<10000x16xf32, #tpu.memory_space<vmem_shared>>) target(%dma_start3A_430 : memref<128x16xf32, #tpu.memory_space<vmem>>) offsets(%dma_start3A_433 : memref<128xi32, #tpu.memory_space<vmem>>) semaphore(%arg15 : memref<!tpu.dma_semaphore, #tpu.memory_space<semaphore_mem>>)
      %scan3A_437 = arith.constant 0 : i32
      %scan3A_438 = arith.constant 1 : i32
      %scan3A_439 = arith.constant 9 : i32
      %scan3A_440 = arith.addi %scan3A_438, %scan3A_439 : i32
      %scan3A_441 = arith.constant 1 : i32
      scf.for %scan3A_539 = %scan3A_438 to %scan3A_440 step %scan3A_441  : i32 {
        %mul3A_540 = arith.constant 8 : i32
        %mul3A_541 = arith.muli %scan3A_539, %mul3A_540 : i32
        %add3A_542 = arith.constant 0 : i32
        %add3A_543 = arith.addi %mul3A_541, %add3A_542 : i32
        %dma_wait3A_544 = arith.constant 0 : i32
        %dma_wait3A_545 = arith.constant 0 : i32
        %dma_wait3A_546 = arith.constant 0 : i32
        %dma_wait3A_547 = tpu.memref_slice %arg8[%dma_wait3A_544, %dma_wait3A_545, %dma_wait3A_546] : memref<8x128x16xf32, #tpu.memory_space<vmem>> -> memref<1x128x16xf32, #tpu.memory_space<vmem>>
        %dma_wait3A_548 = tpu.memref_squeeze %dma_wait3A_547 : memref<1x128x16xf32, #tpu.memory_space<vmem>> -> memref<128x16xf32, #tpu.memory_space<vmem>>
        %dma_wait3A_549 = arith.constant 0 : i32
        %dma_wait3A_550 = tpu.memref_slice %arg6[%add3A_543, %dma_wait3A_549] : memref<80x128xi32, #tpu.memory_space<vmem>> -> memref<1x128xi32, #tpu.memory_space<vmem>>
        %dma_wait3A_551 = tpu.memref_squeeze %dma_wait3A_550 : memref<1x128xi32, #tpu.memory_space<vmem>> -> memref<128xi32, #tpu.memory_space<vmem>>
        %dma_wait3A_552 = arith.constant 0 : i32
        %dma_wait3A_553 = arith.constant 0 : i32
        %dma_wait3A_554 = tpu.memref_slice %arg11[%dma_wait3A_552, %dma_wait3A_553] : memref<10000x16xf32, #tpu.memory_space<vmem_shared>> -> memref<10000x16xf32, #tpu.memory_space<vmem_shared>>
        tpu.wait_indirect_dma semaphore(%arg12 : memref<!tpu.dma_semaphore, #tpu.memory_space<semaphore_mem>>) src(%dma_wait3A_554 : memref<10000x16xf32, #tpu.memory_space<vmem_shared>>) dst(%dma_wait3A_548 : memref<128x16xf32, #tpu.memory_space<vmem>>)
        %dma_start3A_555 = arith.constant 0 : i32
        %dma_start3A_556 = arith.constant 0 : i32
        %dma_start3A_557 = arith.constant 0 : i32
        %dma_start3A_558 = tpu.memref_slice %arg8[%dma_start3A_555, %dma_start3A_556, %dma_start3A_557] : memref<8x128x16xf32, #tpu.memory_space<vmem>> -> memref<1x128x16xf32, #tpu.memory_space<vmem>>
        %dma_start3A_559 = tpu.memref_squeeze %dma_start3A_558 : memref<1x128x16xf32, #tpu.memory_space<vmem>> -> memref<128x16xf32, #tpu.memory_space<vmem>>
        %dma_start3A_560 = arith.constant 0 : i32
        %dma_start3A_561 = tpu.memref_slice %arg7[%add3A_543, %dma_start3A_560] : memref<80x128xi32, #tpu.memory_space<vmem>> -> memref<1x128xi32, #tpu.memory_space<vmem>>
        %dma_start3A_562 = tpu.memref_squeeze %dma_start3A_561 : memref<1x128xi32, #tpu.memory_space<vmem>> -> memref<128xi32, #tpu.memory_space<vmem>>
        %dma_start3A_563 = arith.constant 0 : i32
        %dma_start3A_564 = arith.constant 0 : i32
        %dma_start3A_565 = tpu.memref_slice %arg10[%dma_start3A_563, %dma_start3A_564] : memref<10112x16xf32, #tpu.memory_space<vmem_shared>> -> memref<10112x16xf32, #tpu.memory_space<vmem_shared>>
        tpu.enqueue_indirect_dma source(%dma_start3A_559 : memref<128x16xf32, #tpu.memory_space<vmem>>) target(%dma_start3A_565 : memref<10112x16xf32, #tpu.memory_space<vmem_shared>>) offsets(%dma_start3A_562 : memref<128xi32, #tpu.memory_space<vmem>>) semaphore(%arg20 : memref<!tpu.dma_semaphore, #tpu.memory_space<semaphore_mem>>) {add = true}
        %add3A_566 = arith.constant 4 : i32
        %add3A_567 = arith.addi %add3A_543, %add3A_566 : i32
        %lt3A_568 = arith.constant 80 : i32
        %lt3A_569 = arith.cmpi slt, %add3A_567, %lt3A_568 : i32
        %convert_element_type3A_570 = arith.extui %lt3A_569 : i1 to i32
        %cond3A_571 = arith.constant 0 : i32
        %cond3A_572 = arith.cmpi ne, %convert_element_type3A_570, %cond3A_571 : i32
        scf.if %cond3A_572 {
          %sub3A = arith.constant 4 : i32
          %sub3A_804 = arith.subi %add3A_543, %sub3A : i32
          %dma_wait3A_805 = arith.constant 4 : i32
          %dma_wait3A_806 = arith.constant 0 : i32
          %dma_wait3A_807 = arith.constant 0 : i32
          %dma_wait3A_808 = tpu.memref_slice %arg8[%dma_wait3A_805, %dma_wait3A_806, %dma_wait3A_807] : memref<8x128x16xf32, #tpu.memory_space<vmem>> -> memref<1x128x16xf32, #tpu.memory_space<vmem>>
          %dma_wait3A_809 = tpu.memref_squeeze %dma_wait3A_808 : memref<1x128x16xf32, #tpu.memory_space<vmem>> -> memref<128x16xf32, #tpu.memory_space<vmem>>
          %dma_wait3A_810 = arith.constant 0 : i32
          %dma_wait3A_811 = tpu.memref_slice %arg7[%sub3A_804, %dma_wait3A_810] : memref<80x128xi32, #tpu.memory_space<vmem>> -> memref<1x128xi32, #tpu.memory_space<vmem>>
          %dma_wait3A_812 = tpu.memref_squeeze %dma_wait3A_811 : memref<1x128xi32, #tpu.memory_space<vmem>> -> memref<128xi32, #tpu.memory_space<vmem>>
          %dma_wait3A_813 = arith.constant 0 : i32
          %dma_wait3A_814 = arith.constant 0 : i32
          %dma_wait3A_815 = tpu.memref_slice %arg10[%dma_wait3A_813, %dma_wait3A_814] : memref<10112x16xf32, #tpu.memory_space<vmem_shared>> -> memref<10112x16xf32, #tpu.memory_space<vmem_shared>>
          tpu.wait_indirect_dma semaphore(%arg24 : memref<!tpu.dma_semaphore, #tpu.memory_space<semaphore_mem>>) src(%dma_wait3A_809 : memref<128x16xf32, #tpu.memory_space<vmem>>) dst(%dma_wait3A_815 : memref<10112x16xf32, #tpu.memory_space<vmem_shared>>)
          %add3A_816 = arith.constant 4 : i32
          %add3A_817 = arith.addi %add3A_543, %add3A_816 : i32
          %dma_start3A_818 = arith.constant 4 : i32
          %dma_start3A_819 = arith.constant 0 : i32
          %dma_start3A_820 = arith.constant 0 : i32
          %dma_start3A_821 = tpu.memref_slice %arg8[%dma_start3A_818, %dma_start3A_819, %dma_start3A_820] : memref<8x128x16xf32, #tpu.memory_space<vmem>> -> memref<1x128x16xf32, #tpu.memory_space<vmem>>
          %dma_start3A_822 = tpu.memref_squeeze %dma_start3A_821 : memref<1x128x16xf32, #tpu.memory_space<vmem>> -> memref<128x16xf32, #tpu.memory_space<vmem>>
          %dma_start3A_823 = arith.constant 0 : i32
          %dma_start3A_824 = tpu.memref_slice %arg6[%add3A_817, %dma_start3A_823] : memref<80x128xi32, #tpu.memory_space<vmem>> -> memref<1x128xi32, #tpu.memory_space<vmem>>
          %dma_start3A_825 = tpu.memref_squeeze %dma_start3A_824 : memref<1x128xi32, #tpu.memory_space<vmem>> -> memref<128xi32, #tpu.memory_space<vmem>>
          %dma_start3A_826 = arith.constant 0 : i32
          %dma_start3A_827 = arith.constant 0 : i32
          %dma_start3A_828 = tpu.memref_slice %arg11[%dma_start3A_826, %dma_start3A_827] : memref<10000x16xf32, #tpu.memory_space<vmem_shared>> -> memref<10000x16xf32, #tpu.memory_space<vmem_shared>>
          tpu.enqueue_indirect_dma source(%dma_start3A_828 : memref<10000x16xf32, #tpu.memory_space<vmem_shared>>) target(%dma_start3A_822 : memref<128x16xf32, #tpu.memory_space<vmem>>) offsets(%dma_start3A_825 : memref<128xi32, #tpu.memory_space<vmem>>) semaphore(%arg16 : memref<!tpu.dma_semaphore, #tpu.memory_space<semaphore_mem>>)
        } else {
        }
        %mul3A_573 = arith.constant 8 : i32
        %mul3A_574 = arith.muli %scan3A_539, %mul3A_573 : i32
        %add3A_575 = arith.constant 1 : i32
        %add3A_576 = arith.addi %mul3A_574, %add3A_575 : i32
        %dma_wait3A_577 = arith.constant 1 : i32
        %dma_wait3A_578 = arith.constant 0 : i32
        %dma_wait3A_579 = arith.constant 0 : i32
        %dma_wait3A_580 = tpu.memref_slice %arg8[%dma_wait3A_577, %dma_wait3A_578, %dma_wait3A_579] : memref<8x128x16xf32, #tpu.memory_space<vmem>> -> memref<1x128x16xf32, #tpu.memory_space<vmem>>
        %dma_wait3A_581 = tpu.memref_squeeze %dma_wait3A_580 : memref<1x128x16xf32, #tpu.memory_space<vmem>> -> memref<128x16xf32, #tpu.memory_space<vmem>>
        %dma_wait3A_582 = arith.constant 0 : i32
        %dma_wait3A_583 = tpu.memref_slice %arg6[%add3A_576, %dma_wait3A_582] : memref<80x128xi32, #tpu.memory_space<vmem>> -> memref<1x128xi32, #tpu.memory_space<vmem>>
        %dma_wait3A_584 = tpu.memref_squeeze %dma_wait3A_583 : memref<1x128xi32, #tpu.memory_space<vmem>> -> memref<128xi32, #tpu.memory_space<vmem>>
        %dma_wait3A_585 = arith.constant 0 : i32
        %dma_wait3A_586 = arith.constant 0 : i32
        %dma_wait3A_587 = tpu.memref_slice %arg11[%dma_wait3A_585, %dma_wait3A_586] : memref<10000x16xf32, #tpu.memory_space<vmem_shared>> -> memref<10000x16xf32, #tpu.memory_space<vmem_shared>>
        tpu.wait_indirect_dma semaphore(%arg13 : memref<!tpu.dma_semaphore, #tpu.memory_space<semaphore_mem>>) src(%dma_wait3A_587 : memref<10000x16xf32, #tpu.memory_space<vmem_shared>>) dst(%dma_wait3A_581 : memref<128x16xf32, #tpu.memory_space<vmem>>)
        %dma_start3A_588 = arith.constant 1 : i32
        %dma_start3A_589 = arith.constant 0 : i32
        %dma_start3A_590 = arith.constant 0 : i32
        %dma_start3A_591 = tpu.memref_slice %arg8[%dma_start3A_588, %dma_start3A_589, %dma_start3A_590] : memref<8x128x16xf32, #tpu.memory_space<vmem>> -> memref<1x128x16xf32, #tpu.memory_space<vmem>>
        %dma_start3A_592 = tpu.memref_squeeze %dma_start3A_591 : memref<1x128x16xf32, #tpu.memory_space<vmem>> -> memref<128x16xf32, #tpu.memory_space<vmem>>
        %dma_start3A_593 = arith.constant 0 : i32
        %dma_start3A_594 = tpu.memref_slice %arg7[%add3A_576, %dma_start3A_593] : memref<80x128xi32, #tpu.memory_space<vmem>> -> memref<1x128xi32, #tpu.memory_space<vmem>>
        %dma_start3A_595 = tpu.memref_squeeze %dma_start3A_594 : memref<1x128xi32, #tpu.memory_space<vmem>> -> memref<128xi32, #tpu.memory_space<vmem>>
        %dma_start3A_596 = arith.constant 0 : i32
        %dma_start3A_597 = arith.constant 0 : i32
        %dma_start3A_598 = tpu.memref_slice %arg10[%dma_start3A_596, %dma_start3A_597] : memref<10112x16xf32, #tpu.memory_space<vmem_shared>> -> memref<10112x16xf32, #tpu.memory_space<vmem_shared>>
        tpu.enqueue_indirect_dma source(%dma_start3A_592 : memref<128x16xf32, #tpu.memory_space<vmem>>) target(%dma_start3A_598 : memref<10112x16xf32, #tpu.memory_space<vmem_shared>>) offsets(%dma_start3A_595 : memref<128xi32, #tpu.memory_space<vmem>>) semaphore(%arg21 : memref<!tpu.dma_semaphore, #tpu.memory_space<semaphore_mem>>) {add = true}
        %add3A_599 = arith.constant 4 : i32
        %add3A_600 = arith.addi %add3A_576, %add3A_599 : i32
        %lt3A_601 = arith.constant 80 : i32
        %lt3A_602 = arith.cmpi slt, %add3A_600, %lt3A_601 : i32
        %convert_element_type3A_603 = arith.extui %lt3A_602 : i1 to i32
        %cond3A_604 = arith.constant 0 : i32
        %cond3A_605 = arith.cmpi ne, %convert_element_type3A_603, %cond3A_604 : i32
        scf.if %cond3A_605 {
          %sub3A = arith.constant 4 : i32
          %sub3A_804 = arith.subi %add3A_576, %sub3A : i32
          %dma_wait3A_805 = arith.constant 5 : i32
          %dma_wait3A_806 = arith.constant 0 : i32
          %dma_wait3A_807 = arith.constant 0 : i32
          %dma_wait3A_808 = tpu.memref_slice %arg8[%dma_wait3A_805, %dma_wait3A_806, %dma_wait3A_807] : memref<8x128x16xf32, #tpu.memory_space<vmem>> -> memref<1x128x16xf32, #tpu.memory_space<vmem>>
          %dma_wait3A_809 = tpu.memref_squeeze %dma_wait3A_808 : memref<1x128x16xf32, #tpu.memory_space<vmem>> -> memref<128x16xf32, #tpu.memory_space<vmem>>
          %dma_wait3A_810 = arith.constant 0 : i32
          %dma_wait3A_811 = tpu.memref_slice %arg7[%sub3A_804, %dma_wait3A_810] : memref<80x128xi32, #tpu.memory_space<vmem>> -> memref<1x128xi32, #tpu.memory_space<vmem>>
          %dma_wait3A_812 = tpu.memref_squeeze %dma_wait3A_811 : memref<1x128xi32, #tpu.memory_space<vmem>> -> memref<128xi32, #tpu.memory_space<vmem>>
          %dma_wait3A_813 = arith.constant 0 : i32
          %dma_wait3A_814 = arith.constant 0 : i32
          %dma_wait3A_815 = tpu.memref_slice %arg10[%dma_wait3A_813, %dma_wait3A_814] : memref<10112x16xf32, #tpu.memory_space<vmem_shared>> -> memref<10112x16xf32, #tpu.memory_space<vmem_shared>>
          tpu.wait_indirect_dma semaphore(%arg25 : memref<!tpu.dma_semaphore, #tpu.memory_space<semaphore_mem>>) src(%dma_wait3A_809 : memref<128x16xf32, #tpu.memory_space<vmem>>) dst(%dma_wait3A_815 : memref<10112x16xf32, #tpu.memory_space<vmem_shared>>)
          %add3A_816 = arith.constant 4 : i32
          %add3A_817 = arith.addi %add3A_576, %add3A_816 : i32
          %dma_start3A_818 = arith.constant 5 : i32
          %dma_start3A_819 = arith.constant 0 : i32
          %dma_start3A_820 = arith.constant 0 : i32
          %dma_start3A_821 = tpu.memref_slice %arg8[%dma_start3A_818, %dma_start3A_819, %dma_start3A_820] : memref<8x128x16xf32, #tpu.memory_space<vmem>> -> memref<1x128x16xf32, #tpu.memory_space<vmem>>
          %dma_start3A_822 = tpu.memref_squeeze %dma_start3A_821 : memref<1x128x16xf32, #tpu.memory_space<vmem>> -> memref<128x16xf32, #tpu.memory_space<vmem>>
          %dma_start3A_823 = arith.constant 0 : i32
          %dma_start3A_824 = tpu.memref_slice %arg6[%add3A_817, %dma_start3A_823] : memref<80x128xi32, #tpu.memory_space<vmem>> -> memref<1x128xi32, #tpu.memory_space<vmem>>
          %dma_start3A_825 = tpu.memref_squeeze %dma_start3A_824 : memref<1x128xi32, #tpu.memory_space<vmem>> -> memref<128xi32, #tpu.memory_space<vmem>>
          %dma_start3A_826 = arith.constant 0 : i32
          %dma_start3A_827 = arith.constant 0 : i32
          %dma_start3A_828 = tpu.memref_slice %arg11[%dma_start3A_826, %dma_start3A_827] : memref<10000x16xf32, #tpu.memory_space<vmem_shared>> -> memref<10000x16xf32, #tpu.memory_space<vmem_shared>>
          tpu.enqueue_indirect_dma source(%dma_start3A_828 : memref<10000x16xf32, #tpu.memory_space<vmem_shared>>) target(%dma_start3A_822 : memref<128x16xf32, #tpu.memory_space<vmem>>) offsets(%dma_start3A_825 : memref<128xi32, #tpu.memory_space<vmem>>) semaphore(%arg17 : memref<!tpu.dma_semaphore, #tpu.memory_space<semaphore_mem>>)
        } else {
        }
        %mul3A_606 = arith.constant 8 : i32
        %mul3A_607 = arith.muli %scan3A_539, %mul3A_606 : i32
        %add3A_608 = arith.constant 2 : i32
        %add3A_609 = arith.addi %mul3A_607, %add3A_608 : i32
        %dma_wait3A_610 = arith.constant 2 : i32
        %dma_wait3A_611 = arith.constant 0 : i32
        %dma_wait3A_612 = arith.constant 0 : i32
        %dma_wait3A_613 = tpu.memref_slice %arg8[%dma_wait3A_610, %dma_wait3A_611, %dma_wait3A_612] : memref<8x128x16xf32, #tpu.memory_space<vmem>> -> memref<1x128x16xf32, #tpu.memory_space<vmem>>
        %dma_wait3A_614 = tpu.memref_squeeze %dma_wait3A_613 : memref<1x128x16xf32, #tpu.memory_space<vmem>> -> memref<128x16xf32, #tpu.memory_space<vmem>>
        %dma_wait3A_615 = arith.constant 0 : i32
        %dma_wait3A_616 = tpu.memref_slice %arg6[%add3A_609, %dma_wait3A_615] : memref<80x128xi32, #tpu.memory_space<vmem>> -> memref<1x128xi32, #tpu.memory_space<vmem>>
        %dma_wait3A_617 = tpu.memref_squeeze %dma_wait3A_616 : memref<1x128xi32, #tpu.memory_space<vmem>> -> memref<128xi32, #tpu.memory_space<vmem>>
        %dma_wait3A_618 = arith.constant 0 : i32
        %dma_wait3A_619 = arith.constant 0 : i32
        %dma_wait3A_620 = tpu.memref_slice %arg11[%dma_wait3A_618, %dma_wait3A_619] : memref<10000x16xf32, #tpu.memory_space<vmem_shared>> -> memref<10000x16xf32, #tpu.memory_space<vmem_shared>>
        tpu.wait_indirect_dma semaphore(%arg14 : memref<!tpu.dma_semaphore, #tpu.memory_space<semaphore_mem>>) src(%dma_wait3A_620 : memref<10000x16xf32, #tpu.memory_space<vmem_shared>>) dst(%dma_wait3A_614 : memref<128x16xf32, #tpu.memory_space<vmem>>)
        %dma_start3A_621 = arith.constant 2 : i32
        %dma_start3A_622 = arith.constant 0 : i32
        %dma_start3A_623 = arith.constant 0 : i32
        %dma_start3A_624 = tpu.memref_slice %arg8[%dma_start3A_621, %dma_start3A_622, %dma_start3A_623] : memref<8x128x16xf32, #tpu.memory_space<vmem>> -> memref<1x128x16xf32, #tpu.memory_space<vmem>>
        %dma_start3A_625 = tpu.memref_squeeze %dma_start3A_624 : memref<1x128x16xf32, #tpu.memory_space<vmem>> -> memref<128x16xf32, #tpu.memory_space<vmem>>
        %dma_start3A_626 = arith.constant 0 : i32
        %dma_start3A_627 = tpu.memref_slice %arg7[%add3A_609, %dma_start3A_626] : memref<80x128xi32, #tpu.memory_space<vmem>> -> memref<1x128xi32, #tpu.memory_space<vmem>>
        %dma_start3A_628 = tpu.memref_squeeze %dma_start3A_627 : memref<1x128xi32, #tpu.memory_space<vmem>> -> memref<128xi32, #tpu.memory_space<vmem>>
        %dma_start3A_629 = arith.constant 0 : i32
        %dma_start3A_630 = arith.constant 0 : i32
        %dma_start3A_631 = tpu.memref_slice %arg10[%dma_start3A_629, %dma_start3A_630] : memref<10112x16xf32, #tpu.memory_space<vmem_shared>> -> memref<10112x16xf32, #tpu.memory_space<vmem_shared>>
        tpu.enqueue_indirect_dma source(%dma_start3A_625 : memref<128x16xf32, #tpu.memory_space<vmem>>) target(%dma_start3A_631 : memref<10112x16xf32, #tpu.memory_space<vmem_shared>>) offsets(%dma_start3A_628 : memref<128xi32, #tpu.memory_space<vmem>>) semaphore(%arg22 : memref<!tpu.dma_semaphore, #tpu.memory_space<semaphore_mem>>) {add = true}
        %add3A_632 = arith.constant 4 : i32
        %add3A_633 = arith.addi %add3A_609, %add3A_632 : i32
        %lt3A_634 = arith.constant 80 : i32
        %lt3A_635 = arith.cmpi slt, %add3A_633, %lt3A_634 : i32
        %convert_element_type3A_636 = arith.extui %lt3A_635 : i1 to i32
        %cond3A_637 = arith.constant 0 : i32
        %cond3A_638 = arith.cmpi ne, %convert_element_type3A_636, %cond3A_637 : i32
        scf.if %cond3A_638 {
          %sub3A = arith.constant 4 : i32
          %sub3A_804 = arith.subi %add3A_609, %sub3A : i32
          %dma_wait3A_805 = arith.constant 6 : i32
          %dma_wait3A_806 = arith.constant 0 : i32
          %dma_wait3A_807 = arith.constant 0 : i32
          %dma_wait3A_808 = tpu.memref_slice %arg8[%dma_wait3A_805, %dma_wait3A_806, %dma_wait3A_807] : memref<8x128x16xf32, #tpu.memory_space<vmem>> -> memref<1x128x16xf32, #tpu.memory_space<vmem>>
          %dma_wait3A_809 = tpu.memref_squeeze %dma_wait3A_808 : memref<1x128x16xf32, #tpu.memory_space<vmem>> -> memref<128x16xf32, #tpu.memory_space<vmem>>
          %dma_wait3A_810 = arith.constant 0 : i32
          %dma_wait3A_811 = tpu.memref_slice %arg7[%sub3A_804, %dma_wait3A_810] : memref<80x128xi32, #tpu.memory_space<vmem>> -> memref<1x128xi32, #tpu.memory_space<vmem>>
          %dma_wait3A_812 = tpu.memref_squeeze %dma_wait3A_811 : memref<1x128xi32, #tpu.memory_space<vmem>> -> memref<128xi32, #tpu.memory_space<vmem>>
          %dma_wait3A_813 = arith.constant 0 : i32
          %dma_wait3A_814 = arith.constant 0 : i32
          %dma_wait3A_815 = tpu.memref_slice %arg10[%dma_wait3A_813, %dma_wait3A_814] : memref<10112x16xf32, #tpu.memory_space<vmem_shared>> -> memref<10112x16xf32, #tpu.memory_space<vmem_shared>>
          tpu.wait_indirect_dma semaphore(%arg26 : memref<!tpu.dma_semaphore, #tpu.memory_space<semaphore_mem>>) src(%dma_wait3A_809 : memref<128x16xf32, #tpu.memory_space<vmem>>) dst(%dma_wait3A_815 : memref<10112x16xf32, #tpu.memory_space<vmem_shared>>)
          %add3A_816 = arith.constant 4 : i32
          %add3A_817 = arith.addi %add3A_609, %add3A_816 : i32
          %dma_start3A_818 = arith.constant 6 : i32
          %dma_start3A_819 = arith.constant 0 : i32
          %dma_start3A_820 = arith.constant 0 : i32
          %dma_start3A_821 = tpu.memref_slice %arg8[%dma_start3A_818, %dma_start3A_819, %dma_start3A_820] : memref<8x128x16xf32, #tpu.memory_space<vmem>> -> memref<1x128x16xf32, #tpu.memory_space<vmem>>
          %dma_start3A_822 = tpu.memref_squeeze %dma_start3A_821 : memref<1x128x16xf32, #tpu.memory_space<vmem>> -> memref<128x16xf32, #tpu.memory_space<vmem>>
          %dma_start3A_823 = arith.constant 0 : i32
          %dma_start3A_824 = tpu.memref_slice %arg6[%add3A_817, %dma_start3A_823] : memref<80x128xi32, #tpu.memory_space<vmem>> -> memref<1x128xi32, #tpu.memory_space<vmem>>
          %dma_start3A_825 = tpu.memref_squeeze %dma_start3A_824 : memref<1x128xi32, #tpu.memory_space<vmem>> -> memref<128xi32, #tpu.memory_space<vmem>>
          %dma_start3A_826 = arith.constant 0 : i32
          %dma_start3A_827 = arith.constant 0 : i32
          %dma_start3A_828 = tpu.memref_slice %arg11[%dma_start3A_826, %dma_start3A_827] : memref<10000x16xf32, #tpu.memory_space<vmem_shared>> -> memref<10000x16xf32, #tpu.memory_space<vmem_shared>>
          tpu.enqueue_indirect_dma source(%dma_start3A_828 : memref<10000x16xf32, #tpu.memory_space<vmem_shared>>) target(%dma_start3A_822 : memref<128x16xf32, #tpu.memory_space<vmem>>) offsets(%dma_start3A_825 : memref<128xi32, #tpu.memory_space<vmem>>) semaphore(%arg18 : memref<!tpu.dma_semaphore, #tpu.memory_space<semaphore_mem>>)
        } else {
        }
        %mul3A_639 = arith.constant 8 : i32
        %mul3A_640 = arith.muli %scan3A_539, %mul3A_639 : i32
        %add3A_641 = arith.constant 3 : i32
        %add3A_642 = arith.addi %mul3A_640, %add3A_641 : i32
        %dma_wait3A_643 = arith.constant 3 : i32
        %dma_wait3A_644 = arith.constant 0 : i32
        %dma_wait3A_645 = arith.constant 0 : i32
        %dma_wait3A_646 = tpu.memref_slice %arg8[%dma_wait3A_643, %dma_wait3A_644, %dma_wait3A_645] : memref<8x128x16xf32, #tpu.memory_space<vmem>> -> memref<1x128x16xf32, #tpu.memory_space<vmem>>
        %dma_wait3A_647 = tpu.memref_squeeze %dma_wait3A_646 : memref<1x128x16xf32, #tpu.memory_space<vmem>> -> memref<128x16xf32, #tpu.memory_space<vmem>>
        %dma_wait3A_648 = arith.constant 0 : i32
        %dma_wait3A_649 = tpu.memref_slice %arg6[%add3A_642, %dma_wait3A_648] : memref<80x128xi32, #tpu.memory_space<vmem>> -> memref<1x128xi32, #tpu.memory_space<vmem>>
        %dma_wait3A_650 = tpu.memref_squeeze %dma_wait3A_649 : memref<1x128xi32, #tpu.memory_space<vmem>> -> memref<128xi32, #tpu.memory_space<vmem>>
        %dma_wait3A_651 = arith.constant 0 : i32
        %dma_wait3A_652 = arith.constant 0 : i32
        %dma_wait3A_653 = tpu.memref_slice %arg11[%dma_wait3A_651, %dma_wait3A_652] : memref<10000x16xf32, #tpu.memory_space<vmem_shared>> -> memref<10000x16xf32, #tpu.memory_space<vmem_shared>>
        tpu.wait_indirect_dma semaphore(%arg15 : memref<!tpu.dma_semaphore, #tpu.memory_space<semaphore_mem>>) src(%dma_wait3A_653 : memref<10000x16xf32, #tpu.memory_space<vmem_shared>>) dst(%dma_wait3A_647 : memref<128x16xf32, #tpu.memory_space<vmem>>)
        %dma_start3A_654 = arith.constant 3 : i32
        %dma_start3A_655 = arith.constant 0 : i32
        %dma_start3A_656 = arith.constant 0 : i32
        %dma_start3A_657 = tpu.memref_slice %arg8[%dma_start3A_654, %dma_start3A_655, %dma_start3A_656] : memref<8x128x16xf32, #tpu.memory_space<vmem>> -> memref<1x128x16xf32, #tpu.memory_space<vmem>>
        %dma_start3A_658 = tpu.memref_squeeze %dma_start3A_657 : memref<1x128x16xf32, #tpu.memory_space<vmem>> -> memref<128x16xf32, #tpu.memory_space<vmem>>
        %dma_start3A_659 = arith.constant 0 : i32
        %dma_start3A_660 = tpu.memref_slice %arg7[%add3A_642, %dma_start3A_659] : memref<80x128xi32, #tpu.memory_space<vmem>> -> memref<1x128xi32, #tpu.memory_space<vmem>>
        %dma_start3A_661 = tpu.memref_squeeze %dma_start3A_660 : memref<1x128xi32, #tpu.memory_space<vmem>> -> memref<128xi32, #tpu.memory_space<vmem>>
        %dma_start3A_662 = arith.constant 0 : i32
        %dma_start3A_663 = arith.constant 0 : i32
        %dma_start3A_664 = tpu.memref_slice %arg10[%dma_start3A_662, %dma_start3A_663] : memref<10112x16xf32, #tpu.memory_space<vmem_shared>> -> memref<10112x16xf32, #tpu.memory_space<vmem_shared>>
        tpu.enqueue_indirect_dma source(%dma_start3A_658 : memref<128x16xf32, #tpu.memory_space<vmem>>) target(%dma_start3A_664 : memref<10112x16xf32, #tpu.memory_space<vmem_shared>>) offsets(%dma_start3A_661 : memref<128xi32, #tpu.memory_space<vmem>>) semaphore(%arg23 : memref<!tpu.dma_semaphore, #tpu.memory_space<semaphore_mem>>) {add = true}
        %add3A_665 = arith.constant 4 : i32
        %add3A_666 = arith.addi %add3A_642, %add3A_665 : i32
        %lt3A_667 = arith.constant 80 : i32
        %lt3A_668 = arith.cmpi slt, %add3A_666, %lt3A_667 : i32
        %convert_element_type3A_669 = arith.extui %lt3A_668 : i1 to i32
        %cond3A_670 = arith.constant 0 : i32
        %cond3A_671 = arith.cmpi ne, %convert_element_type3A_669, %cond3A_670 : i32
        scf.if %cond3A_671 {
          %sub3A = arith.constant 4 : i32
          %sub3A_804 = arith.subi %add3A_642, %sub3A : i32
          %dma_wait3A_805 = arith.constant 7 : i32
          %dma_wait3A_806 = arith.constant 0 : i32
          %dma_wait3A_807 = arith.constant 0 : i32
          %dma_wait3A_808 = tpu.memref_slice %arg8[%dma_wait3A_805, %dma_wait3A_806, %dma_wait3A_807] : memref<8x128x16xf32, #tpu.memory_space<vmem>> -> memref<1x128x16xf32, #tpu.memory_space<vmem>>
          %dma_wait3A_809 = tpu.memref_squeeze %dma_wait3A_808 : memref<1x128x16xf32, #tpu.memory_space<vmem>> -> memref<128x16xf32, #tpu.memory_space<vmem>>
          %dma_wait3A_810 = arith.constant 0 : i32
          %dma_wait3A_811 = tpu.memref_slice %arg7[%sub3A_804, %dma_wait3A_810] : memref<80x128xi32, #tpu.memory_space<vmem>> -> memref<1x128xi32, #tpu.memory_space<vmem>>
          %dma_wait3A_812 = tpu.memref_squeeze %dma_wait3A_811 : memref<1x128xi32, #tpu.memory_space<vmem>> -> memref<128xi32, #tpu.memory_space<vmem>>
          %dma_wait3A_813 = arith.constant 0 : i32
          %dma_wait3A_814 = arith.constant 0 : i32
          %dma_wait3A_815 = tpu.memref_slice %arg10[%dma_wait3A_813, %dma_wait3A_814] : memref<10112x16xf32, #tpu.memory_space<vmem_shared>> -> memref<10112x16xf32, #tpu.memory_space<vmem_shared>>
          tpu.wait_indirect_dma semaphore(%arg27 : memref<!tpu.dma_semaphore, #tpu.memory_space<semaphore_mem>>) src(%dma_wait3A_809 : memref<128x16xf32, #tpu.memory_space<vmem>>) dst(%dma_wait3A_815 : memref<10112x16xf32, #tpu.memory_space<vmem_shared>>)
          %add3A_816 = arith.constant 4 : i32
          %add3A_817 = arith.addi %add3A_642, %add3A_816 : i32
          %dma_start3A_818 = arith.constant 7 : i32
          %dma_start3A_819 = arith.constant 0 : i32
          %dma_start3A_820 = arith.constant 0 : i32
          %dma_start3A_821 = tpu.memref_slice %arg8[%dma_start3A_818, %dma_start3A_819, %dma_start3A_820] : memref<8x128x16xf32, #tpu.memory_space<vmem>> -> memref<1x128x16xf32, #tpu.memory_space<vmem>>
          %dma_start3A_822 = tpu.memref_squeeze %dma_start3A_821 : memref<1x128x16xf32, #tpu.memory_space<vmem>> -> memref<128x16xf32, #tpu.memory_space<vmem>>
          %dma_start3A_823 = arith.constant 0 : i32
          %dma_start3A_824 = tpu.memref_slice %arg6[%add3A_817, %dma_start3A_823] : memref<80x128xi32, #tpu.memory_space<vmem>> -> memref<1x128xi32, #tpu.memory_space<vmem>>
          %dma_start3A_825 = tpu.memref_squeeze %dma_start3A_824 : memref<1x128xi32, #tpu.memory_space<vmem>> -> memref<128xi32, #tpu.memory_space<vmem>>
          %dma_start3A_826 = arith.constant 0 : i32
          %dma_start3A_827 = arith.constant 0 : i32
          %dma_start3A_828 = tpu.memref_slice %arg11[%dma_start3A_826, %dma_start3A_827] : memref<10000x16xf32, #tpu.memory_space<vmem_shared>> -> memref<10000x16xf32, #tpu.memory_space<vmem_shared>>
          tpu.enqueue_indirect_dma source(%dma_start3A_828 : memref<10000x16xf32, #tpu.memory_space<vmem_shared>>) target(%dma_start3A_822 : memref<128x16xf32, #tpu.memory_space<vmem>>) offsets(%dma_start3A_825 : memref<128xi32, #tpu.memory_space<vmem>>) semaphore(%arg19 : memref<!tpu.dma_semaphore, #tpu.memory_space<semaphore_mem>>)
        } else {
        }
        %mul3A_672 = arith.constant 8 : i32
        %mul3A_673 = arith.muli %scan3A_539, %mul3A_672 : i32
        %add3A_674 = arith.constant 4 : i32
        %add3A_675 = arith.addi %mul3A_673, %add3A_674 : i32
        %dma_wait3A_676 = arith.constant 4 : i32
        %dma_wait3A_677 = arith.constant 0 : i32
        %dma_wait3A_678 = arith.constant 0 : i32
        %dma_wait3A_679 = tpu.memref_slice %arg8[%dma_wait3A_676, %dma_wait3A_677, %dma_wait3A_678] : memref<8x128x16xf32, #tpu.memory_space<vmem>> -> memref<1x128x16xf32, #tpu.memory_space<vmem>>
        %dma_wait3A_680 = tpu.memref_squeeze %dma_wait3A_679 : memref<1x128x16xf32, #tpu.memory_space<vmem>> -> memref<128x16xf32, #tpu.memory_space<vmem>>
        %dma_wait3A_681 = arith.constant 0 : i32
        %dma_wait3A_682 = tpu.memref_slice %arg6[%add3A_675, %dma_wait3A_681] : memref<80x128xi32, #tpu.memory_space<vmem>> -> memref<1x128xi32, #tpu.memory_space<vmem>>
        %dma_wait3A_683 = tpu.memref_squeeze %dma_wait3A_682 : memref<1x128xi32, #tpu.memory_space<vmem>> -> memref<128xi32, #tpu.memory_space<vmem>>
        %dma_wait3A_684 = arith.constant 0 : i32
        %dma_wait3A_685 = arith.constant 0 : i32
        %dma_wait3A_686 = tpu.memref_slice %arg11[%dma_wait3A_684, %dma_wait3A_685] : memref<10000x16xf32, #tpu.memory_space<vmem_shared>> -> memref<10000x16xf32, #tpu.memory_space<vmem_shared>>
        tpu.wait_indirect_dma semaphore(%arg16 : memref<!tpu.dma_semaphore, #tpu.memory_space<semaphore_mem>>) src(%dma_wait3A_686 : memref<10000x16xf32, #tpu.memory_space<vmem_shared>>) dst(%dma_wait3A_680 : memref<128x16xf32, #tpu.memory_space<vmem>>)
        %dma_start3A_687 = arith.constant 4 : i32
        %dma_start3A_688 = arith.constant 0 : i32
        %dma_start3A_689 = arith.constant 0 : i32
        %dma_start3A_690 = tpu.memref_slice %arg8[%dma_start3A_687, %dma_start3A_688, %dma_start3A_689] : memref<8x128x16xf32, #tpu.memory_space<vmem>> -> memref<1x128x16xf32, #tpu.memory_space<vmem>>
        %dma_start3A_691 = tpu.memref_squeeze %dma_start3A_690 : memref<1x128x16xf32, #tpu.memory_space<vmem>> -> memref<128x16xf32, #tpu.memory_space<vmem>>
        %dma_start3A_692 = arith.constant 0 : i32
        %dma_start3A_693 = tpu.memref_slice %arg7[%add3A_675, %dma_start3A_692] : memref<80x128xi32, #tpu.memory_space<vmem>> -> memref<1x128xi32, #tpu.memory_space<vmem>>
        %dma_start3A_694 = tpu.memref_squeeze %dma_start3A_693 : memref<1x128xi32, #tpu.memory_space<vmem>> -> memref<128xi32, #tpu.memory_space<vmem>>
        %dma_start3A_695 = arith.constant 0 : i32
        %dma_start3A_696 = arith.constant 0 : i32
        %dma_start3A_697 = tpu.memref_slice %arg10[%dma_start3A_695, %dma_start3A_696] : memref<10112x16xf32, #tpu.memory_space<vmem_shared>> -> memref<10112x16xf32, #tpu.memory_space<vmem_shared>>
        tpu.enqueue_indirect_dma source(%dma_start3A_691 : memref<128x16xf32, #tpu.memory_space<vmem>>) target(%dma_start3A_697 : memref<10112x16xf32, #tpu.memory_space<vmem_shared>>) offsets(%dma_start3A_694 : memref<128xi32, #tpu.memory_space<vmem>>) semaphore(%arg24 : memref<!tpu.dma_semaphore, #tpu.memory_space<semaphore_mem>>) {add = true}
        %add3A_698 = arith.constant 4 : i32
        %add3A_699 = arith.addi %add3A_675, %add3A_698 : i32
        %lt3A_700 = arith.constant 80 : i32
        %lt3A_701 = arith.cmpi slt, %add3A_699, %lt3A_700 : i32
        %convert_element_type3A_702 = arith.extui %lt3A_701 : i1 to i32
        %cond3A_703 = arith.constant 0 : i32
        %cond3A_704 = arith.cmpi ne, %convert_element_type3A_702, %cond3A_703 : i32
        scf.if %cond3A_704 {
          %sub3A = arith.constant 4 : i32
          %sub3A_804 = arith.subi %add3A_675, %sub3A : i32
          %dma_wait3A_805 = arith.constant 0 : i32
          %dma_wait3A_806 = arith.constant 0 : i32
          %dma_wait3A_807 = arith.constant 0 : i32
          %dma_wait3A_808 = tpu.memref_slice %arg8[%dma_wait3A_805, %dma_wait3A_806, %dma_wait3A_807] : memref<8x128x16xf32, #tpu.memory_space<vmem>> -> memref<1x128x16xf32, #tpu.memory_space<vmem>>
          %dma_wait3A_809 = tpu.memref_squeeze %dma_wait3A_808 : memref<1x128x16xf32, #tpu.memory_space<vmem>> -> memref<128x16xf32, #tpu.memory_space<vmem>>
          %dma_wait3A_810 = arith.constant 0 : i32
          %dma_wait3A_811 = tpu.memref_slice %arg7[%sub3A_804, %dma_wait3A_810] : memref<80x128xi32, #tpu.memory_space<vmem>> -> memref<1x128xi32, #tpu.memory_space<vmem>>
          %dma_wait3A_812 = tpu.memref_squeeze %dma_wait3A_811 : memref<1x128xi32, #tpu.memory_space<vmem>> -> memref<128xi32, #tpu.memory_space<vmem>>
          %dma_wait3A_813 = arith.constant 0 : i32
          %dma_wait3A_814 = arith.constant 0 : i32
          %dma_wait3A_815 = tpu.memref_slice %arg10[%dma_wait3A_813, %dma_wait3A_814] : memref<10112x16xf32, #tpu.memory_space<vmem_shared>> -> memref<10112x16xf32, #tpu.memory_space<vmem_shared>>
          tpu.wait_indirect_dma semaphore(%arg20 : memref<!tpu.dma_semaphore, #tpu.memory_space<semaphore_mem>>) src(%dma_wait3A_809 : memref<128x16xf32, #tpu.memory_space<vmem>>) dst(%dma_wait3A_815 : memref<10112x16xf32, #tpu.memory_space<vmem_shared>>)
          %add3A_816 = arith.constant 4 : i32
          %add3A_817 = arith.addi %add3A_675, %add3A_816 : i32
          %dma_start3A_818 = arith.constant 0 : i32
          %dma_start3A_819 = arith.constant 0 : i32
          %dma_start3A_820 = arith.constant 0 : i32
          %dma_start3A_821 = tpu.memref_slice %arg8[%dma_start3A_818, %dma_start3A_819, %dma_start3A_820] : memref<8x128x16xf32, #tpu.memory_space<vmem>> -> memref<1x128x16xf32, #tpu.memory_space<vmem>>
          %dma_start3A_822 = tpu.memref_squeeze %dma_start3A_821 : memref<1x128x16xf32, #tpu.memory_space<vmem>> -> memref<128x16xf32, #tpu.memory_space<vmem>>
          %dma_start3A_823 = arith.constant 0 : i32
          %dma_start3A_824 = tpu.memref_slice %arg6[%add3A_817, %dma_start3A_823] : memref<80x128xi32, #tpu.memory_space<vmem>> -> memref<1x128xi32, #tpu.memory_space<vmem>>
          %dma_start3A_825 = tpu.memref_squeeze %dma_start3A_824 : memref<1x128xi32, #tpu.memory_space<vmem>> -> memref<128xi32, #tpu.memory_space<vmem>>
          %dma_start3A_826 = arith.constant 0 : i32
          %dma_start3A_827 = arith.constant 0 : i32
          %dma_start3A_828 = tpu.memref_slice %arg11[%dma_start3A_826, %dma_start3A_827] : memref<10000x16xf32, #tpu.memory_space<vmem_shared>> -> memref<10000x16xf32, #tpu.memory_space<vmem_shared>>
          tpu.enqueue_indirect_dma source(%dma_start3A_828 : memref<10000x16xf32, #tpu.memory_space<vmem_shared>>) target(%dma_start3A_822 : memref<128x16xf32, #tpu.memory_space<vmem>>) offsets(%dma_start3A_825 : memref<128xi32, #tpu.memory_space<vmem>>) semaphore(%arg12 : memref<!tpu.dma_semaphore, #tpu.memory_space<semaphore_mem>>)
        } else {
        }
        %mul3A_705 = arith.constant 8 : i32
        %mul3A_706 = arith.muli %scan3A_539, %mul3A_705 : i32
        %add3A_707 = arith.constant 5 : i32
        %add3A_708 = arith.addi %mul3A_706, %add3A_707 : i32
        %dma_wait3A_709 = arith.constant 5 : i32
        %dma_wait3A_710 = arith.constant 0 : i32
        %dma_wait3A_711 = arith.constant 0 : i32
        %dma_wait3A_712 = tpu.memref_slice %arg8[%dma_wait3A_709, %dma_wait3A_710, %dma_wait3A_711] : memref<8x128x16xf32, #tpu.memory_space<vmem>> -> memref<1x128x16xf32, #tpu.memory_space<vmem>>
        %dma_wait3A_713 = tpu.memref_squeeze %dma_wait3A_712 : memref<1x128x16xf32, #tpu.memory_space<vmem>> -> memref<128x16xf32, #tpu.memory_space<vmem>>
        %dma_wait3A_714 = arith.constant 0 : i32
        %dma_wait3A_715 = tpu.memref_slice %arg6[%add3A_708, %dma_wait3A_714] : memref<80x128xi32, #tpu.memory_space<vmem>> -> memref<1x128xi32, #tpu.memory_space<vmem>>
        %dma_wait3A_716 = tpu.memref_squeeze %dma_wait3A_715 : memref<1x128xi32, #tpu.memory_space<vmem>> -> memref<128xi32, #tpu.memory_space<vmem>>
        %dma_wait3A_717 = arith.constant 0 : i32
        %dma_wait3A_718 = arith.constant 0 : i32
        %dma_wait3A_719 = tpu.memref_slice %arg11[%dma_wait3A_717, %dma_wait3A_718] : memref<10000x16xf32, #tpu.memory_space<vmem_shared>> -> memref<10000x16xf32, #tpu.memory_space<vmem_shared>>
        tpu.wait_indirect_dma semaphore(%arg17 : memref<!tpu.dma_semaphore, #tpu.memory_space<semaphore_mem>>) src(%dma_wait3A_719 : memref<10000x16xf32, #tpu.memory_space<vmem_shared>>) dst(%dma_wait3A_713 : memref<128x16xf32, #tpu.memory_space<vmem>>)
        %dma_start3A_720 = arith.constant 5 : i32
        %dma_start3A_721 = arith.constant 0 : i32
        %dma_start3A_722 = arith.constant 0 : i32
        %dma_start3A_723 = tpu.memref_slice %arg8[%dma_start3A_720, %dma_start3A_721, %dma_start3A_722] : memref<8x128x16xf32, #tpu.memory_space<vmem>> -> memref<1x128x16xf32, #tpu.memory_space<vmem>>
        %dma_start3A_724 = tpu.memref_squeeze %dma_start3A_723 : memref<1x128x16xf32, #tpu.memory_space<vmem>> -> memref<128x16xf32, #tpu.memory_space<vmem>>
        %dma_start3A_725 = arith.constant 0 : i32
        %dma_start3A_726 = tpu.memref_slice %arg7[%add3A_708, %dma_start3A_725] : memref<80x128xi32, #tpu.memory_space<vmem>> -> memref<1x128xi32, #tpu.memory_space<vmem>>
        %dma_start3A_727 = tpu.memref_squeeze %dma_start3A_726 : memref<1x128xi32, #tpu.memory_space<vmem>> -> memref<128xi32, #tpu.memory_space<vmem>>
        %dma_start3A_728 = arith.constant 0 : i32
        %dma_start3A_729 = arith.constant 0 : i32
        %dma_start3A_730 = tpu.memref_slice %arg10[%dma_start3A_728, %dma_start3A_729] : memref<10112x16xf32, #tpu.memory_space<vmem_shared>> -> memref<10112x16xf32, #tpu.memory_space<vmem_shared>>
        tpu.enqueue_indirect_dma source(%dma_start3A_724 : memref<128x16xf32, #tpu.memory_space<vmem>>) target(%dma_start3A_730 : memref<10112x16xf32, #tpu.memory_space<vmem_shared>>) offsets(%dma_start3A_727 : memref<128xi32, #tpu.memory_space<vmem>>) semaphore(%arg25 : memref<!tpu.dma_semaphore, #tpu.memory_space<semaphore_mem>>) {add = true}
        %add3A_731 = arith.constant 4 : i32
        %add3A_732 = arith.addi %add3A_708, %add3A_731 : i32
        %lt3A_733 = arith.constant 80 : i32
        %lt3A_734 = arith.cmpi slt, %add3A_732, %lt3A_733 : i32
        %convert_element_type3A_735 = arith.extui %lt3A_734 : i1 to i32
        %cond3A_736 = arith.constant 0 : i32
        %cond3A_737 = arith.cmpi ne, %convert_element_type3A_735, %cond3A_736 : i32
        scf.if %cond3A_737 {
          %sub3A = arith.constant 4 : i32
          %sub3A_804 = arith.subi %add3A_708, %sub3A : i32
          %dma_wait3A_805 = arith.constant 1 : i32
          %dma_wait3A_806 = arith.constant 0 : i32
          %dma_wait3A_807 = arith.constant 0 : i32
          %dma_wait3A_808 = tpu.memref_slice %arg8[%dma_wait3A_805, %dma_wait3A_806, %dma_wait3A_807] : memref<8x128x16xf32, #tpu.memory_space<vmem>> -> memref<1x128x16xf32, #tpu.memory_space<vmem>>
          %dma_wait3A_809 = tpu.memref_squeeze %dma_wait3A_808 : memref<1x128x16xf32, #tpu.memory_space<vmem>> -> memref<128x16xf32, #tpu.memory_space<vmem>>
          %dma_wait3A_810 = arith.constant 0 : i32
          %dma_wait3A_811 = tpu.memref_slice %arg7[%sub3A_804, %dma_wait3A_810] : memref<80x128xi32, #tpu.memory_space<vmem>> -> memref<1x128xi32, #tpu.memory_space<vmem>>
          %dma_wait3A_812 = tpu.memref_squeeze %dma_wait3A_811 : memref<1x128xi32, #tpu.memory_space<vmem>> -> memref<128xi32, #tpu.memory_space<vmem>>
          %dma_wait3A_813 = arith.constant 0 : i32
          %dma_wait3A_814 = arith.constant 0 : i32
          %dma_wait3A_815 = tpu.memref_slice %arg10[%dma_wait3A_813, %dma_wait3A_814] : memref<10112x16xf32, #tpu.memory_space<vmem_shared>> -> memref<10112x16xf32, #tpu.memory_space<vmem_shared>>
          tpu.wait_indirect_dma semaphore(%arg21 : memref<!tpu.dma_semaphore, #tpu.memory_space<semaphore_mem>>) src(%dma_wait3A_809 : memref<128x16xf32, #tpu.memory_space<vmem>>) dst(%dma_wait3A_815 : memref<10112x16xf32, #tpu.memory_space<vmem_shared>>)
          %add3A_816 = arith.constant 4 : i32
          %add3A_817 = arith.addi %add3A_708, %add3A_816 : i32
          %dma_start3A_818 = arith.constant 1 : i32
          %dma_start3A_819 = arith.constant 0 : i32
          %dma_start3A_820 = arith.constant 0 : i32
          %dma_start3A_821 = tpu.memref_slice %arg8[%dma_start3A_818, %dma_start3A_819, %dma_start3A_820] : memref<8x128x16xf32, #tpu.memory_space<vmem>> -> memref<1x128x16xf32, #tpu.memory_space<vmem>>
          %dma_start3A_822 = tpu.memref_squeeze %dma_start3A_821 : memref<1x128x16xf32, #tpu.memory_space<vmem>> -> memref<128x16xf32, #tpu.memory_space<vmem>>
          %dma_start3A_823 = arith.constant 0 : i32
          %dma_start3A_824 = tpu.memref_slice %arg6[%add3A_817, %dma_start3A_823] : memref<80x128xi32, #tpu.memory_space<vmem>> -> memref<1x128xi32, #tpu.memory_space<vmem>>
          %dma_start3A_825 = tpu.memref_squeeze %dma_start3A_824 : memref<1x128xi32, #tpu.memory_space<vmem>> -> memref<128xi32, #tpu.memory_space<vmem>>
          %dma_start3A_826 = arith.constant 0 : i32
          %dma_start3A_827 = arith.constant 0 : i32
          %dma_start3A_828 = tpu.memref_slice %arg11[%dma_start3A_826, %dma_start3A_827] : memref<10000x16xf32, #tpu.memory_space<vmem_shared>> -> memref<10000x16xf32, #tpu.memory_space<vmem_shared>>
          tpu.enqueue_indirect_dma source(%dma_start3A_828 : memref<10000x16xf32, #tpu.memory_space<vmem_shared>>) target(%dma_start3A_822 : memref<128x16xf32, #tpu.memory_space<vmem>>) offsets(%dma_start3A_825 : memref<128xi32, #tpu.memory_space<vmem>>) semaphore(%arg13 : memref<!tpu.dma_semaphore, #tpu.memory_space<semaphore_mem>>)
        } else {
        }
        %mul3A_738 = arith.constant 8 : i32
        %mul3A_739 = arith.muli %scan3A_539, %mul3A_738 : i32
        %add3A_740 = arith.constant 6 : i32
        %add3A_741 = arith.addi %mul3A_739, %add3A_740 : i32
        %dma_wait3A_742 = arith.constant 6 : i32
        %dma_wait3A_743 = arith.constant 0 : i32
        %dma_wait3A_744 = arith.constant 0 : i32
        %dma_wait3A_745 = tpu.memref_slice %arg8[%dma_wait3A_742, %dma_wait3A_743, %dma_wait3A_744] : memref<8x128x16xf32, #tpu.memory_space<vmem>> -> memref<1x128x16xf32, #tpu.memory_space<vmem>>
        %dma_wait3A_746 = tpu.memref_squeeze %dma_wait3A_745 : memref<1x128x16xf32, #tpu.memory_space<vmem>> -> memref<128x16xf32, #tpu.memory_space<vmem>>
        %dma_wait3A_747 = arith.constant 0 : i32
        %dma_wait3A_748 = tpu.memref_slice %arg6[%add3A_741, %dma_wait3A_747] : memref<80x128xi32, #tpu.memory_space<vmem>> -> memref<1x128xi32, #tpu.memory_space<vmem>>
        %dma_wait3A_749 = tpu.memref_squeeze %dma_wait3A_748 : memref<1x128xi32, #tpu.memory_space<vmem>> -> memref<128xi32, #tpu.memory_space<vmem>>
        %dma_wait3A_750 = arith.constant 0 : i32
        %dma_wait3A_751 = arith.constant 0 : i32
        %dma_wait3A_752 = tpu.memref_slice %arg11[%dma_wait3A_750, %dma_wait3A_751] : memref<10000x16xf32, #tpu.memory_space<vmem_shared>> -> memref<10000x16xf32, #tpu.memory_space<vmem_shared>>
        tpu.wait_indirect_dma semaphore(%arg18 : memref<!tpu.dma_semaphore, #tpu.memory_space<semaphore_mem>>) src(%dma_wait3A_752 : memref<10000x16xf32, #tpu.memory_space<vmem_shared>>) dst(%dma_wait3A_746 : memref<128x16xf32, #tpu.memory_space<vmem>>)
        %dma_start3A_753 = arith.constant 6 : i32
        %dma_start3A_754 = arith.constant 0 : i32
        %dma_start3A_755 = arith.constant 0 : i32
        %dma_start3A_756 = tpu.memref_slice %arg8[%dma_start3A_753, %dma_start3A_754, %dma_start3A_755] : memref<8x128x16xf32, #tpu.memory_space<vmem>> -> memref<1x128x16xf32, #tpu.memory_space<vmem>>
        %dma_start3A_757 = tpu.memref_squeeze %dma_start3A_756 : memref<1x128x16xf32, #tpu.memory_space<vmem>> -> memref<128x16xf32, #tpu.memory_space<vmem>>
        %dma_start3A_758 = arith.constant 0 : i32
        %dma_start3A_759 = tpu.memref_slice %arg7[%add3A_741, %dma_start3A_758] : memref<80x128xi32, #tpu.memory_space<vmem>> -> memref<1x128xi32, #tpu.memory_space<vmem>>
        %dma_start3A_760 = tpu.memref_squeeze %dma_start3A_759 : memref<1x128xi32, #tpu.memory_space<vmem>> -> memref<128xi32, #tpu.memory_space<vmem>>
        %dma_start3A_761 = arith.constant 0 : i32
        %dma_start3A_762 = arith.constant 0 : i32
        %dma_start3A_763 = tpu.memref_slice %arg10[%dma_start3A_761, %dma_start3A_762] : memref<10112x16xf32, #tpu.memory_space<vmem_shared>> -> memref<10112x16xf32, #tpu.memory_space<vmem_shared>>
        tpu.enqueue_indirect_dma source(%dma_start3A_757 : memref<128x16xf32, #tpu.memory_space<vmem>>) target(%dma_start3A_763 : memref<10112x16xf32, #tpu.memory_space<vmem_shared>>) offsets(%dma_start3A_760 : memref<128xi32, #tpu.memory_space<vmem>>) semaphore(%arg26 : memref<!tpu.dma_semaphore, #tpu.memory_space<semaphore_mem>>) {add = true}
        %add3A_764 = arith.constant 4 : i32
        %add3A_765 = arith.addi %add3A_741, %add3A_764 : i32
        %lt3A_766 = arith.constant 80 : i32
        %lt3A_767 = arith.cmpi slt, %add3A_765, %lt3A_766 : i32
        %convert_element_type3A_768 = arith.extui %lt3A_767 : i1 to i32
        %cond3A_769 = arith.constant 0 : i32
        %cond3A_770 = arith.cmpi ne, %convert_element_type3A_768, %cond3A_769 : i32
        scf.if %cond3A_770 {
          %sub3A = arith.constant 4 : i32
          %sub3A_804 = arith.subi %add3A_741, %sub3A : i32
          %dma_wait3A_805 = arith.constant 2 : i32
          %dma_wait3A_806 = arith.constant 0 : i32
          %dma_wait3A_807 = arith.constant 0 : i32
          %dma_wait3A_808 = tpu.memref_slice %arg8[%dma_wait3A_805, %dma_wait3A_806, %dma_wait3A_807] : memref<8x128x16xf32, #tpu.memory_space<vmem>> -> memref<1x128x16xf32, #tpu.memory_space<vmem>>
          %dma_wait3A_809 = tpu.memref_squeeze %dma_wait3A_808 : memref<1x128x16xf32, #tpu.memory_space<vmem>> -> memref<128x16xf32, #tpu.memory_space<vmem>>
          %dma_wait3A_810 = arith.constant 0 : i32
          %dma_wait3A_811 = tpu.memref_slice %arg7[%sub3A_804, %dma_wait3A_810] : memref<80x128xi32, #tpu.memory_space<vmem>> -> memref<1x128xi32, #tpu.memory_space<vmem>>
          %dma_wait3A_812 = tpu.memref_squeeze %dma_wait3A_811 : memref<1x128xi32, #tpu.memory_space<vmem>> -> memref<128xi32, #tpu.memory_space<vmem>>
          %dma_wait3A_813 = arith.constant 0 : i32
          %dma_wait3A_814 = arith.constant 0 : i32
          %dma_wait3A_815 = tpu.memref_slice %arg10[%dma_wait3A_813, %dma_wait3A_814] : memref<10112x16xf32, #tpu.memory_space<vmem_shared>> -> memref<10112x16xf32, #tpu.memory_space<vmem_shared>>
          tpu.wait_indirect_dma semaphore(%arg22 : memref<!tpu.dma_semaphore, #tpu.memory_space<semaphore_mem>>) src(%dma_wait3A_809 : memref<128x16xf32, #tpu.memory_space<vmem>>) dst(%dma_wait3A_815 : memref<10112x16xf32, #tpu.memory_space<vmem_shared>>)
          %add3A_816 = arith.constant 4 : i32
          %add3A_817 = arith.addi %add3A_741, %add3A_816 : i32
          %dma_start3A_818 = arith.constant 2 : i32
          %dma_start3A_819 = arith.constant 0 : i32
          %dma_start3A_820 = arith.constant 0 : i32
          %dma_start3A_821 = tpu.memref_slice %arg8[%dma_start3A_818, %dma_start3A_819, %dma_start3A_820] : memref<8x128x16xf32, #tpu.memory_space<vmem>> -> memref<1x128x16xf32, #tpu.memory_space<vmem>>
          %dma_start3A_822 = tpu.memref_squeeze %dma_start3A_821 : memref<1x128x16xf32, #tpu.memory_space<vmem>> -> memref<128x16xf32, #tpu.memory_space<vmem>>
          %dma_start3A_823 = arith.constant 0 : i32
          %dma_start3A_824 = tpu.memref_slice %arg6[%add3A_817, %dma_start3A_823] : memref<80x128xi32, #tpu.memory_space<vmem>> -> memref<1x128xi32, #tpu.memory_space<vmem>>
          %dma_start3A_825 = tpu.memref_squeeze %dma_start3A_824 : memref<1x128xi32, #tpu.memory_space<vmem>> -> memref<128xi32, #tpu.memory_space<vmem>>
          %dma_start3A_826 = arith.constant 0 : i32
          %dma_start3A_827 = arith.constant 0 : i32
          %dma_start3A_828 = tpu.memref_slice %arg11[%dma_start3A_826, %dma_start3A_827] : memref<10000x16xf32, #tpu.memory_space<vmem_shared>> -> memref<10000x16xf32, #tpu.memory_space<vmem_shared>>
          tpu.enqueue_indirect_dma source(%dma_start3A_828 : memref<10000x16xf32, #tpu.memory_space<vmem_shared>>) target(%dma_start3A_822 : memref<128x16xf32, #tpu.memory_space<vmem>>) offsets(%dma_start3A_825 : memref<128xi32, #tpu.memory_space<vmem>>) semaphore(%arg14 : memref<!tpu.dma_semaphore, #tpu.memory_space<semaphore_mem>>)
        } else {
        }
        %mul3A_771 = arith.constant 8 : i32
        %mul3A_772 = arith.muli %scan3A_539, %mul3A_771 : i32
        %add3A_773 = arith.constant 7 : i32
        %add3A_774 = arith.addi %mul3A_772, %add3A_773 : i32
        %dma_wait3A_775 = arith.constant 7 : i32
        %dma_wait3A_776 = arith.constant 0 : i32
        %dma_wait3A_777 = arith.constant 0 : i32
        %dma_wait3A_778 = tpu.memref_slice %arg8[%dma_wait3A_775, %dma_wait3A_776, %dma_wait3A_777] : memref<8x128x16xf32, #tpu.memory_space<vmem>> -> memref<1x128x16xf32, #tpu.memory_space<vmem>>
        %dma_wait3A_779 = tpu.memref_squeeze %dma_wait3A_778 : memref<1x128x16xf32, #tpu.memory_space<vmem>> -> memref<128x16xf32, #tpu.memory_space<vmem>>
        %dma_wait3A_780 = arith.constant 0 : i32
        %dma_wait3A_781 = tpu.memref_slice %arg6[%add3A_774, %dma_wait3A_780] : memref<80x128xi32, #tpu.memory_space<vmem>> -> memref<1x128xi32, #tpu.memory_space<vmem>>
        %dma_wait3A_782 = tpu.memref_squeeze %dma_wait3A_781 : memref<1x128xi32, #tpu.memory_space<vmem>> -> memref<128xi32, #tpu.memory_space<vmem>>
        %dma_wait3A_783 = arith.constant 0 : i32
        %dma_wait3A_784 = arith.constant 0 : i32
        %dma_wait3A_785 = tpu.memref_slice %arg11[%dma_wait3A_783, %dma_wait3A_784] : memref<10000x16xf32, #tpu.memory_space<vmem_shared>> -> memref<10000x16xf32, #tpu.memory_space<vmem_shared>>
        tpu.wait_indirect_dma semaphore(%arg19 : memref<!tpu.dma_semaphore, #tpu.memory_space<semaphore_mem>>) src(%dma_wait3A_785 : memref<10000x16xf32, #tpu.memory_space<vmem_shared>>) dst(%dma_wait3A_779 : memref<128x16xf32, #tpu.memory_space<vmem>>)
        %dma_start3A_786 = arith.constant 7 : i32
        %dma_start3A_787 = arith.constant 0 : i32
        %dma_start3A_788 = arith.constant 0 : i32
        %dma_start3A_789 = tpu.memref_slice %arg8[%dma_start3A_786, %dma_start3A_787, %dma_start3A_788] : memref<8x128x16xf32, #tpu.memory_space<vmem>> -> memref<1x128x16xf32, #tpu.memory_space<vmem>>
        %dma_start3A_790 = tpu.memref_squeeze %dma_start3A_789 : memref<1x128x16xf32, #tpu.memory_space<vmem>> -> memref<128x16xf32, #tpu.memory_space<vmem>>
        %dma_start3A_791 = arith.constant 0 : i32
        %dma_start3A_792 = tpu.memref_slice %arg7[%add3A_774, %dma_start3A_791] : memref<80x128xi32, #tpu.memory_space<vmem>> -> memref<1x128xi32, #tpu.memory_space<vmem>>
        %dma_start3A_793 = tpu.memref_squeeze %dma_start3A_792 : memref<1x128xi32, #tpu.memory_space<vmem>> -> memref<128xi32, #tpu.memory_space<vmem>>
        %dma_start3A_794 = arith.constant 0 : i32
        %dma_start3A_795 = arith.constant 0 : i32
        %dma_start3A_796 = tpu.memref_slice %arg10[%dma_start3A_794, %dma_start3A_795] : memref<10112x16xf32, #tpu.memory_space<vmem_shared>> -> memref<10112x16xf32, #tpu.memory_space<vmem_shared>>
        tpu.enqueue_indirect_dma source(%dma_start3A_790 : memref<128x16xf32, #tpu.memory_space<vmem>>) target(%dma_start3A_796 : memref<10112x16xf32, #tpu.memory_space<vmem_shared>>) offsets(%dma_start3A_793 : memref<128xi32, #tpu.memory_space<vmem>>) semaphore(%arg27 : memref<!tpu.dma_semaphore, #tpu.memory_space<semaphore_mem>>) {add = true}
        %add3A_797 = arith.constant 4 : i32
        %add3A_798 = arith.addi %add3A_774, %add3A_797 : i32
        %lt3A_799 = arith.constant 80 : i32
        %lt3A_800 = arith.cmpi slt, %add3A_798, %lt3A_799 : i32
        %convert_element_type3A_801 = arith.extui %lt3A_800 : i1 to i32
        %cond3A_802 = arith.constant 0 : i32
        %cond3A_803 = arith.cmpi ne, %convert_element_type3A_801, %cond3A_802 : i32
        scf.if %cond3A_803 {
          %sub3A = arith.constant 4 : i32
          %sub3A_804 = arith.subi %add3A_774, %sub3A : i32
          %dma_wait3A_805 = arith.constant 3 : i32
          %dma_wait3A_806 = arith.constant 0 : i32
          %dma_wait3A_807 = arith.constant 0 : i32
          %dma_wait3A_808 = tpu.memref_slice %arg8[%dma_wait3A_805, %dma_wait3A_806, %dma_wait3A_807] : memref<8x128x16xf32, #tpu.memory_space<vmem>> -> memref<1x128x16xf32, #tpu.memory_space<vmem>>
          %dma_wait3A_809 = tpu.memref_squeeze %dma_wait3A_808 : memref<1x128x16xf32, #tpu.memory_space<vmem>> -> memref<128x16xf32, #tpu.memory_space<vmem>>
          %dma_wait3A_810 = arith.constant 0 : i32
          %dma_wait3A_811 = tpu.memref_slice %arg7[%sub3A_804, %dma_wait3A_810] : memref<80x128xi32, #tpu.memory_space<vmem>> -> memref<1x128xi32, #tpu.memory_space<vmem>>
          %dma_wait3A_812 = tpu.memref_squeeze %dma_wait3A_811 : memref<1x128xi32, #tpu.memory_space<vmem>> -> memref<128xi32, #tpu.memory_space<vmem>>
          %dma_wait3A_813 = arith.constant 0 : i32
          %dma_wait3A_814 = arith.constant 0 : i32
          %dma_wait3A_815 = tpu.memref_slice %arg10[%dma_wait3A_813, %dma_wait3A_814] : memref<10112x16xf32, #tpu.memory_space<vmem_shared>> -> memref<10112x16xf32, #tpu.memory_space<vmem_shared>>
          tpu.wait_indirect_dma semaphore(%arg23 : memref<!tpu.dma_semaphore, #tpu.memory_space<semaphore_mem>>) src(%dma_wait3A_809 : memref<128x16xf32, #tpu.memory_space<vmem>>) dst(%dma_wait3A_815 : memref<10112x16xf32, #tpu.memory_space<vmem_shared>>)
          %add3A_816 = arith.constant 4 : i32
          %add3A_817 = arith.addi %add3A_774, %add3A_816 : i32
          %dma_start3A_818 = arith.constant 3 : i32
          %dma_start3A_819 = arith.constant 0 : i32
          %dma_start3A_820 = arith.constant 0 : i32
          %dma_start3A_821 = tpu.memref_slice %arg8[%dma_start3A_818, %dma_start3A_819, %dma_start3A_820] : memref<8x128x16xf32, #tpu.memory_space<vmem>> -> memref<1x128x16xf32, #tpu.memory_space<vmem>>
          %dma_start3A_822 = tpu.memref_squeeze %dma_start3A_821 : memref<1x128x16xf32, #tpu.memory_space<vmem>> -> memref<128x16xf32, #tpu.memory_space<vmem>>
          %dma_start3A_823 = arith.constant 0 : i32
          %dma_start3A_824 = tpu.memref_slice %arg6[%add3A_817, %dma_start3A_823] : memref<80x128xi32, #tpu.memory_space<vmem>> -> memref<1x128xi32, #tpu.memory_space<vmem>>
          %dma_start3A_825 = tpu.memref_squeeze %dma_start3A_824 : memref<1x128xi32, #tpu.memory_space<vmem>> -> memref<128xi32, #tpu.memory_space<vmem>>
          %dma_start3A_826 = arith.constant 0 : i32
          %dma_start3A_827 = arith.constant 0 : i32
          %dma_start3A_828 = tpu.memref_slice %arg11[%dma_start3A_826, %dma_start3A_827] : memref<10000x16xf32, #tpu.memory_space<vmem_shared>> -> memref<10000x16xf32, #tpu.memory_space<vmem_shared>>
          tpu.enqueue_indirect_dma source(%dma_start3A_828 : memref<10000x16xf32, #tpu.memory_space<vmem_shared>>) target(%dma_start3A_822 : memref<128x16xf32, #tpu.memory_space<vmem>>) offsets(%dma_start3A_825 : memref<128xi32, #tpu.memory_space<vmem>>) semaphore(%arg15 : memref<!tpu.dma_semaphore, #tpu.memory_space<semaphore_mem>>)
        } else {
        }
      }
      %scan3A_442 = arith.constant 9 : i32
      %dma_wait3A_443 = arith.constant 0 : i32
      %dma_wait3A_444 = arith.constant 72 : i32
      %dma_wait3A_445 = arith.constant 0 : i32
      %dma_wait3A_446 = arith.constant 0 : i32
      %dma_wait3A_447 = tpu.memref_slice %arg8[%dma_wait3A_443, %dma_wait3A_445, %dma_wait3A_446] : memref<8x128x16xf32, #tpu.memory_space<vmem>> -> memref<1x128x16xf32, #tpu.memory_space<vmem>>
      %dma_wait3A_448 = tpu.memref_squeeze %dma_wait3A_447 : memref<1x128x16xf32, #tpu.memory_space<vmem>> -> memref<128x16xf32, #tpu.memory_space<vmem>>
      %dma_wait3A_449 = arith.constant 0 : i32
      %dma_wait3A_450 = tpu.memref_slice %arg7[%dma_wait3A_444, %dma_wait3A_449] : memref<80x128xi32, #tpu.memory_space<vmem>> -> memref<1x128xi32, #tpu.memory_space<vmem>>
      %dma_wait3A_451 = tpu.memref_squeeze %dma_wait3A_450 : memref<1x128xi32, #tpu.memory_space<vmem>> -> memref<128xi32, #tpu.memory_space<vmem>>
      %dma_wait3A_452 = arith.constant 0 : i32
      %dma_wait3A_453 = arith.constant 0 : i32
      %dma_wait3A_454 = tpu.memref_slice %arg10[%dma_wait3A_452, %dma_wait3A_453] : memref<10112x16xf32, #tpu.memory_space<vmem_shared>> -> memref<10112x16xf32, #tpu.memory_space<vmem_shared>>
      tpu.wait_indirect_dma semaphore(%arg20 : memref<!tpu.dma_semaphore, #tpu.memory_space<semaphore_mem>>) src(%dma_wait3A_448 : memref<128x16xf32, #tpu.memory_space<vmem>>) dst(%dma_wait3A_454 : memref<10112x16xf32, #tpu.memory_space<vmem_shared>>)
      %dma_wait3A_455 = arith.constant 1 : i32
      %dma_wait3A_456 = arith.constant 73 : i32
      %dma_wait3A_457 = arith.constant 0 : i32
      %dma_wait3A_458 = arith.constant 0 : i32
      %dma_wait3A_459 = tpu.memref_slice %arg8[%dma_wait3A_455, %dma_wait3A_457, %dma_wait3A_458] : memref<8x128x16xf32, #tpu.memory_space<vmem>> -> memref<1x128x16xf32, #tpu.memory_space<vmem>>
      %dma_wait3A_460 = tpu.memref_squeeze %dma_wait3A_459 : memref<1x128x16xf32, #tpu.memory_space<vmem>> -> memref<128x16xf32, #tpu.memory_space<vmem>>
      %dma_wait3A_461 = arith.constant 0 : i32
      %dma_wait3A_462 = tpu.memref_slice %arg7[%dma_wait3A_456, %dma_wait3A_461] : memref<80x128xi32, #tpu.memory_space<vmem>> -> memref<1x128xi32, #tpu.memory_space<vmem>>
      %dma_wait3A_463 = tpu.memref_squeeze %dma_wait3A_462 : memref<1x128xi32, #tpu.memory_space<vmem>> -> memref<128xi32, #tpu.memory_space<vmem>>
      %dma_wait3A_464 = arith.constant 0 : i32
      %dma_wait3A_465 = arith.constant 0 : i32
      %dma_wait3A_466 = tpu.memref_slice %arg10[%dma_wait3A_464, %dma_wait3A_465] : memref<10112x16xf32, #tpu.memory_space<vmem_shared>> -> memref<10112x16xf32, #tpu.memory_space<vmem_shared>>
      tpu.wait_indirect_dma semaphore(%arg21 : memref<!tpu.dma_semaphore, #tpu.memory_space<semaphore_mem>>) src(%dma_wait3A_460 : memref<128x16xf32, #tpu.memory_space<vmem>>) dst(%dma_wait3A_466 : memref<10112x16xf32, #tpu.memory_space<vmem_shared>>)
      %dma_wait3A_467 = arith.constant 2 : i32
      %dma_wait3A_468 = arith.constant 74 : i32
      %dma_wait3A_469 = arith.constant 0 : i32
      %dma_wait3A_470 = arith.constant 0 : i32
      %dma_wait3A_471 = tpu.memref_slice %arg8[%dma_wait3A_467, %dma_wait3A_469, %dma_wait3A_470] : memref<8x128x16xf32, #tpu.memory_space<vmem>> -> memref<1x128x16xf32, #tpu.memory_space<vmem>>
      %dma_wait3A_472 = tpu.memref_squeeze %dma_wait3A_471 : memref<1x128x16xf32, #tpu.memory_space<vmem>> -> memref<128x16xf32, #tpu.memory_space<vmem>>
      %dma_wait3A_473 = arith.constant 0 : i32
      %dma_wait3A_474 = tpu.memref_slice %arg7[%dma_wait3A_468, %dma_wait3A_473] : memref<80x128xi32, #tpu.memory_space<vmem>> -> memref<1x128xi32, #tpu.memory_space<vmem>>
      %dma_wait3A_475 = tpu.memref_squeeze %dma_wait3A_474 : memref<1x128xi32, #tpu.memory_space<vmem>> -> memref<128xi32, #tpu.memory_space<vmem>>
      %dma_wait3A_476 = arith.constant 0 : i32
      %dma_wait3A_477 = arith.constant 0 : i32
      %dma_wait3A_478 = tpu.memref_slice %arg10[%dma_wait3A_476, %dma_wait3A_477] : memref<10112x16xf32, #tpu.memory_space<vmem_shared>> -> memref<10112x16xf32, #tpu.memory_space<vmem_shared>>
      tpu.wait_indirect_dma semaphore(%arg22 : memref<!tpu.dma_semaphore, #tpu.memory_space<semaphore_mem>>) src(%dma_wait3A_472 : memref<128x16xf32, #tpu.memory_space<vmem>>) dst(%dma_wait3A_478 : memref<10112x16xf32, #tpu.memory_space<vmem_shared>>)
      %dma_wait3A_479 = arith.constant 3 : i32
      %dma_wait3A_480 = arith.constant 75 : i32
      %dma_wait3A_481 = arith.constant 0 : i32
      %dma_wait3A_482 = arith.constant 0 : i32
      %dma_wait3A_483 = tpu.memref_slice %arg8[%dma_wait3A_479, %dma_wait3A_481, %dma_wait3A_482] : memref<8x128x16xf32, #tpu.memory_space<vmem>> -> memref<1x128x16xf32, #tpu.memory_space<vmem>>
      %dma_wait3A_484 = tpu.memref_squeeze %dma_wait3A_483 : memref<1x128x16xf32, #tpu.memory_space<vmem>> -> memref<128x16xf32, #tpu.memory_space<vmem>>
      %dma_wait3A_485 = arith.constant 0 : i32
      %dma_wait3A_486 = tpu.memref_slice %arg7[%dma_wait3A_480, %dma_wait3A_485] : memref<80x128xi32, #tpu.memory_space<vmem>> -> memref<1x128xi32, #tpu.memory_space<vmem>>
      %dma_wait3A_487 = tpu.memref_squeeze %dma_wait3A_486 : memref<1x128xi32, #tpu.memory_space<vmem>> -> memref<128xi32, #tpu.memory_space<vmem>>
      %dma_wait3A_488 = arith.constant 0 : i32
      %dma_wait3A_489 = arith.constant 0 : i32
      %dma_wait3A_490 = tpu.memref_slice %arg10[%dma_wait3A_488, %dma_wait3A_489] : memref<10112x16xf32, #tpu.memory_space<vmem_shared>> -> memref<10112x16xf32, #tpu.memory_space<vmem_shared>>
      tpu.wait_indirect_dma semaphore(%arg23 : memref<!tpu.dma_semaphore, #tpu.memory_space<semaphore_mem>>) src(%dma_wait3A_484 : memref<128x16xf32, #tpu.memory_space<vmem>>) dst(%dma_wait3A_490 : memref<10112x16xf32, #tpu.memory_space<vmem_shared>>)
      %dma_wait3A_491 = arith.constant 4 : i32
      %dma_wait3A_492 = arith.constant 76 : i32
      %dma_wait3A_493 = arith.constant 0 : i32
      %dma_wait3A_494 = arith.constant 0 : i32
      %dma_wait3A_495 = tpu.memref_slice %arg8[%dma_wait3A_491, %dma_wait3A_493, %dma_wait3A_494] : memref<8x128x16xf32, #tpu.memory_space<vmem>> -> memref<1x128x16xf32, #tpu.memory_space<vmem>>
      %dma_wait3A_496 = tpu.memref_squeeze %dma_wait3A_495 : memref<1x128x16xf32, #tpu.memory_space<vmem>> -> memref<128x16xf32, #tpu.memory_space<vmem>>
      %dma_wait3A_497 = arith.constant 0 : i32
      %dma_wait3A_498 = tpu.memref_slice %arg7[%dma_wait3A_492, %dma_wait3A_497] : memref<80x128xi32, #tpu.memory_space<vmem>> -> memref<1x128xi32, #tpu.memory_space<vmem>>
      %dma_wait3A_499 = tpu.memref_squeeze %dma_wait3A_498 : memref<1x128xi32, #tpu.memory_space<vmem>> -> memref<128xi32, #tpu.memory_space<vmem>>
      %dma_wait3A_500 = arith.constant 0 : i32
      %dma_wait3A_501 = arith.constant 0 : i32
      %dma_wait3A_502 = tpu.memref_slice %arg10[%dma_wait3A_500, %dma_wait3A_501] : memref<10112x16xf32, #tpu.memory_space<vmem_shared>> -> memref<10112x16xf32, #tpu.memory_space<vmem_shared>>
      tpu.wait_indirect_dma semaphore(%arg24 : memref<!tpu.dma_semaphore, #tpu.memory_space<semaphore_mem>>) src(%dma_wait3A_496 : memref<128x16xf32, #tpu.memory_space<vmem>>) dst(%dma_wait3A_502 : memref<10112x16xf32, #tpu.memory_space<vmem_shared>>)
      %dma_wait3A_503 = arith.constant 5 : i32
      %dma_wait3A_504 = arith.constant 77 : i32
      %dma_wait3A_505 = arith.constant 0 : i32
      %dma_wait3A_506 = arith.constant 0 : i32
      %dma_wait3A_507 = tpu.memref_slice %arg8[%dma_wait3A_503, %dma_wait3A_505, %dma_wait3A_506] : memref<8x128x16xf32, #tpu.memory_space<vmem>> -> memref<1x128x16xf32, #tpu.memory_space<vmem>>
      %dma_wait3A_508 = tpu.memref_squeeze %dma_wait3A_507 : memref<1x128x16xf32, #tpu.memory_space<vmem>> -> memref<128x16xf32, #tpu.memory_space<vmem>>
      %dma_wait3A_509 = arith.constant 0 : i32
      %dma_wait3A_510 = tpu.memref_slice %arg7[%dma_wait3A_504, %dma_wait3A_509] : memref<80x128xi32, #tpu.memory_space<vmem>> -> memref<1x128xi32, #tpu.memory_space<vmem>>
      %dma_wait3A_511 = tpu.memref_squeeze %dma_wait3A_510 : memref<1x128xi32, #tpu.memory_space<vmem>> -> memref<128xi32, #tpu.memory_space<vmem>>
      %dma_wait3A_512 = arith.constant 0 : i32
      %dma_wait3A_513 = arith.constant 0 : i32
      %dma_wait3A_514 = tpu.memref_slice %arg10[%dma_wait3A_512, %dma_wait3A_513] : memref<10112x16xf32, #tpu.memory_space<vmem_shared>> -> memref<10112x16xf32, #tpu.memory_space<vmem_shared>>
      tpu.wait_indirect_dma semaphore(%arg25 : memref<!tpu.dma_semaphore, #tpu.memory_space<semaphore_mem>>) src(%dma_wait3A_508 : memref<128x16xf32, #tpu.memory_space<vmem>>) dst(%dma_wait3A_514 : memref<10112x16xf32, #tpu.memory_space<vmem_shared>>)
      %dma_wait3A_515 = arith.constant 6 : i32
      %dma_wait3A_516 = arith.constant 78 : i32
      %dma_wait3A_517 = arith.constant 0 : i32
      %dma_wait3A_518 = arith.constant 0 : i32
      %dma_wait3A_519 = tpu.memref_slice %arg8[%dma_wait3A_515, %dma_wait3A_517, %dma_wait3A_518] : memref<8x128x16xf32, #tpu.memory_space<vmem>> -> memref<1x128x16xf32, #tpu.memory_space<vmem>>
      %dma_wait3A_520 = tpu.memref_squeeze %dma_wait3A_519 : memref<1x128x16xf32, #tpu.memory_space<vmem>> -> memref<128x16xf32, #tpu.memory_space<vmem>>
      %dma_wait3A_521 = arith.constant 0 : i32
      %dma_wait3A_522 = tpu.memref_slice %arg7[%dma_wait3A_516, %dma_wait3A_521] : memref<80x128xi32, #tpu.memory_space<vmem>> -> memref<1x128xi32, #tpu.memory_space<vmem>>
      %dma_wait3A_523 = tpu.memref_squeeze %dma_wait3A_522 : memref<1x128xi32, #tpu.memory_space<vmem>> -> memref<128xi32, #tpu.memory_space<vmem>>
      %dma_wait3A_524 = arith.constant 0 : i32
      %dma_wait3A_525 = arith.constant 0 : i32
      %dma_wait3A_526 = tpu.memref_slice %arg10[%dma_wait3A_524, %dma_wait3A_525] : memref<10112x16xf32, #tpu.memory_space<vmem_shared>> -> memref<10112x16xf32, #tpu.memory_space<vmem_shared>>
      tpu.wait_indirect_dma semaphore(%arg26 : memref<!tpu.dma_semaphore, #tpu.memory_space<semaphore_mem>>) src(%dma_wait3A_520 : memref<128x16xf32, #tpu.memory_space<vmem>>) dst(%dma_wait3A_526 : memref<10112x16xf32, #tpu.memory_space<vmem_shared>>)
      %dma_wait3A_527 = arith.constant 7 : i32
      %dma_wait3A_528 = arith.constant 79 : i32
      %dma_wait3A_529 = arith.constant 0 : i32
      %dma_wait3A_530 = arith.constant 0 : i32
      %dma_wait3A_531 = tpu.memref_slice %arg8[%dma_wait3A_527, %dma_wait3A_529, %dma_wait3A_530] : memref<8x128x16xf32, #tpu.memory_space<vmem>> -> memref<1x128x16xf32, #tpu.memory_space<vmem>>
      %dma_wait3A_532 = tpu.memref_squeeze %dma_wait3A_531 : memref<1x128x16xf32, #tpu.memory_space<vmem>> -> memref<128x16xf32, #tpu.memory_space<vmem>>
      %dma_wait3A_533 = arith.constant 0 : i32
      %dma_wait3A_534 = tpu.memref_slice %arg7[%dma_wait3A_528, %dma_wait3A_533] : memref<80x128xi32, #tpu.memory_space<vmem>> -> memref<1x128xi32, #tpu.memory_space<vmem>>
      %dma_wait3A_535 = tpu.memref_squeeze %dma_wait3A_534 : memref<1x128xi32, #tpu.memory_space<vmem>> -> memref<128xi32, #tpu.memory_space<vmem>>
      %dma_wait3A_536 = arith.constant 0 : i32
      %dma_wait3A_537 = arith.constant 0 : i32
      %dma_wait3A_538 = tpu.memref_slice %arg10[%dma_wait3A_536, %dma_wait3A_537] : memref<10112x16xf32, #tpu.memory_space<vmem_shared>> -> memref<10112x16xf32, #tpu.memory_space<vmem_shared>>
      tpu.wait_indirect_dma semaphore(%arg27 : memref<!tpu.dma_semaphore, #tpu.memory_space<semaphore_mem>>) src(%dma_wait3A_532 : memref<128x16xf32, #tpu.memory_space<vmem>>) dst(%dma_wait3A_538 : memref<10112x16xf32, #tpu.memory_space<vmem_shared>>)
    } else {
    }
    %barrier3A_48 = arith.constant 0 : index
    tpu.barrier barrier_id(%barrier3A_48)
    %mul3A_49 = arith.constant 632 : i32
    %mul3A_50 = arith.muli %arg1, %mul3A_49 : i32
    %mul3A_51 = arith.constant 632 : i32
    %mul3A_52 = arith.muli %arg1, %mul3A_51 : i32
    "tpu.region"() ({
      %run_scoped3A = tpu.sem_alloc : memref<!tpu.dma_semaphore, #tpu.memory_space<semaphore_mem>>
      %dma_start3A_53 = arith.constant 0 : i32
      %dma_start3A_54 = arith.constant 0 : i32
      %dma_start3A_55 = tpu.memref_slice %arg5[%arg0, %dma_start3A_53, %dma_start3A_54] : memref<2x10112x16xf32, #tpu.memory_space<hbm>> -> memref<1x10112x16xf32, #tpu.memory_space<hbm>>
      %dma_start3A_56 = tpu.memref_squeeze %dma_start3A_55 : memref<1x10112x16xf32, #tpu.memory_space<hbm>> -> memref<10112x16xf32, #tpu.memory_space<hbm>>
      %dma_start3A_57 = arith.constant 0 : i32
      %dma_start3A_58 = tpu.memref_slice %dma_start3A_56[%mul3A_52, %dma_start3A_57] : memref<10112x16xf32, #tpu.memory_space<hbm>> -> memref<632x16xf32, #tpu.memory_space<hbm>>
      %dma_start3A_59 = arith.constant 0 : i32
      %dma_start3A_60 = tpu.memref_slice %arg10[%mul3A_50, %dma_start3A_59] : memref<10112x16xf32, #tpu.memory_space<vmem_shared>> -> memref<632x16xf32, #tpu.memory_space<vmem_shared>>
      tpu.enqueue_dma source(%dma_start3A_60 : memref<632x16xf32, #tpu.memory_space<vmem_shared>>) target(%dma_start3A_58 : memref<632x16xf32, #tpu.memory_space<hbm>>) target_semaphore(%run_scoped3A : memref<!tpu.dma_semaphore, #tpu.memory_space<semaphore_mem>>)
      %dma_wait3A_61 = arith.constant 0 : i32
      %dma_wait3A_62 = arith.constant 0 : i32
      %dma_wait3A_63 = tpu.memref_slice %arg5[%arg0, %dma_wait3A_61, %dma_wait3A_62] : memref<2x10112x16xf32, #tpu.memory_space<hbm>> -> memref<1x10112x16xf32, #tpu.memory_space<hbm>>
      %dma_wait3A_64 = tpu.memref_squeeze %dma_wait3A_63 : memref<1x10112x16xf32, #tpu.memory_space<hbm>> -> memref<10112x16xf32, #tpu.memory_space<hbm>>
      %dma_wait3A_65 = arith.constant 0 : i32
      %dma_wait3A_66 = tpu.memref_slice %dma_wait3A_64[%mul3A_52, %dma_wait3A_65] : memref<10112x16xf32, #tpu.memory_space<hbm>> -> memref<632x16xf32, #tpu.memory_space<hbm>>
      %dma_wait3A_67 = arith.constant 0 : i32
      %dma_wait3A_68 = tpu.memref_slice %arg10[%mul3A_50, %dma_wait3A_67] : memref<10112x16xf32, #tpu.memory_space<vmem_shared>> -> memref<632x16xf32, #tpu.memory_space<vmem_shared>>
      tpu.wait_dma2 semaphore(%run_scoped3A : memref<!tpu.dma_semaphore, #tpu.memory_space<semaphore_mem>>) src(%dma_wait3A_68 : memref<632x16xf32, #tpu.memory_space<vmem_shared>>) dst(%dma_wait3A_66 : memref<632x16xf32, #tpu.memory_space<hbm>>)
      tpu.yield
    }) : () -> ()
    return
  }
}

module attributes {stable_mosaic.version = 14 : i64} {
  func.func @_stage1_body(%arg0: i32, %arg1: memref<1000x128xf32, #tpu.memory_space<vmem>>, %arg2: memref<128x16xf32, #tpu.memory_space<vmem>>, %arg3: memref<8x16xf32, #tpu.memory_space<vmem>>, %arg4: memref<128x128xf32, #tpu.memory_space<vmem>>, %arg5: memref<8x128xf32, #tpu.memory_space<vmem>>, %arg6: memref<1000x16xf32, #tpu.memory_space<vmem>>, %arg7: memref<1000x128xf32, #tpu.memory_space<vmem>>) attributes {dimension_semantics = [#tpu.dimension_semantics<arbitrary>], iteration_bounds = array<i64: 10>, scalar_prefetch = 0 : i64, scratch_operands = 0 : i64, tpu.core_type = #tpu.core_type<tc>, window_params = [{transform_indices = @transform_0, window_bounds = array<i64: 1000, 128>}, {pipeline_mode = #tpu.pipeline_mode<synchronous>, transform_indices = @transform_1, window_bounds = array<i64: 128, 16>}, {pipeline_mode = #tpu.pipeline_mode<synchronous>, transform_indices = @transform_2, window_bounds = array<i64: 8, 16>}, {pipeline_mode = #tpu.pipeline_mode<synchronous>, transform_indices = @transform_3, window_bounds = array<i64: 128, 128>}, {pipeline_mode = #tpu.pipeline_mode<synchronous>, transform_indices = @transform_4, window_bounds = array<i64: 8, 128>}, {transform_indices = @transform_5, window_bounds = array<i64: 1000, 16>}, {transform_indices = @transform_6, window_bounds = array<i64: 1000, 128>}]} {
    %get3A = arith.constant 0 : index
    %get3A_0 = arith.constant 0 : index
    %get3A_1 = vector.load %arg1[%get3A, %get3A_0] : memref<1000x128xf32, #tpu.memory_space<vmem>>, vector<1000x128xf32>
    %get3A_2 = arith.constant 0 : index
    %get3A_3 = arith.constant 0 : index
    %get3A_4 = vector.load %arg2[%get3A_2, %get3A_3] : memref<128x16xf32, #tpu.memory_space<vmem>>, vector<128x16xf32>
    %dot_general3A = arith.constant dense<0.000000e+00> : vector<1000x16xf32>
    %dot_general3A_5 = tpu.matmul %get3A_1, %get3A_4, %dot_general3A {dimension_numbers = #tpu.dot_dimension_numbers<[1], [0], [0], [1], [0, 0, 1, 1], [], []>, transpose_lhs_hint = false} : vector<1000x128xf32>, vector<128x16xf32>, vector<1000x16xf32> -> vector<1000x16xf32>
    %get3A_6 = arith.constant 0 : index
    %get3A_7 = arith.constant 0 : index
    %get3A_8 = vector.load %arg3[%get3A_6, %get3A_7] : memref<8x16xf32, #tpu.memory_space<vmem>>, vector<1x16xf32>
    %add3A = vector.broadcast %get3A_8 : vector<1x16xf32> to vector<1000x16xf32>
    %add3A_9 = arith.addf %dot_general3A_5, %add3A : vector<1000x16xf32>
    %reduce_max3A = arith.constant dense<0xFF800000> : vector<1000xf32>
    %reduce_max3A_10 = vector.multi_reduction <maximumf>, %add3A_9, %reduce_max3A [1] : vector<1000x16xf32> to vector<1000xf32>
    %broadcast_in_dim3A = vector.shape_cast %reduce_max3A_10 : vector<1000xf32> to vector<1000x1xf32>
    %sub3A = vector.broadcast %broadcast_in_dim3A : vector<1000x1xf32> to vector<1000x16xf32>
    %sub3A_11 = arith.subf %add3A_9, %sub3A : vector<1000x16xf32>
    %exp3A = math.exp %sub3A_11 : vector<1000x16xf32>
    %reduce_sum3A = arith.constant dense<0.000000e+00> : vector<1000xf32>
    %reduce_sum3A_12 = vector.multi_reduction <add>, %exp3A, %reduce_sum3A [1] : vector<1000x16xf32> to vector<1000xf32>
    %broadcast_in_dim3A_13 = vector.shape_cast %reduce_sum3A_12 : vector<1000xf32> to vector<1000x1xf32>
    %div3A = vector.broadcast %broadcast_in_dim3A_13 : vector<1000x1xf32> to vector<1000x16xf32>
    %div3A_14 = arith.divf %exp3A, %div3A : vector<1000x16xf32>
    %swap3A = arith.constant 0 : index
    %swap3A_15 = arith.constant 0 : index
    %swap3A_16 = vector.load %arg6[%swap3A, %swap3A_15] : memref<1000x16xf32, #tpu.memory_space<vmem>>, vector<1000x16xf32>
    tpu.vector_store %arg6[%swap3A, %swap3A_15], %div3A_14 {strides = array<i32>} : memref<1000x16xf32, #tpu.memory_space<vmem>>, vector<1000x16xf32>,
    %get3A_17 = arith.constant 0 : index
    %get3A_18 = arith.constant 0 : index
    %get3A_19 = vector.load %arg4[%get3A_17, %get3A_18] : memref<128x128xf32, #tpu.memory_space<vmem>>, vector<128x128xf32>
    %dot_general3A_20 = arith.constant dense<0.000000e+00> : vector<1000x128xf32>
    %dot_general3A_21 = tpu.matmul %get3A_1, %get3A_19, %dot_general3A_20 {dimension_numbers = #tpu.dot_dimension_numbers<[1], [0], [0], [1], [0, 0, 1, 1], [], []>, transpose_lhs_hint = false} : vector<1000x128xf32>, vector<128x128xf32>, vector<1000x128xf32> -> vector<1000x128xf32>
    %get3A_22 = arith.constant 0 : index
    %get3A_23 = arith.constant 0 : index
    %get3A_24 = vector.load %arg5[%get3A_22, %get3A_23] : memref<8x128xf32, #tpu.memory_space<vmem>>, vector<1x128xf32>
    %add3A_25 = vector.broadcast %get3A_24 : vector<1x128xf32> to vector<1000x128xf32>
    %add3A_26 = arith.addf %dot_general3A_21, %add3A_25 : vector<1000x128xf32>
    %swap3A_27 = arith.constant 0 : index
    %swap3A_28 = arith.constant 0 : index
    %swap3A_29 = vector.load %arg7[%swap3A_27, %swap3A_28] : memref<1000x128xf32, #tpu.memory_space<vmem>>, vector<1000x128xf32>
    tpu.vector_store %arg7[%swap3A_27, %swap3A_28], %add3A_26 {strides = array<i32>} : memref<1000x128xf32, #tpu.memory_space<vmem>>, vector<1000x128xf32>,
    return
  }
  func.func @transform_0(%arg0: i32) -> (i32, i32) {
    %c0_i32 = arith.constant 0 : i32
    %c0_i32_0 = arith.constant 0 : i32
    return %arg0, %c0_i32 : i32, i32
  }
  func.func @transform_1(%arg0: i32) -> (i32, i32) {
    %c0_i32 = arith.constant 0 : i32
    %c0_i32_0 = arith.constant 0 : i32
    %c0_i32_1 = arith.constant 0 : i32
    return %c0_i32, %c0_i32_0 : i32, i32
  }
  func.func @transform_2(%arg0: i32) -> (i32, i32) {
    %c0_i32 = arith.constant 0 : i32
    %c0_i32_0 = arith.constant 0 : i32
    %c0_i32_1 = arith.constant 0 : i32
    return %c0_i32, %c0_i32_0 : i32, i32
  }
  func.func @transform_3(%arg0: i32) -> (i32, i32) {
    %c0_i32 = arith.constant 0 : i32
    %c0_i32_0 = arith.constant 0 : i32
    %c0_i32_1 = arith.constant 0 : i32
    return %c0_i32, %c0_i32_0 : i32, i32
  }
  func.func @transform_4(%arg0: i32) -> (i32, i32) {
    %c0_i32 = arith.constant 0 : i32
    %c0_i32_0 = arith.constant 0 : i32
    %c0_i32_1 = arith.constant 0 : i32
    return %c0_i32, %c0_i32_0 : i32, i32
  }
  func.func @transform_5(%arg0: i32) -> (i32, i32) {
    %c0_i32 = arith.constant 0 : i32
    %c0_i32_0 = arith.constant 0 : i32
    return %arg0, %c0_i32 : i32, i32
  }
  func.func @transform_6(%arg0: i32) -> (i32, i32) {
    %c0_i32 = arith.constant 0 : i32
    %c0_i32_0 = arith.constant 0 : i32
    return %arg0, %c0_i32 : i32, i32
  }
}

module attributes {stable_mosaic.version = 14 : i64} {
  func.func @_stage3_body(%arg0: i32, %arg1: memref<1000x16xf32, #tpu.memory_space<vmem>>, %arg2: memref<1000x128xf32, #tpu.memory_space<vmem>>, %arg3: memref<2x1000x16xf32, #tpu.memory_space<vmem>>, %arg4: memref<1000x1xi32, #tpu.memory_space<vmem>>, %arg5: memref<8x1024xi32, #tpu.memory_space<vmem>>, %arg6: memref<1024x128xf32, #tpu.memory_space<vmem>>, %arg7: memref<1024x8xi32, #tpu.memory_space<vmem>>, %arg8: memref<1024x160xf32, #tpu.memory_space<vmem>>) attributes {dimension_semantics = [#tpu.dimension_semantics<arbitrary>], iteration_bounds = array<i64: 10>, scalar_prefetch = 0 : i64, scratch_operands = 1 : i64, tpu.core_type = #tpu.core_type<tc>, window_params = [{transform_indices = @transform_0, window_bounds = array<i64: 1000, 16>}, {transform_indices = @transform_1, window_bounds = array<i64: 1000, 128>}, {transform_indices = @transform_2, window_bounds = array<i64: 2, 1000, 16>}, {transform_indices = @transform_3, window_bounds = array<i64: 1000, 1>}, {pipeline_mode = #tpu.pipeline_mode<synchronous>, transform_indices = @transform_4, window_bounds = array<i64: 8, 1024>}, {pipeline_mode = #tpu.pipeline_mode<synchronous>, transform_indices = @transform_5, window_bounds = array<i64: 1024, 128>}, {pipeline_mode = #tpu.pipeline_mode<synchronous>, transform_indices = @transform_6, window_bounds = array<i64: 1024, 8>}]} {
    %eq3A = arith.constant 0 : i32
    %eq3A_0 = arith.cmpi eq, %arg0, %eq3A : i32
    %convert_element_type3A = arith.extui %eq3A_0 : i1 to i32
    %cond3A = arith.constant 0 : i32
    %cond3A_1 = arith.cmpi ne, %convert_element_type3A, %cond3A : i32
    scf.if %cond3A_1 {
      %broadcast_in_dim3A_43 = arith.constant 0.000000e+00 : f32
      %broadcast_in_dim3A_44 = vector.broadcast %broadcast_in_dim3A_43 : f32 to vector<1024x160xf32>
      %swap3A_45 = arith.constant 0 : index
      %swap3A_46 = arith.constant 0 : index
      %swap3A_47 = vector.load %arg8[%swap3A_45, %swap3A_46] : memref<1024x160xf32, #tpu.memory_space<vmem>>, vector<1024x160xf32>
      tpu.vector_store %arg8[%swap3A_45, %swap3A_46], %broadcast_in_dim3A_44 {strides = array<i32>} : memref<1024x160xf32, #tpu.memory_space<vmem>>, vector<1024x160xf32>,
    } else {
    }
    %get3A = arith.constant 0 : index
    %get3A_2 = arith.constant 0 : index
    %get3A_3 = vector.load %arg1[%get3A, %get3A_2] : memref<1000x16xf32, #tpu.memory_space<vmem>>, vector<1000x16xf32>
    %convert_element_type3A_4 = arith.truncf %get3A_3 : vector<1000x16xf32> to vector<1000x16xbf16>
    %get3A_5 = arith.constant 0 : index
    %get3A_6 = arith.constant 0 : index
    %get3A_7 = arith.constant 0 : index
    %get3A_8 = vector.load %arg3[%get3A_5, %get3A_6, %get3A_7] : memref<2x1000x16xf32, #tpu.memory_space<vmem>>, vector<1x1000x16xf32>
    %get3A_9 = vector.shape_cast %get3A_8 : vector<1x1000x16xf32> to vector<1000x16xf32>
    %get3A_10 = arith.constant 1 : index
    %get3A_11 = arith.constant 0 : index
    %get3A_12 = arith.constant 0 : index
    %get3A_13 = vector.load %arg3[%get3A_10, %get3A_11, %get3A_12] : memref<2x1000x16xf32, #tpu.memory_space<vmem>>, vector<1x1000x16xf32>
    %get3A_14 = vector.shape_cast %get3A_13 : vector<1x1000x16xf32> to vector<1000x16xf32>
    %add3A = arith.addf %get3A_9, %get3A_14 : vector<1000x16xf32>
    %get3A_15 = arith.constant 0 : index
    %get3A_16 = arith.constant 0 : index
    %get3A_17 = vector.load %arg2[%get3A_15, %get3A_16] : memref<1000x128xf32, #tpu.memory_space<vmem>>, vector<1000x128xf32>
    %broadcast_in_dim3A = arith.constant 1.000000e+00 : f32
    %broadcast_in_dim3A_18 = vector.broadcast %broadcast_in_dim3A : f32 to vector<1000x16xf32>
    %concatenate3A = tpu.concatenate %get3A_17, %add3A, %broadcast_in_dim3A_18 in 1 : vector<1000x128xf32>, vector<1000x16xf32>, vector<1000x16xf32> -> vector<1000x160xf32>
    %convert_element_type3A_19 = arith.truncf %concatenate3A : vector<1000x160xf32> to vector<1000x160xbf16>
    %get3A_20 = arith.constant 0 : index
    %get3A_21 = arith.constant 0 : index
    %get3A_22 = vector.load %arg5[%get3A_20, %get3A_21] : memref<8x1024xi32, #tpu.memory_space<vmem>>, vector<1x1024xi32>
    %concatenate3A_23 = tpu.concatenate %convert_element_type3A_4, %convert_element_type3A_4, %convert_element_type3A_4, %convert_element_type3A_4, %convert_element_type3A_4, %convert_element_type3A_4, %convert_element_type3A_4, %convert_element_type3A_4, %convert_element_type3A_4, %convert_element_type3A_4, %convert_element_type3A_4, %convert_element_type3A_4, %convert_element_type3A_4, %convert_element_type3A_4, %convert_element_type3A_4, %convert_element_type3A_4, %convert_element_type3A_4, %convert_element_type3A_4, %convert_element_type3A_4, %convert_element_type3A_4, %convert_element_type3A_4, %convert_element_type3A_4, %convert_element_type3A_4, %convert_element_type3A_4, %convert_element_type3A_4, %convert_element_type3A_4, %convert_element_type3A_4, %convert_element_type3A_4, %convert_element_type3A_4, %convert_element_type3A_4, %convert_element_type3A_4, %convert_element_type3A_4, %convert_element_type3A_4, %convert_element_type3A_4, %convert_element_type3A_4, %convert_element_type3A_4, %convert_element_type3A_4, %convert_element_type3A_4, %convert_element_type3A_4, %convert_element_type3A_4, %convert_element_type3A_4, %convert_element_type3A_4, %convert_element_type3A_4, %convert_element_type3A_4, %convert_element_type3A_4, %convert_element_type3A_4, %convert_element_type3A_4, %convert_element_type3A_4, %convert_element_type3A_4, %convert_element_type3A_4, %convert_element_type3A_4, %convert_element_type3A_4, %convert_element_type3A_4, %convert_element_type3A_4, %convert_element_type3A_4, %convert_element_type3A_4, %convert_element_type3A_4, %convert_element_type3A_4, %convert_element_type3A_4, %convert_element_type3A_4, %convert_element_type3A_4, %convert_element_type3A_4, %convert_element_type3A_4, %convert_element_type3A_4 in 1 : vector<1000x16xbf16>, vector<1000x16xbf16>, vector<1000x16xbf16>, vector<1000x16xbf16>, vector<1000x16xbf16>, vector<1000x16xbf16>, vector<1000x16xbf16>, vector<1000x16xbf16>, vector<1000x16xbf16>, vector<1000x16xbf16>, vector<1000x16xbf16>, vector<1000x16xbf16>, vector<1000x16xbf16>, vector<1000x16xbf16>, vector<1000x16xbf16>, vector<1000x16xbf16>, vector<1000x16xbf16>, vector<1000x16xbf16>, vector<1000x16xbf16>, vector<1000x16xbf16>, vector<1000x16xbf16>, vector<1000x16xbf16>, vector<1000x16xbf16>, vector<1000x16xbf16>, vector<1000x16xbf16>, vector<1000x16xbf16>, vector<1000x16xbf16>, vector<1000x16xbf16>, vector<1000x16xbf16>, vector<1000x16xbf16>, vector<1000x16xbf16>, vector<1000x16xbf16>, vector<1000x16xbf16>, vector<1000x16xbf16>, vector<1000x16xbf16>, vector<1000x16xbf16>, vector<1000x16xbf16>, vector<1000x16xbf16>, vector<1000x16xbf16>, vector<1000x16xbf16>, vector<1000x16xbf16>, vector<1000x16xbf16>, vector<1000x16xbf16>, vector<1000x16xbf16>, vector<1000x16xbf16>, vector<1000x16xbf16>, vector<1000x16xbf16>, vector<1000x16xbf16>, vector<1000x16xbf16>, vector<1000x16xbf16>, vector<1000x16xbf16>, vector<1000x16xbf16>, vector<1000x16xbf16>, vector<1000x16xbf16>, vector<1000x16xbf16>, vector<1000x16xbf16>, vector<1000x16xbf16>, vector<1000x16xbf16>, vector<1000x16xbf16>, vector<1000x16xbf16>, vector<1000x16xbf16>, vector<1000x16xbf16>, vector<1000x16xbf16>, vector<1000x16xbf16> -> vector<1000x1024xbf16>
    %get3A_24 = arith.constant 0 : index
    %get3A_25 = arith.constant 0 : index
    %get3A_26 = vector.load %arg4[%get3A_24, %get3A_25] : memref<1000x1xi32, #tpu.memory_space<vmem>>, vector<1000x1xi32>
    %eq3A_27 = vector.broadcast %get3A_26 : vector<1000x1xi32> to vector<1000x1024xi32>
    %eq3A_28 = vector.broadcast %get3A_22 : vector<1x1024xi32> to vector<1000x1024xi32>
    %eq3A_29 = arith.cmpi eq, %eq3A_27, %eq3A_28 : vector<1000x1024xi32>
    %jit3A = arith.constant 0.000000e+00 : bf16
    %broadcast_in_dim3A_30 = vector.broadcast %jit3A : bf16 to vector<1000x1024xbf16>
    %select_n3A = arith.select %eq3A_29, %concatenate3A_23, %broadcast_in_dim3A_30 : vector<1000x1024xi1>, vector<1000x1024xbf16>
    %get3A_31 = arith.constant 0 : index
    %get3A_32 = arith.constant 0 : index
    %get3A_33 = vector.load %arg8[%get3A_31, %get3A_32] : memref<1024x160xf32, #tpu.memory_space<vmem>>, vector<1024x160xf32>
    %dot_general3A = arith.constant dense<0.000000e+00> : vector<1024x160xf32>
    %dot_general3A_34 = tpu.matmul %select_n3A, %convert_element_type3A_19, %dot_general3A {dimension_numbers = #tpu.dot_dimension_numbers<[0], [0], [1], [1], [0, 1, 1, 1], [], []>, transpose_lhs_hint = false} : vector<1000x1024xbf16>, vector<1000x160xbf16>, vector<1024x160xf32> -> vector<1024x160xf32>
    %add3A_35 = arith.addf %get3A_33, %dot_general3A_34 : vector<1024x160xf32>
    %swap3A = arith.constant 0 : index
    %swap3A_36 = arith.constant 0 : index
    %swap3A_37 = vector.load %arg8[%swap3A, %swap3A_36] : memref<1024x160xf32, #tpu.memory_space<vmem>>, vector<1024x160xf32>
    tpu.vector_store %arg8[%swap3A, %swap3A_36], %add3A_35 {strides = array<i32>} : memref<1024x160xf32, #tpu.memory_space<vmem>>, vector<1024x160xf32>,
    %eq3A_38 = arith.constant 9 : i32
    %eq3A_39 = arith.cmpi eq, %arg0, %eq3A_38 : i32
    %convert_element_type3A_40 = arith.extui %eq3A_39 : i1 to i32
    %cond3A_41 = arith.constant 0 : i32
    %cond3A_42 = arith.cmpi ne, %convert_element_type3A_40, %cond3A_41 : i32
    scf.if %cond3A_42 {
      %get3A_43 = arith.constant 0 : index
      %get3A_44 = arith.constant 0 : index
      %get3A_45 = vector.load %arg8[%get3A_43, %get3A_44] : memref<1024x160xf32, #tpu.memory_space<vmem>>, vector<1024x160xf32>
      %slice3A = vector.extract_strided_slice %get3A_45 {offsets = [0, 144], sizes = [1024, 1], strides = [1, 1]} : vector<1024x160xf32> to vector<1024x1xf32>
      %max3A = arith.constant 1.000000e-10 : f32
      %max3A_46 = vector.broadcast %max3A : f32 to vector<1024x1xf32>
      %max3A_47 = arith.maximumf %slice3A, %max3A_46 : vector<1024x1xf32>
      %iota3A = tpu.iota {dimensions = array<i32: 1>} : vector<1024x128xi32>
      %slice3A_48 = vector.extract_strided_slice %get3A_45 {offsets = [0, 0], sizes = [1024, 128], strides = [1, 1]} : vector<1024x160xf32> to vector<1024x128xf32>
      %lt3A = arith.constant 3 : i32
      %lt3A_49 = vector.broadcast %lt3A : i32 to vector<1024x128xi32>
      %lt3A_50 = arith.cmpi slt, %iota3A, %lt3A_49 : vector<1024x128xi32>
      %div3A = arith.constant 1.000000e+00 : f32
      %div3A_51 = vector.broadcast %div3A : f32 to vector<1024x1xf32>
      %div3A_52 = arith.divf %div3A_51, %max3A_47 : vector<1024x1xf32>
      %jit3A_53 = arith.constant 1.000000e+00 : f32
      %broadcast_in_dim3A_54 = vector.shape_cast %div3A_52 : vector<1024x1xf32> to vector<1024x1xf32>
      %broadcast_in_dim3A_55 = vector.broadcast %broadcast_in_dim3A_54 : vector<1024x1xf32> to vector<1024x128xf32>
      %broadcast_in_dim3A_56 = vector.broadcast %jit3A_53 : f32 to vector<1024x128xf32>
      %select_n3A_57 = arith.select %lt3A_50, %broadcast_in_dim3A_55, %broadcast_in_dim3A_56 : vector<1024x128xi1>, vector<1024x128xf32>
      %mul3A = arith.mulf %slice3A_48, %select_n3A_57 : vector<1024x128xf32>
      %swap3A_58 = arith.constant 0 : index
      %swap3A_59 = arith.constant 0 : index
      %swap3A_60 = vector.load %arg6[%swap3A_58, %swap3A_59] : memref<1024x128xf32, #tpu.memory_space<vmem>>, vector<1024x128xf32>
      tpu.vector_store %arg6[%swap3A_58, %swap3A_59], %mul3A {strides = array<i32>} : memref<1024x128xf32, #tpu.memory_space<vmem>>, vector<1024x128xf32>,
      %slice3A_61 = vector.extract_strided_slice %get3A_45 {offsets = [0, 128], sizes = [1024, 16], strides = [1, 1]} : vector<1024x160xf32> to vector<1024x16xf32>
      %iota3A_62 = tpu.iota {dimensions = array<i32: 1>} : vector<1024x16xi32>
      %iota3A_63 = tpu.iota {dimensions = array<i32: 0>} : vector<1024x1xi32>
      %jit3A_64 = arith.constant 16 : i32
      %div3A_65 = vector.broadcast %jit3A_64 : i32 to vector<1024x1xi32>
      %div3A_66 = arith.divsi %iota3A_63, %div3A_65 : vector<1024x1xi32>
      %sign3A = arith.constant 0 : i32
      %sign3A_67 = vector.broadcast %sign3A : i32 to vector<1024x1xi32>
      %sign3A_68 = arith.cmpi sgt, %iota3A_63, %sign3A_67 : vector<1024x1xi32>
      %sign3A_69 = arith.extui %sign3A_68 : vector<1024x1xi1> to vector<1024x1xi32>
      %sign3A_70 = arith.constant 0 : i32
      %sign3A_71 = vector.broadcast %sign3A_70 : i32 to vector<1024x1xi32>
      %sign3A_72 = arith.cmpi slt, %iota3A_63, %sign3A_71 : vector<1024x1xi32>
      %sign3A_73 = arith.extui %sign3A_72 : vector<1024x1xi1> to vector<1024x1xi32>
      %sign3A_74 = arith.subi %sign3A_69, %sign3A_73 : vector<1024x1xi32>
      %sign3A_75 = arith.constant 0 : i32
      %sign3A_76 = arith.cmpi sgt, %jit3A_64, %sign3A_75 : i32
      %sign3A_77 = arith.extui %sign3A_76 : i1 to i32
      %sign3A_78 = arith.constant 0 : i32
      %sign3A_79 = arith.cmpi slt, %jit3A_64, %sign3A_78 : i32
      %sign3A_80 = arith.extui %sign3A_79 : i1 to i32
      %sign3A_81 = arith.subi %sign3A_77, %sign3A_80 : i32
      %ne3A = vector.broadcast %sign3A_81 : i32 to vector<1024x1xi32>
      %ne3A_82 = arith.cmpi ne, %sign3A_74, %ne3A : vector<1024x1xi32>
      %rem3A = vector.broadcast %jit3A_64 : i32 to vector<1024x1xi32>
      %rem3A_83 = arith.remsi %iota3A_63, %rem3A : vector<1024x1xi32>
      %ne3A_84 = arith.constant 0 : i32
      %ne3A_85 = vector.broadcast %ne3A_84 : i32 to vector<1024x1xi32>
      %ne3A_86 = arith.cmpi ne, %rem3A_83, %ne3A_85 : vector<1024x1xi32>
      %and3A = arith.andi %ne3A_82, %ne3A_86 : vector<1024x1xi1>
      %sub3A = arith.constant 1 : i32
      %sub3A_87 = vector.broadcast %sub3A : i32 to vector<1024x1xi32>
      %sub3A_88 = arith.subi %div3A_66, %sub3A_87 : vector<1024x1xi32>
      %select_n3A_89 = arith.select %and3A, %sub3A_88, %div3A_66 : vector<1024x1xi1>, vector<1024x1xi32>
      %mul3A_90 = arith.constant 16 : i32
      %mul3A_91 = vector.broadcast %mul3A_90 : i32 to vector<1024x1xi32>
      %mul3A_92 = arith.muli %select_n3A_89, %mul3A_91 : vector<1024x1xi32>
      %reduce_max3A = arith.constant dense<0xFF800000> : vector<1024xf32>
      %reduce_max3A_93 = vector.multi_reduction <maximumf>, %slice3A_61, %reduce_max3A [1] : vector<1024x16xf32> to vector<1024xf32>
      %broadcast_in_dim3A_94 = vector.shape_cast %reduce_max3A_93 : vector<1024xf32> to vector<1024x1xf32>
      %eq3A_95 = vector.broadcast %broadcast_in_dim3A_94 : vector<1024x1xf32> to vector<1024x16xf32>
      %eq3A_96 = arith.cmpf oeq, %slice3A_61, %eq3A_95 : vector<1024x16xf32>
      %jit3A_97 = arith.constant 16 : i32
      %broadcast_in_dim3A_98 = vector.broadcast %jit3A_97 : i32 to vector<1024x16xi32>
      %select_n3A_99 = arith.select %eq3A_96, %iota3A_62, %broadcast_in_dim3A_98 : vector<1024x16xi1>, vector<1024x16xi32>
      %reduce_min3A = arith.constant dense<2147483647> : vector<1024xi32>
      %reduce_min3A_100 = vector.multi_reduction <minsi>, %select_n3A_99, %reduce_min3A [1] : vector<1024x16xi32> to vector<1024xi32>
      %broadcast_in_dim3A_101 = vector.shape_cast %reduce_min3A_100 : vector<1024xi32> to vector<1024x1xi32>
      %add3A_102 = arith.addi %broadcast_in_dim3A_101, %mul3A_92 : vector<1024x1xi32>
      %eq3A_103 = vector.broadcast %broadcast_in_dim3A_101 : vector<1024x1xi32> to vector<1024x16xi32>
      %eq3A_104 = arith.cmpi eq, %iota3A_62, %eq3A_103 : vector<1024x16xi32>
      %jit3A_105 = arith.constant 0xFF800000 : f32
      %broadcast_in_dim3A_106 = vector.broadcast %jit3A_105 : f32 to vector<1024x16xf32>
      %select_n3A_107 = arith.select %eq3A_104, %broadcast_in_dim3A_106, %slice3A_61 : vector<1024x16xi1>, vector<1024x16xf32>
      %reduce_max3A_108 = arith.constant dense<0xFF800000> : vector<1024xf32>
      %reduce_max3A_109 = vector.multi_reduction <maximumf>, %select_n3A_107, %reduce_max3A_108 [1] : vector<1024x16xf32> to vector<1024xf32>
      %broadcast_in_dim3A_110 = vector.shape_cast %reduce_max3A_109 : vector<1024xf32> to vector<1024x1xf32>
      %eq3A_111 = vector.broadcast %broadcast_in_dim3A_110 : vector<1024x1xf32> to vector<1024x16xf32>
      %eq3A_112 = arith.cmpf oeq, %select_n3A_107, %eq3A_111 : vector<1024x16xf32>
      %jit3A_113 = arith.constant 16 : i32
      %broadcast_in_dim3A_114 = vector.broadcast %jit3A_113 : i32 to vector<1024x16xi32>
      %select_n3A_115 = arith.select %eq3A_112, %iota3A_62, %broadcast_in_dim3A_114 : vector<1024x16xi1>, vector<1024x16xi32>
      %reduce_min3A_116 = arith.constant dense<2147483647> : vector<1024xi32>
      %reduce_min3A_117 = vector.multi_reduction <minsi>, %select_n3A_115, %reduce_min3A_116 [1] : vector<1024x16xi32> to vector<1024xi32>
      %broadcast_in_dim3A_118 = vector.shape_cast %reduce_min3A_117 : vector<1024xi32> to vector<1024x1xi32>
      %add3A_119 = arith.addi %broadcast_in_dim3A_118, %mul3A_92 : vector<1024x1xi32>
      %eq3A_120 = vector.broadcast %broadcast_in_dim3A_118 : vector<1024x1xi32> to vector<1024x16xi32>
      %eq3A_121 = arith.cmpi eq, %iota3A_62, %eq3A_120 : vector<1024x16xi32>
      %jit3A_122 = arith.constant 0xFF800000 : f32
      %broadcast_in_dim3A_123 = vector.broadcast %jit3A_122 : f32 to vector<1024x16xf32>
      %select_n3A_124 = arith.select %eq3A_121, %broadcast_in_dim3A_123, %select_n3A_107 : vector<1024x16xi1>, vector<1024x16xf32>
      %reduce_max3A_125 = arith.constant dense<0xFF800000> : vector<1024xf32>
      %reduce_max3A_126 = vector.multi_reduction <maximumf>, %select_n3A_124, %reduce_max3A_125 [1] : vector<1024x16xf32> to vector<1024xf32>
      %broadcast_in_dim3A_127 = vector.shape_cast %reduce_max3A_126 : vector<1024xf32> to vector<1024x1xf32>
      %eq3A_128 = vector.broadcast %broadcast_in_dim3A_127 : vector<1024x1xf32> to vector<1024x16xf32>
      %eq3A_129 = arith.cmpf oeq, %select_n3A_124, %eq3A_128 : vector<1024x16xf32>
      %jit3A_130 = arith.constant 16 : i32
      %broadcast_in_dim3A_131 = vector.broadcast %jit3A_130 : i32 to vector<1024x16xi32>
      %select_n3A_132 = arith.select %eq3A_129, %iota3A_62, %broadcast_in_dim3A_131 : vector<1024x16xi1>, vector<1024x16xi32>
      %reduce_min3A_133 = arith.constant dense<2147483647> : vector<1024xi32>
      %reduce_min3A_134 = vector.multi_reduction <minsi>, %select_n3A_132, %reduce_min3A_133 [1] : vector<1024x16xi32> to vector<1024xi32>
      %broadcast_in_dim3A_135 = vector.shape_cast %reduce_min3A_134 : vector<1024xi32> to vector<1024x1xi32>
      %add3A_136 = arith.addi %broadcast_in_dim3A_135, %mul3A_92 : vector<1024x1xi32>
      %eq3A_137 = vector.broadcast %broadcast_in_dim3A_135 : vector<1024x1xi32> to vector<1024x16xi32>
      %eq3A_138 = arith.cmpi eq, %iota3A_62, %eq3A_137 : vector<1024x16xi32>
      %jit3A_139 = arith.constant 0xFF800000 : f32
      %broadcast_in_dim3A_140 = vector.broadcast %jit3A_139 : f32 to vector<1024x16xf32>
      %select_n3A_141 = arith.select %eq3A_138, %broadcast_in_dim3A_140, %select_n3A_124 : vector<1024x16xi1>, vector<1024x16xf32>
      %reduce_max3A_142 = arith.constant dense<0xFF800000> : vector<1024xf32>
      %reduce_max3A_143 = vector.multi_reduction <maximumf>, %select_n3A_141, %reduce_max3A_142 [1] : vector<1024x16xf32> to vector<1024xf32>
      %broadcast_in_dim3A_144 = vector.shape_cast %reduce_max3A_143 : vector<1024xf32> to vector<1024x1xf32>
      %eq3A_145 = vector.broadcast %broadcast_in_dim3A_144 : vector<1024x1xf32> to vector<1024x16xf32>
      %eq3A_146 = arith.cmpf oeq, %select_n3A_141, %eq3A_145 : vector<1024x16xf32>
      %jit3A_147 = arith.constant 16 : i32
      %broadcast_in_dim3A_148 = vector.broadcast %jit3A_147 : i32 to vector<1024x16xi32>
      %select_n3A_149 = arith.select %eq3A_146, %iota3A_62, %broadcast_in_dim3A_148 : vector<1024x16xi1>, vector<1024x16xi32>
      %reduce_min3A_150 = arith.constant dense<2147483647> : vector<1024xi32>
      %reduce_min3A_151 = vector.multi_reduction <minsi>, %select_n3A_149, %reduce_min3A_150 [1] : vector<1024x16xi32> to vector<1024xi32>
      %broadcast_in_dim3A_152 = vector.shape_cast %reduce_min3A_151 : vector<1024xi32> to vector<1024x1xi32>
      %add3A_153 = arith.addi %broadcast_in_dim3A_152, %mul3A_92 : vector<1024x1xi32>
      %broadcast_in_dim3A_154 = arith.constant 0 : i32
      %broadcast_in_dim3A_155 = vector.broadcast %broadcast_in_dim3A_154 : i32 to vector<1024x4xi32>
      %concatenate3A_156 = tpu.concatenate %add3A_102, %add3A_119, %add3A_136, %add3A_153, %broadcast_in_dim3A_155 in 1 : vector<1024x1xi32>, vector<1024x1xi32>, vector<1024x1xi32>, vector<1024x1xi32>, vector<1024x4xi32> -> vector<1024x8xi32>
      %swap3A_157 = arith.constant 0 : index
      %swap3A_158 = arith.constant 0 : index
      %swap3A_159 = vector.load %arg7[%swap3A_157, %swap3A_158] : memref<1024x8xi32, #tpu.memory_space<vmem>>, vector<1024x8xi32>
      tpu.vector_store %arg7[%swap3A_157, %swap3A_158], %concatenate3A_156 {strides = array<i32>} : memref<1024x8xi32, #tpu.memory_space<vmem>>, vector<1024x8xi32>,
    } else {
    }
    return
  }
  func.func @transform_0(%arg0: i32) -> (i32, i32) {
    %c0_i32 = arith.constant 0 : i32
    %c0_i32_0 = arith.constant 0 : i32
    return %arg0, %c0_i32 : i32, i32
  }
  func.func @transform_1(%arg0: i32) -> (i32, i32) {
    %c0_i32 = arith.constant 0 : i32
    %c0_i32_0 = arith.constant 0 : i32
    return %arg0, %c0_i32 : i32, i32
  }
  func.func @transform_2(%arg0: i32) -> (i32, i32, i32) {
    %c0_i32 = arith.constant 0 : i32
    %c0_i32_0 = arith.constant 0 : i32
    %c0_i32_1 = arith.constant 0 : i32
    return %c0_i32, %arg0, %c0_i32_0 : i32, i32, i32
  }
  func.func @transform_3(%arg0: i32) -> (i32, i32) {
    %c0_i32 = arith.constant 0 : i32
    %c0_i32_0 = arith.constant 0 : i32
    return %arg0, %c0_i32 : i32, i32
  }
  func.func @transform_4(%arg0: i32) -> (i32, i32) {
    %c0_i32 = arith.constant 0 : i32
    %c0_i32_0 = arith.constant 0 : i32
    %c0_i32_1 = arith.constant 0 : i32
    return %c0_i32, %c0_i32_0 : i32, i32
  }
  func.func @transform_5(%arg0: i32) -> (i32, i32) {
    %c0_i32 = arith.constant 0 : i32
    %c0_i32_0 = arith.constant 0 : i32
    %c0_i32_1 = arith.constant 0 : i32
    return %c0_i32, %c0_i32_0 : i32, i32
  }
  func.func @transform_6(%arg0: i32) -> (i32, i32) {
    %c0_i32 = arith.constant 0 : i32
    %c0_i32_0 = arith.constant 0 : i32
    %c0_i32_1 = arith.constant 0 : i32
    return %c0_i32, %c0_i32_0 : i32, i32
  }
}

</mosaic_0001>

<sc_bundles>
// kernel: kernel.5.cloned.1.call-start
scs
__scs_entry_jumppad:
0x0: {  	(pc) =	sbr.rel $0x88, $3  }
0x1: {  	(tag) =	ssettag $0x0;
	lr =	simm.s32 $0x1  }
0x2: {  	[smem:$0x3F9A] =	sst lr;
	_ =	strace $0xD0000000  }
0x3: {  	_ = 	snop  }
0x4: {  	_ = 	snop  }
0x5: {  	_ = 	snop  }
0x6: {  	_ = 	snop  }
0x7: {  	_ = 	snop  }
__scs_overlays_trampoline_lowered:
0x8: {  	[smem:$0x3FA9] =	sst s0  }
0x9: {  	[smem:$0x3FAA] =	sst s1  }
0xa: {  	[smem:$0x3FAB] =	sst s2  }
0xb: {  	[smem:$0x3FAC] =	sst s3  }
0xc: {  	[smem:$0x3FAD] =	sst s4  }
0xd: {  	[smem:$0x3FAE] =	sst s5  }
0xe: {  	[smem:$0x3FAF] =	sst s6  }
0xf: {  	[smem:$0x3FB0] =	sst s7  }
0x10: {  	[smem:$0x3FB1] =	sst s8  }
0x11: {  	[smem:$0x3FB2] =	sst s9;
	s0 =	simm.s32 @!p0 $0x0  }
0x12: {  	s1 =	sld [smem:$0x3F98];
	s0 =	simm.s32 @p0 $0x1  }
0x13: {  	[smem:$0x3FB3] =	sst s0;
	s0 =	simm.s32 @!p1 $0x0  }
0x14: {  	s2 =	sld [smem:$0x3F97];
	s0 =	simm.s32 @p1 $0x1  }
0x15: {  	[smem:$0x3FB4] =	sst s0;
	s0 =	simm.s32 @!p2 $0x0  }
0x16: {  	s3 =	sld [smem:$0x3FDB];
	s0 =	simm.s32 @p2 $0x1  }
0x17: {  	s4 =	simm.s32 $0x1BF5;
	[smem:$0x3FB6] =	sst s0  }
0x18: {  	s0 =	sld [smem:$0x3F99];
	_ =	swait.ge [sflag:s4], $0x0  }
0x19: {  	s7 =	sld [smem:$0x3F9A]  }
0x1a: {  	s8 =	sadd.s32 $0xFFFFE003, lr  }
0x1b: {  	s9 =	sadd.s32 $0xFFFFFEF7, lr;
	s5 =	simm.s32 $0xFFFFFFFF;
	p2 =	slt.u32 s8, $0xFFFFF086  }
0x1c: {  	p1 =	slt.u32 s9, $0xF7A;
	s5 =	simm.s32 @!p2 $0x0  }
0x1d: {  	s5 =	simm.s32 @p1 $0x1;
	p0 =	seq.s32 s7, s2  }
0x1e: {  	s7 =	smul.u32 @!p0 $0xF7A, s2;
	p2 =	seq.s32 @!p0 s5, $0x0  }
0x1f: {  	s9 =	smul.u32 $0xF7A, s1;
	s8 =	simm.s32 @!p0 $0x1BF5;
	p2 =	por !p2, p0  }
0x20: {  	[sflag:s8] =	ssyncset.s32 @!p0 $0xFFFFF086;
	s6 =	sadd.s32 @!p0 s3, s7;
	s7 =	simm.s32 @!p0 $0x108  }
0x21: {  	s3 =	sadd.s32 s3, s9;
	s6 =	sadd.s32 @!p0 $0x88, s6;
	s7 =	simm.s32 @p2 $0x1082  }
0x22: {  	[simem:s7], [sflag:s8] =	dma.local @!p0 [hbm:s6], $0xF7A  }
0x23: {  	s9 =	sor.u32 $0xD0000000, s2;
	s6 =	simm.s32 $0x108;
	_ =	swait.ge @!p0 [sflag:s8], $0x0  }
0x24: {  	s3 =	sadd.s32 $0x88, s3;
	s6 =	simm.s32 @!p1 $0x1082;
	[sflag:s4] =	ssyncset.s32 $0xFFFFF086  }
0x25: {  	[simem:s6], [sflag:s4] =	dma.local [hbm:s3], $0xF7A  }
0x26: {  	[smem:$0x3F9A] =	sst s1;
	(tag) =	ssettag s2;
	_ =	strace s9  }
0x27: {  	s1 =	sld [smem:$0x3FAA]  }
0x28: {  	s2 =	sld [smem:$0x3FAB]  }
0x29: {  	s4 =	sld [smem:$0x3FAD]  }
0x2a: {  	p0 =	seq.s32 s5, $0x0;
	s5 =	sld [smem:$0x3FAE]  }
0x2b: {  	s6 =	sld [smem:$0x3FAF]  }
0x2c: {  	s7 =	sld [smem:$0x3FB0]  }
0x2d: {  	s3 =	simm.s32 $0x108;
	s8 =	sld [smem:$0x3FB1]  }
0x2e: {  	s3 =	simm.s32 @!p0 $0x1082;
	s9 =	sld [smem:$0x3FB2]  }
0x2f: {  	lr =	sadd.s32 s0, s3;
	s0 =	sld [smem:$0x3FA9]  }
0x30: {  	s3 =	sld [smem:$0x3FAC]  }
0x31: {  	[smem:$0x3FB5] =	sst s10  }
0x32: {  	s10 =	sld [smem:$0x3FB3];
	_ =	sdelay $0x3  }
0x33: {  	p0 =	seq.s32 s10, $0x1;
	s10 =	sld [smem:$0x3FB5];
	_ =	sdelay $0x3  }
0x34: {  	[smem:$0x3FB5] =	sst s10  }
0x35: {  	s10 =	sld [smem:$0x3FB4];
	_ =	sdelay $0x3  }
0x36: {  	p1 =	seq.s32 s10, $0x1;
	s10 =	sld [smem:$0x3FB5];
	_ =	sdelay $0x3  }
0x37: {  	[smem:$0x3FB5] =	sst s10  }
0x38: {  	s10 =	sld [smem:$0x3FB6]  }
0x39: {  	_ = 	snop;
	(pc) =	sbr.ind lr, $3  }
0x3a: {  	_ = 	snop  }
0x3b: {  	_ = 	snop  }
0x3c: {  	p2 =	seq.s32 s10, $0x1;
	s10 =	sld [smem:$0x3FB5]  }
0x3d: {  	_ =	shalt  }
0x3e: {  	_ =	shalt  }
0x3f: {  	_ =	shalt  }
0x40: {  	_ =	shalt  }
0x41: {  	_ =	shalt  }
0x42: {  	_ =	shalt  }
0x43: {  	_ =	shalt  }
0x44: {  	_ =	shalt  }
0x45: {  	_ =	shalt  }
0x46: {  	_ =	shalt  }
0x47: {  	_ =	shalt  }
0x48: {  	_ =	shalt  }
0x49: {  	_ =	shalt  }
0x4a: {  	_ =	shalt  }
0x4b: {  	_ =	shalt  }
0x4c: {  	_ =	shalt  }
0x4d: {  	_ =	shalt  }
0x4e: {  	_ =	shalt  }
0x4f: {  	_ =	shalt  }
0x50: {  	_ =	shalt  }
0x51: {  	_ =	shalt  }
0x52: {  	_ =	shalt  }
0x53: {  	_ =	shalt  }
0x54: {  	_ =	shalt  }
0x55: {  	_ =	shalt  }
0x56: {  	_ =	shalt  }
0x57: {  	_ =	shalt  }
0x58: {  	_ =	shalt  }
0x59: {  	_ =	shalt  }
0x5a: {  	_ =	shalt  }
0x5b: {  	_ =	shalt  }
0x5c: {  	_ =	shalt  }
0x5d: {  	_ =	shalt  }
0x5e: {  	_ =	shalt  }
0x5f: {  	_ =	shalt  }
0x60: {  	_ =	shalt  }
0x61: {  	_ =	shalt  }
0x62: {  	_ =	shalt  }
0x63: {  	_ =	shalt  }
0x64: {  	_ =	shalt  }
0x65: {  	_ =	shalt  }
0x66: {  	_ =	shalt  }
0x67: {  	_ =	shalt  }
0x68: {  	_ =	shalt  }
0x69: {  	_ =	shalt  }
0x6a: {  	_ =	shalt  }
0x6b: {  	_ =	shalt  }
0x6c: {  	_ =	shalt  }
0x6d: {  	_ =	shalt  }
0x6e: {  	_ =	shalt  }
0x6f: {  	_ =	shalt  }
0x70: {  	_ =	shalt  }
0x71: {  	_ =	shalt  }
0x72: {  	_ =	shalt  }
0x73: {  	_ =	shalt  }
0x74: {  	_ =	shalt  }
0x75: {  	_ =	shalt  }
0x76: {  	_ =	shalt  }
0x77: {  	_ =	shalt  }
0x78: {  	_ =	shalt  }
0x79: {  	_ =	shalt  }
0x7a: {  	_ =	shalt  }
0x7b: {  	_ =	shalt  }
0x7c: {  	_ =	shalt  }
0x7d: {  	_ =	shalt  }
0x7e: {  	_ =	shalt  }
0x7f: {  	_ =	shalt  }
0x80: {  	_ =	shalt  }
0x81: {  	_ =	shalt  }
0x82: {  	_ =	shalt  }
0x83: {  	_ =	shalt  }
0x84: {  	_ =	shalt  }
0x85: {  	_ =	shalt  }
0x86: {  	_ =	shalt  }
0x87: {  	_ =	shalt  }
.Lfunc_end0:
.L_simem_size_0:
called_computation_lowered:
.L_overlay_start_0:
0x88: {  	s2 =	sld [smem:$0x3FD9]  }
0x89: {  	s3 =	sld [smem:$0x3FFE];
	_ =	sdelay $0x1  }
0x8a: {  	s1 =	srdreg.scid  }
0x8b: {  	s0 =	sand.u32 $0x1, s1  }
0x8c: {  	s16 =	sshll.u32 s0, $0xA;
	s2 =	sadd.s32 s3, s2  }
0x8d: {  	s2 =	sadd.s32 s2, s16  }
0x8e: {  	[smem:$0x3FC1] =	sst s2  }
0x8f: {  	_ = 	snop  }
0x90: {  	(tm) =	ssettm $0x1  }
0x91: {  	s17 =	sld [smem:$0x3FFB];
	_ =	sdelay $0x3  }
0x92: {  	_ =	strace s17  }
0x93: {  	s2 =	sld [smem:$0x3FFC];
	_ =	sdelay $0x3  }
0x94: {  	_ =	strace s2  }
0x95: {  	s2 =	sld [smem:$0x3FFD];
	_ =	sdelay $0x3  }
0x96: {  	_ =	strace s2  }
0x97: {  	_ =	strace $0x8FFFFFFF  }
0x98: {  	s18 =	sld [smem:$0x3FDB];
	_ =	sdelay $0x1  }
0x99: {  	s19 =	simm.s32 $_scs_section_size  }
0x9a: {  	s4 =	simm.s32 $_size__tile_overlayer_lowered;
	s5 =	simm.s32 $_tile_overlayer_lowered  }
0x9b: {  	s22 =	simm.s32 $0x1BFF;
	s21 =	sshll.u32 s5, $0x1;
	s2 =	sadd.s32 s19, s18  }
0x9c: {  	s6 =	simm.s32 $0x0;
	s20 =	sshll.u32 s4, $0x1;
	s4 =	sadd.s32 s21, s2  }
0x9d: {  	[timem:s6], [sflag:s22] =	dma.local [hbm:s4], s20  }
0x9e: {  	_ =	swait.ge [sflag:s22], s20  }
0x9f: {  	s3 =	ssub.s32 $0x0, s20;
	[sflag:s22] =	ssyncset.done $0x0  }
0xa0: {  	[sflag:s22] =	ssyncadd.s32 s3;
	_ =	sdelay $0x1  }
0xa1: {  	s23 =	simm.s32 $0x1B8B  }
0xa2: {  	_ =	swait.ge [sflag:s23], $0x1  }
0xa3: {  	[sflag:s23] =	ssyncset.done $0x0  }
0xa4: {  	s25 =	simm.s32 $0x1B8E;
	s24 =	sld [smem:$0x3FFE];
	[sflag:s23] =	ssyncadd.s32 $0xFFFFFFFF  }
0xa5: {  	s26 =	simm.s32 $execute0_lowered;
	[smem:$0x3FD2] =	sst s25  }
0xa6: {  	s4 =	sshll.u32 s26, $0x1;
	_ =	strace $0x80000046;
	[dreg:$0x1] =	wrdreg $0xFFFFFFFF  }
0xa7: {  	s28 =	simm.s32 $_size_execute0_lowered;
	s2 =	sadd.s32 s2, s4;
	[dreg:$0x0] =	wrdreg $0x0  }
0xa8: {  	s4 =	sshll.u32 s28, $0x1;
	[dreg:$0x2] =	wrdreg s2  }
0xa9: {  	[dreg:$0x3] =	wrdreg s4  }
0xaa: {  	[dreg:$0x4] =	wrdreg $0xC0  }
0xab: {  	_ =	task [dreg:s6], $0x5FFFF  }
0xac: {  	[dreg:$0x1] =	wrdreg $0xFFFFFFFF  }
0xad: {  	[dreg:$0x0] =	wrdreg $0x60  }
0xae: {  	[dreg:$0x2] =	wrdreg s24  }
0xaf: {  	[dreg:$0x3] =	wrdreg $0xDF000  }
0xb0: {  	[dreg:$0x4] =	wrdreg $0xB7800  }
0xb1: {  	[dreg:$0x5] =	wrdreg $0x9  }
0xb2: {  	_ =	task.clear_ibuf [dreg:s6], $0x6FFFF;
	_ =	strace $0x90000046  }
0xb3: {  	s29 =	simm.s32 $0x9;
	_ =	strace $0x80000048  }
0xb4: {  	_ =	swait.ge [sflag:s29], $0x1  }
0xb5: {  	[sflag:s29] =	ssyncadd.s32 $0xFFFFFFFF  }
0xb6: {  	_ =	strace $0x90000048  }
0xb7: {  	_ =	sfence  }
0xb8: {  	s30 =	sld [smem:$0x0];
	_ =	sdelay $0x2  }
0xb9: {  	s31 =	sshll.u32 s1, $0xD;
	s1 =	sshrl.u32 s1, $0x2  }
0xba: {  	s3 =	sand.u32 $0x4000, s31;
	s1 =	sadd.s32 s1, s30  }
0xbb: {  	s0 =	sor.u32 s3, s0;
	s1 =	sshll.u32 s1, $0x11  }
0xbc: {  	s0 =	sor.u32 s1, s0  }
0xbd: {  	s0 =	sadd.s32 $0x8F2B, s0  }
0xbe: {  	[sflag:s0] =	ssyncadd.remote.s32 $0x1  }
0xbf: {  	_ =	sfence.sel $0xFFFF  }
0xc0: {  	[dreg:$0x0] =	wrdreg $0xFFFFFFFF;
	(pc) =	sbr.abs _section_cstart, $3  }
0xc1: {  	[dreg:$0x1] =	wrdreg $0xFFFFFFFF  }
0xc2: {  	_ =	task.clear_ibuf [dreg:s6], $0x2FFFF;
	_ =	strace $0x9FFFFFFF  }
0xc3: {  	(tm) =	ssettm $0x7FFFFFFF  }
tec
execute0_lowered:
.L_overlay_start_1:
0x0: {  	(tag) =	ssettag $0x1  }
0x1: {  	s0 =	rddreg [dreg:$0x0];
	s2 =	srdreg.scid  }
0x2: {  	s1 =	rddreg [dreg:$0x1];
	s8 =	stileid.u32;
	s5 =	simm.s32 $0x0  }
0x3: {  	s21 =	simm.s32 $0x2800;
	s14 =	simm.s32 $0x1;
	s15 =	simm.s32 $0x2  }
0x4: {  	s16 =	simm.s32 $0x80;
	s17 =	simm.s32 $0x5000;
	s18 =	simm.s32 $0x5800  }
0x5: {  	s20 =	simm.s32 $0x6000;
	s22 =	simm.s32 $0x6800;
	s29 =	simm.s32 $0x7800  }
0x6: {  	s30 =	simm.s32 $0x3;
	s12 =	simm.s32 $0x8000;
	s19 =	simm.s32 $0x4  }
0x7: {  	s28 =	simm.s32 $0x5;
	s31 =	simm.s32 $0x7;
	s11 =	simm.s32 $0xD  }
0x8: {  	s9 =	simm.s32 $0xF;
	s3 =	sand.u32 $0x1, s2;
	s2 =	rddreg [dreg:$0x2]  }
0x9: {  	s10 =	simm.s32 $0x10;
	s23 =	simm.s32 $0x0;
	[smem:$0x7FF] =	sst s5  }
0xa: {  	s5 =	sadd.s32 $0x600, s0;
	s7 =	smul.u32 $0x2780, s8;
	p0 =	sne.s32 s8, $0x0  }
0xb: {  	p1 =	sgt.u32 s8, $0x3;
	s4 =	sshll.u32 s3, $0x4;
	_ =	strace $0x80000047  }
0xc: {  	s6 =	smul.u32 $0x4F00, s3;
	s3 =	ssub.s32 $0x2, s3;
	s4 =	sor.u32 s8, s4  }
0xd: {  	s24 =	sshrl.u32 s3, $0x1;
	s13 =	sadd.s32 s7, s2;
	s26 =	sshrl.u32 s7, $0x3  }
0xe: {  	s7 =	simm.s32 $0xE;
	s4 =	smul.u32 $0x500, s4;
	s3 =	ssub.s32 s3, s24  }
0xf: {  	s24 =	simm.s32 $0x11;
	[dreg:$0x6] =	wrdreg s13;
	s3 =	smax.u32 s3, $0x1  }
0x10: {  	s4 =	sadd.s32 s4, s0;
	s0 =	sadd.s32 s6, s0;
	[dreg:$0x7] =	wrdreg s3  }
.Ltmp0:
0x11: {  	s3 =	sshrl.u32 @!p0 s1, $0x3;
	s6 =	simm.s32 $0xC;
	(pc) =	sbr.rel .LBB2_1-.Ltmp0, $4  }
0x12: {  	s25 =	sadd.s32 $0xF600, s4;
	s4 =	sadd.s32 $0x5600, s4;
	[dreg:$0x8] =	wrdreg s3  }
0x13: {  	s0 =	sadd.s32 $0x19600, s0;
	s3 =	simm.s32 $0xB;
	[dreg:$0x4] =	wrdreg s25  }
0x14: {  	[dreg:$0x5] =	wrdreg s4;
	s0 =	sadd.s32 s26, s0;
	s25 =	simm.s32 $0x7000  }
0x15: {  	v0 =	vimm.f32 $0.0e+00;
	s26 =	simm.s32 $0x8800;
	s4 =	simm.s32 $0x8;
	[dreg:$0x9] =	wrdreg s0  }
.LBB2_11:
0x16: {  	s13 =	rddreg [dreg:$0x6]  }
0x17: {  	s8 =	sadd.s32 $0x1E00, s23;
	s24 =	simm.s32 $0x11;
	s23 =	rddreg [dreg:$0xa]  }
.LBB2_12:
0x18: {  	_ =	swait.ge [sflag:s4], $0x800  }
0x19: {  	s0 =	sshra.s32 s8, $0x2;
	[sflag:s4] =	ssyncset.done $0x0  }
0x1a: {  	s8 =	simm.s32 $0x9;
	s0 =	sadd.s32 $0x2800, s0;
	[sflag:s4] =	ssyncadd.s32 $0xFFFFF800  }
0x1b: {  	[spmem:s2] =	stream.indirect.scatter.add.f32 [tilespmem:s26], [sflag:$0x10], $0x10, s0, s16, $0xb8;
	[tilespmem:$0x10610] =	vst v63  }
0x1c: {  	_ =	swait.ge [sflag:s8], $0x800  }
0x1d: {  	[sflag:s8] =	ssyncset.done $0x0  }
0x1e: {  	s21 =	simm.s32 $0xA;
	[sflag:s8] =	ssyncadd.s32 $0xFFFFF800  }
0x1f: {  	_ =	swait.ge [sflag:s21], $0x800  }
0x20: {  	[sflag:s21] =	ssyncset.done $0x0  }
0x21: {  	[sflag:s21] =	ssyncadd.s32 $0xFFFFF800  }
0x22: {  	_ =	swait.ge [sflag:s3], $0x800  }
0x23: {  	[sflag:s3] =	ssyncset.done $0x0  }
0x24: {  	[sflag:s3] =	ssyncadd.s32 $0xFFFFF800  }
0x25: {  	_ =	swait.ge [sflag:s6], $0x800  }
0x26: {  	[sflag:s6] =	ssyncset.done $0x0  }
0x27: {  	[sflag:s6] =	ssyncadd.s32 $0xFFFFF800  }
0x28: {  	_ =	swait.ge [sflag:s11], $0x800  }
0x29: {  	[sflag:s11] =	ssyncset.done $0x0  }
0x2a: {  	[sflag:s11] =	ssyncadd.s32 $0xFFFFF800  }
0x2b: {  	_ =	swait.ge [sflag:s7], $0x800  }
0x2c: {  	[sflag:s7] =	ssyncset.done $0x0  }
0x2d: {  	[sflag:s7] =	ssyncadd.s32 $0xFFFFF800  }
0x2e: {  	_ =	swait.ge [sflag:s9], $0x800  }
0x2f: {  	[sflag:s9] =	ssyncset.done $0x0  }
0x30: {  	[sflag:s9] =	ssyncadd.s32 $0xFFFFF800  }
0x31: {  	_ =	swait.ge [sflag:s10], $0x800  }
0x32: {  	[sflag:s10] =	ssyncset.done $0x0  }
0x33: {  	s8 =	stileid.u32;
	[sflag:s10] =	ssyncadd.s32 $0xFFFFF800  }
0x34: {  	s0 =	sshll.u32 s8, $0x6;
	[bflag:$0x0] =	sbarrier.arrive $0xFFFF  }
0x35: {  	s8 =	sshrl.u32 s13, $0x3;
	s0 =	sor.u32 $0x1C11, s0;
	s21 =	rddreg [dreg:$0x9]  }
0x36: {  	[hbm:s21], [sflag:s0] =	dma.local [spmem:s8], $0x4F0  }
0x37: {  	_ =	swait.ge [sflag:s24], $0x4F0  }
0x38: {  	s23 =	sadd.s32 $0x1, s23;
	s21 =	rddreg [dreg:$0x7]  }
0x39: {  	p2 =	sne.s32 s23, s21  }
.Ltmp1:
0x3a: {  	_ = 	snop;
	(pc) =	sbr.rel @!p2 .LBB2_13-.Ltmp1, $3  }
0x3b: {  	_ =	sdelay $0x1  }
0x3c: {  	[sflag:s24] =	ssyncset.done $0x0  }
0x3d: {  	[sflag:s24] =	ssyncadd.s32 $0xFFFFFB10;
	s21 =	simm.s32 $0x2800  }
.LBB2_1:
0x3e: {  	[dreg:$0xa] =	wrdreg s23  }
0x3f: {  	s8 =	simm.s32 @!p0 $0x1C11;
	s0 =	rddreg [dreg:$0x8]  }
0x40: {  	[spmem:s0], [sflag:s8] =	dma.local @!p0 [hbm:s5], $0x4E20  }
0x41: {  	s8 =	simm.s32 @!p0 $0x11  }
0x42: {  	_ =	swait.ge @!p0 [sflag:s8], $0x4E20  }
0x43: {  	[sflag:s8] =	ssyncset.done @!p0 $0x0  }
0x44: {  	s0 =	simm.s32 $0x0;
	s23 =	rddreg [dreg:$0x4];
	[sflag:s8] =	ssyncadd.s32 @!p0 $0xFFFFB1E0  }
0x45: {  	[tilespmem:s0], [sflag:$0x1] =	stream.linear.gather [hbm4b:s23+s0], $0x2800, $0x38;
	[tilespmem:$0x10610] =	vst v63  }
0x46: {  	s23 =	rddreg [dreg:$0x5]  }
0x47: {  	[tilespmem:s21], [sflag:$0x2] =	stream.linear.gather [hbm4b:s23+s0], $0x2800, $0x38;
	[tilespmem:$0x10610] =	vst v63  }
0x48: {  	s8 =	simm.s32 $0x40;
	s23 =	simm.s32 $0x0  }
.LBB2_2:
0x49: {  	p2 =	sne.s32 s8, $0x9DC0;
	[tilespmem:s23+$0x9000] =	vst v0;
	s23 =	smov.u32 s8;
	s8 =	sadd.s32 $0x40, s8  }
.Ltmp2:
0x4a: {  	(pc) =	sbr.rel @p2 .LBB2_2-.Ltmp2, $2  }
0x4b: {  	_ =	sdelay $0x2  }
0x4c: {  	s23 =	sshra.s32 s23, $0x2  }
0x4d: {  	[tilespmem:s23+$0x9000] =	vst v0;
	s0 =	simm.s32 $0x9000  }
0x4e: {  	[spmem:s13] =	stream.linear.scatter [tilespmem:s0], [sflag:$0x11], $0x2780, $0x38;
	[tilespmem:$0x10610] =	vst v63  }
0x4f: {  	_ =	swait.ge [sflag:s24], $0x2780  }
0x50: {  	[sflag:s24] =	ssyncset.done $0x0  }
0x51: {  	[sflag:s24] =	ssyncadd.s32 $0xFFFFD880  }
0x52: {  	_ =	swait.ge [sflag:s14], $0x2800  }
0x53: {  	[sflag:s14] =	ssyncset.done $0x0  }
0x54: {  	[sflag:s14] =	ssyncadd.s32 $0xFFFFD800  }
.Ltmp3:
0x55: {  	_ =	swait.ge [sflag:s15], $0x2800;
	(pc) =	sbr.rel @p1 .LBB2_7-.Ltmp3, $4  }
0x56: {  	[sflag:s15] =	ssyncset.done $0x0  }
0x57: {  	[sflag:s15] =	ssyncadd.s32 $0xFFFFD800  }
0x58: {  	[bflag:$0x0] =	sbarrier.arrive $0xFFFF  }
0x59: {  	s23 =	simm.s32 $0x0  }
0x5a: {  	[tilespmem:s17], [sflag:$0x1] =	stream.indirect.gather [hbm4b:s5+s16], $0x10, s23, s16, $0xb8;
	[tilespmem:$0x10610] =	vst v63  }
0x5b: {  	_ = 	snop  }
0x5c: {  	[tilespmem:s18], [sflag:$0x2] =	stream.indirect.gather [hbm4b:s5+s16], $0x10, s16, s16, $0xb8;
	[tilespmem:$0x10610] =	vst v63  }
0x5d: {  	s0 =	simm.s32 $0x100  }
0x5e: {  	[tilespmem:s20], [sflag:$0x3] =	stream.indirect.gather [hbm4b:s5+s16], $0x10, s0, s16, $0xb8;
	[tilespmem:$0x10610] =	vst v63  }
0x5f: {  	s13 =	simm.s32 $0x180  }
0x60: {  	[tilespmem:s22], [sflag:$0x4] =	stream.indirect.gather [hbm4b:s5+s16], $0x10, s13, s16, $0xb8;
	[tilespmem:$0x10610] =	vst v63  }
0x61: {  	_ =	swait.ge [sflag:s14], $0x800  }
0x62: {  	[sflag:s14] =	ssyncset.done $0x0  }
0x63: {  	[sflag:s14] =	ssyncadd.s32 $0xFFFFF800  }
0x64: {  	[spmem:s2] =	stream.indirect.scatter.add.f32 [tilespmem:s17], [sflag:$0x9], $0x10, s21, s16, $0xb8;
	[tilespmem:$0x10610] =	vst v63  }
0x65: {  	s21 =	simm.s32 $0x200  }
0x66: {  	[tilespmem:s25], [sflag:$0x5] =	stream.indirect.gather [hbm4b:s5+s16], $0x10, s21, s16, $0xb8;
	[tilespmem:$0x10610] =	vst v63  }
0x67: {  	_ =	swait.ge [sflag:s15], $0x800  }
0x68: {  	[sflag:s15] =	ssyncset.done $0x0  }
0x69: {  	s24 =	simm.s32 $0x2880;
	[sflag:s15] =	ssyncadd.s32 $0xFFFFF800  }
0x6a: {  	[spmem:s2] =	stream.indirect.scatter.add.f32 [tilespmem:s18], [sflag:$0xA], $0x10, s24, s16, $0xb8;
	[tilespmem:$0x10610] =	vst v63  }
0x6b: {  	s8 =	simm.s32 $0x280  }
0x6c: {  	[tilespmem:s29], [sflag:$0x6] =	stream.indirect.gather [hbm4b:s5+s16], $0x10, s8, s16, $0xb8;
	[tilespmem:$0x10610] =	vst v63  }
0x6d: {  	_ =	swait.ge [sflag:s30], $0x800  }
0x6e: {  	[sflag:s30] =	ssyncset.done $0x0  }
0x6f: {  	s13 =	simm.s32 $0x2900;
	[sflag:s30] =	ssyncadd.s32 $0xFFFFF800  }
0x70: {  	[spmem:s2] =	stream.indirect.scatter.add.f32 [tilespmem:s20], [sflag:$0xB], $0x10, s13, s16, $0xb8;
	[tilespmem:$0x10610] =	vst v63  }
0x71: {  	s21 =	simm.s32 $0x300  }
0x72: {  	[tilespmem:s12], [sflag:$0x7] =	stream.indirect.gather [hbm4b:s5+s16], $0x10, s21, s16, $0xb8;
	[tilespmem:$0x10610] =	vst v63  }
0x73: {  	_ =	swait.ge [sflag:s19], $0x800  }
0x74: {  	[sflag:s19] =	ssyncset.done $0x0  }
0x75: {  	s24 =	simm.s32 $0x2980;
	[sflag:s19] =	ssyncadd.s32 $0xFFFFF800  }
0x76: {  	[spmem:s2] =	stream.indirect.scatter.add.f32 [tilespmem:s22], [sflag:$0xC], $0x10, s24, s16, $0xb8;
	[tilespmem:$0x10610] =	vst v63  }
0x77: {  	s8 =	simm.s32 $0x380  }
0x78: {  	[tilespmem:s26], [sflag:$0x8] =	stream.indirect.gather [hbm4b:s5+s16], $0x10, s8, s16, $0xb8;
	[tilespmem:$0x10610] =	vst v63  }
0x79: {  	_ =	swait.ge [sflag:s28], $0x800  }
0x7a: {  	[sflag:s28] =	ssyncset.done $0x0  }
0x7b: {  	s13 =	simm.s32 $0x2A00;
	s21 =	simm.s32 $0x9;
	[sflag:s28] =	ssyncadd.s32 $0xFFFFF800  }
0x7c: {  	[spmem:s2] =	stream.indirect.scatter.add.f32 [tilespmem:s25], [sflag:$0xD], $0x10, s13, s16, $0xb8;
	[tilespmem:$0x10610] =	vst v63  }
0x7d: {  	_ =	swait.ge [sflag:s21], $0x800  }
0x7e: {  	[sflag:s21] =	ssyncset.done $0x0  }
0x7f: {  	s24 =	simm.s32 $0x400;
	s8 =	simm.s32 $0x6;
	[sflag:s21] =	ssyncadd.s32 $0xFFFFF800  }
0x80: {  	[tilespmem:s17], [sflag:$0x1] =	stream.indirect.gather [hbm4b:s5+s16], $0x10, s24, s16, $0xb8;
	[tilespmem:$0x10610] =	vst v63  }
0x81: {  	_ =	swait.ge [sflag:s8], $0x800  }
0x82: {  	[sflag:s8] =	ssyncset.done $0x0  }
0x83: {  	s13 =	simm.s32 $0x2A80;
	s21 =	simm.s32 $0xA;
	[sflag:s8] =	ssyncadd.s32 $0xFFFFF800  }
0x84: {  	[spmem:s2] =	stream.indirect.scatter.add.f32 [tilespmem:s29], [sflag:$0xE], $0x10, s13, s16, $0xb8;
	[tilespmem:$0x10610] =	vst v63  }
0x85: {  	_ =	swait.ge [sflag:s21], $0x800  }
0x86: {  	[sflag:s21] =	ssyncset.done $0x0  }
0x87: {  	s24 =	simm.s32 $0x480;
	[sflag:s21] =	ssyncadd.s32 $0xFFFFF800  }
0x88: {  	[tilespmem:s18], [sflag:$0x2] =	stream.indirect.gather [hbm4b:s5+s16], $0x10, s24, s16, $0xb8;
	[tilespmem:$0x10610] =	vst v63  }
0x89: {  	_ =	swait.ge [sflag:s31], $0x800  }
0x8a: {  	[sflag:s31] =	ssyncset.done $0x0  }
0x8b: {  	s8 =	simm.s32 $0x2B00;
	[sflag:s31] =	ssyncadd.s32 $0xFFFFF800  }
0x8c: {  	[spmem:s2] =	stream.indirect.scatter.add.f32 [tilespmem:s12], [sflag:$0xF], $0x10, s8, s16, $0xb8;
	[tilespmem:$0x10610] =	vst v63  }
0x8d: {  	_ =	swait.ge [sflag:s3], $0x800  }
0x8e: {  	[sflag:s3] =	ssyncset.done $0x0  }
0x8f: {  	s13 =	simm.s32 $0x500;
	[sflag:s3] =	ssyncadd.s32 $0xFFFFF800  }
0x90: {  	[tilespmem:s20], [sflag:$0x3] =	stream.indirect.gather [hbm4b:s5+s16], $0x10, s13, s16, $0xb8;
	[tilespmem:$0x10610] =	vst v63  }
0x91: {  	_ =	swait.ge [sflag:s4], $0x800  }
0x92: {  	[sflag:s4] =	ssyncset.done $0x0  }
0x93: {  	s21 =	simm.s32 $0x2B80;
	[sflag:s4] =	ssyncadd.s32 $0xFFFFF800  }
0x94: {  	[spmem:s2] =	stream.indirect.scatter.add.f32 [tilespmem:s26], [sflag:$0x10], $0x10, s21, s16, $0xb8;
	[tilespmem:$0x10610] =	vst v63  }
0x95: {  	_ =	swait.ge [sflag:s6], $0x800  }
0x96: {  	[sflag:s6] =	ssyncset.done $0x0  }
0x97: {  	s24 =	simm.s32 $0x580;
	[sflag:s6] =	ssyncadd.s32 $0xFFFFF800  }
0x98: {  	[tilespmem:s22], [sflag:$0x4] =	stream.indirect.gather [hbm4b:s5+s16], $0x10, s24, s16, $0xb8;
	[tilespmem:$0x10610] =	vst v63  }
.LBB2_5:
0x99: {  	_ =	swait.ge [sflag:s14], $0x800  }
0x9a: {  	s8 =	sshra.s32 s23, $0x2;
	[sflag:s14] =	ssyncset.done $0x0  }
0x9b: {  	s13 =	sadd.s32 $0x2C00, s8;
	[sflag:s14] =	ssyncadd.s32 $0xFFFFF800  }
0x9c: {  	[spmem:s2] =	stream.indirect.scatter.add.f32 [tilespmem:s17], [sflag:$0x9], $0x10, s13, s16, $0xb8;
	[tilespmem:$0x10610] =	vst v63  }
0x9d: {  	_ =	swait.ge [sflag:s11], $0x800  }
0x9e: {  	[sflag:s11] =	ssyncset.done $0x0  }
0x9f: {  	s0 =	sadd.s32 $0x600, s8;
	[sflag:s11] =	ssyncadd.s32 $0xFFFFF800  }
0xa0: {  	[tilespmem:s25], [sflag:$0x5] =	stream.indirect.gather [hbm4b:s5+s16], $0x10, s0, s16, $0xb8;
	[tilespmem:$0x10610] =	vst v63  }
0xa1: {  	_ =	swait.ge [sflag:s15], $0x800  }
0xa2: {  	[sflag:s15] =	ssyncset.done $0x0  }
0xa3: {  	s21 =	sadd.s32 $0x2C80, s8;
	[sflag:s15] =	ssyncadd.s32 $0xFFFFF800  }
0xa4: {  	[spmem:s2] =	stream.indirect.scatter.add.f32 [tilespmem:s18], [sflag:$0xA], $0x10, s21, s16, $0xb8;
	[tilespmem:$0x10610] =	vst v63  }
0xa5: {  	_ =	swait.ge [sflag:s7], $0x800  }
0xa6: {  	[sflag:s7] =	ssyncset.done $0x0  }
0xa7: {  	s24 =	sadd.s32 $0x680, s8;
	[sflag:s7] =	ssyncadd.s32 $0xFFFFF800  }
0xa8: {  	[tilespmem:s29], [sflag:$0x6] =	stream.indirect.gather [hbm4b:s5+s16], $0x10, s24, s16, $0xb8;
	[tilespmem:$0x10610] =	vst v63  }
0xa9: {  	_ =	swait.ge [sflag:s30], $0x800  }
0xaa: {  	[sflag:s30] =	ssyncset.done $0x0  }
0xab: {  	s0 =	sadd.s32 $0x2D00, s8;
	[sflag:s30] =	ssyncadd.s32 $0xFFFFF800  }
0xac: {  	[spmem:s2] =	stream.indirect.scatter.add.f32 [tilespmem:s20], [sflag:$0xB], $0x10, s0, s16, $0xb8;
	[tilespmem:$0x10610] =	vst v63  }
0xad: {  	_ =	swait.ge [sflag:s9], $0x800  }
0xae: {  	[sflag:s9] =	ssyncset.done $0x0  }
0xaf: {  	s21 =	sadd.s32 $0x700, s8;
	[sflag:s9] =	ssyncadd.s32 $0xFFFFF800  }
0xb0: {  	[tilespmem:s12], [sflag:$0x7] =	stream.indirect.gather [hbm4b:s5+s16], $0x10, s21, s16, $0xb8;
	[tilespmem:$0x10610] =	vst v63  }
0xb1: {  	_ =	swait.ge [sflag:s19], $0x800  }
0xb2: {  	[sflag:s19] =	ssyncset.done $0x0  }
0xb3: {  	s24 =	sadd.s32 $0x2D80, s8;
	[sflag:s19] =	ssyncadd.s32 $0xFFFFF800  }
0xb4: {  	[spmem:s2] =	stream.indirect.scatter.add.f32 [tilespmem:s22], [sflag:$0xC], $0x10, s24, s16, $0xb8;
	[tilespmem:$0x10610] =	vst v63  }
0xb5: {  	_ =	swait.ge [sflag:s10], $0x800  }
0xb6: {  	[sflag:s10] =	ssyncset.done $0x0  }
0xb7: {  	s0 =	sadd.s32 $0x780, s8;
	[sflag:s10] =	ssyncadd.s32 $0xFFFFF800  }
0xb8: {  	[tilespmem:s26], [sflag:$0x8] =	stream.indirect.gather [hbm4b:s5+s16], $0x10, s0, s16, $0xb8;
	[tilespmem:$0x10610] =	vst v63  }
0xb9: {  	_ =	swait.ge [sflag:s28], $0x800  }
0xba: {  	p2 =	seq.s32 s23, $0x8000;
	[sflag:s28] =	ssyncset.done $0x0  }
0xbb: {  	s13 =	simm.s32 @p2 $0x6;
	s21 =	sadd.s32 $0x2E00, s8;
	[sflag:s28] =	ssyncadd.s32 $0xFFFFF800  }
0xbc: {  	[spmem:s2] =	stream.indirect.scatter.add.f32 [tilespmem:s25], [sflag:$0xD], $0x10, s21, s16, $0xb8;
	[tilespmem:$0x10610] =	vst v63  }
0xbd: {  	_ =	swait.ge @p2 [sflag:s13], $0x800  }
0xbe: {  	[sflag:s13] =	ssyncset.done @p2 $0x0  }
0xbf: {  	[sflag:s13] =	ssyncadd.s32 @p2 $0xFFFFF800;
	s13 =	sshra.s32 @p2 s23, $0x2  }
0xc0: {  	s0 =	simm.s32 @p2 $0x80;
	s21 =	simm.s32 @p2 $0x7800;
	s13 =	sadd.s32 @p2 $0x2E80, s13  }
0xc1: {  	[spmem:s2] =	stream.indirect.scatter.add.f32 @p2 [tilespmem:s21], [sflag:$0xE], $0x10, s13, s0, $0xb8;
	[tilespmem:$0x10610] =	vst v63  }
0xc2: {  	s0 =	simm.s32 @!p2 $0x9  }
0xc3: {  	_ =	swait.ge @!p2 [sflag:s0], $0x800  }
0xc4: {  	[sflag:s0] =	ssyncset.done @!p2 $0x0  }
0xc5: {  	[sflag:s0] =	ssyncadd.s32 @!p2 $0xFFFFF800;
	s0 =	sshra.s32 @!p2 s23, $0x2  }
0xc6: {  	s24 =	simm.s32 @!p2 $0x5000;
	s21 =	simm.s32 @!p2 $0x80;
	s13 =	sadd.s32 @!p2 $0x800, s0  }
0xc7: {  	[tilespmem:s24], [sflag:$0x1] =	stream.indirect.gather @!p2 [hbm4b:s5+s21], $0x10, s13, s21, $0xb8;
	[tilespmem:$0x10610] =	vst v63  }
0xc8: {  	s13 =	simm.s32 @!p2 $0x6  }
0xc9: {  	_ =	swait.ge @!p2 [sflag:s13], $0x800  }
0xca: {  	[sflag:s13] =	ssyncset.done @!p2 $0x0  }
0xcb: {  	s24 =	simm.s32 @!p2 $0x7800;
	[sflag:s13] =	ssyncadd.s32 @!p2 $0xFFFFF800;
	s13 =	sadd.s32 @!p2 $0x2E80, s0  }
0xcc: {  	[spmem:s2] =	stream.indirect.scatter.add.f32 @!p2 [tilespmem:s24], [sflag:$0xE], $0x10, s13, s21, $0xb8;
	[tilespmem:$0x10610] =	vst v63  }
0xcd: {  	s13 =	simm.s32 @!p2 $0xA  }
0xce: {  	_ =	swait.ge @!p2 [sflag:s13], $0x800  }
0xcf: {  	[sflag:s13] =	ssyncset.done @!p2 $0x0  }
0xd0: {  	s0 =	sadd.s32 @!p2 $0x880, s0;
	[sflag:s13] =	ssyncadd.s32 @!p2 $0xFFFFF800;
	s13 =	simm.s32 @!p2 $0x5800  }
0xd1: {  	[tilespmem:s13], [sflag:$0x2] =	stream.indirect.gather @!p2 [hbm4b:s5+s21], $0x10, s0, s21, $0xb8;
	[tilespmem:$0x10610] =	vst v63  }
.Ltmp4:
0xd2: {  	_ = 	snop;
	(pc) =	sbr.rel @p2 .LBB2_10-.Ltmp4, $4  }
0xd3: {  	_ =	swait.ge [sflag:s31], $0x800  }
0xd4: {  	[sflag:s31] =	ssyncset.done $0x0  }
0xd5: {  	s24 =	sadd.s32 $0x2F00, s8;
	[sflag:s31] =	ssyncadd.s32 $0xFFFFF800  }
0xd6: {  	[spmem:s2] =	stream.indirect.scatter.add.f32 [tilespmem:s12], [sflag:$0xF], $0x10, s24, s16, $0xb8;
	[tilespmem:$0x10610] =	vst v63  }
0xd7: {  	_ =	swait.ge [sflag:s3], $0x800  }
0xd8: {  	[sflag:s3] =	ssyncset.done $0x0  }
0xd9: {  	s0 =	sadd.s32 $0x900, s8;
	[sflag:s3] =	ssyncadd.s32 $0xFFFFF800  }
0xda: {  	[tilespmem:s20], [sflag:$0x3] =	stream.indirect.gather [hbm4b:s5+s16], $0x10, s0, s16, $0xb8;
	[tilespmem:$0x10610] =	vst v63  }
0xdb: {  	_ =	swait.ge [sflag:s4], $0x800  }
0xdc: {  	[sflag:s4] =	ssyncset.done $0x0  }
0xdd: {  	s21 =	sadd.s32 $0x2F80, s8;
	[sflag:s4] =	ssyncadd.s32 $0xFFFFF800  }
0xde: {  	[spmem:s2] =	stream.indirect.scatter.add.f32 [tilespmem:s26], [sflag:$0x10], $0x10, s21, s16, $0xb8;
	[tilespmem:$0x10610] =	vst v63  }
.Ltmp5:
0xdf: {  	_ = 	snop;
	(pc) =	sbr.rel .LBB2_5-.Ltmp5, $4  }
0xe0: {  	_ =	swait.ge [sflag:s6], $0x800  }
0xe1: {  	[sflag:s6] =	ssyncset.done $0x0  }
0xe2: {  	s24 =	sadd.s32 $0x980, s8;
	s23 =	sadd.s32 $0x1000, s23;
	[sflag:s6] =	ssyncadd.s32 $0xFFFFF800  }
0xe3: {  	[tilespmem:s22], [sflag:$0x4] =	stream.indirect.gather [hbm4b:s5+s16], $0x10, s24, s16, $0xb8;
	[tilespmem:$0x10610] =	vst v63  }
.LBB2_7:
0xe4: {  	[tilespmem:s17], [sflag:$0x1] =	stream.indirect.gather [spmem:s1], $0x10, s23, s16, $0xb8;
	[tilespmem:$0x10610] =	vst v63  }
0xe5: {  	_ = 	snop  }
0xe6: {  	[tilespmem:s18], [sflag:$0x2] =	stream.indirect.gather [spmem:s1], $0x10, s16, s16, $0xb8;
	[tilespmem:$0x10610] =	vst v63  }
0xe7: {  	s0 =	simm.s32 $0x100  }
0xe8: {  	[tilespmem:s20], [sflag:$0x3] =	stream.indirect.gather [spmem:s1], $0x10, s0, s16, $0xb8;
	[tilespmem:$0x10610] =	vst v63  }
0xe9: {  	s13 =	simm.s32 $0x180  }
0xea: {  	[tilespmem:s22], [sflag:$0x4] =	stream.indirect.gather [spmem:s1], $0x10, s13, s16, $0xb8;
	[tilespmem:$0x10610] =	vst v63  }
0xeb: {  	_ =	swait.ge [sflag:s14], $0x800  }
0xec: {  	[sflag:s14] =	ssyncset.done $0x0  }
0xed: {  	[sflag:s14] =	ssyncadd.s32 $0xFFFFF800  }
0xee: {  	[spmem:s2] =	stream.indirect.scatter.add.f32 [tilespmem:s17], [sflag:$0x9], $0x10, s21, s16, $0xb8;
	[tilespmem:$0x10610] =	vst v63  }
0xef: {  	s21 =	simm.s32 $0x200  }
0xf0: {  	[tilespmem:s25], [sflag:$0x5] =	stream.indirect.gather [spmem:s1], $0x10, s21, s16, $0xb8;
	[tilespmem:$0x10610] =	vst v63  }
0xf1: {  	_ =	swait.ge [sflag:s15], $0x800  }
0xf2: {  	[sflag:s15] =	ssyncset.done $0x0  }
0xf3: {  	s24 =	simm.s32 $0x2880;
	[sflag:s15] =	ssyncadd.s32 $0xFFFFF800  }
0xf4: {  	[spmem:s2] =	stream.indirect.scatter.add.f32 [tilespmem:s18], [sflag:$0xA], $0x10, s24, s16, $0xb8;
	[tilespmem:$0x10610] =	vst v63  }
0xf5: {  	s8 =	simm.s32 $0x280  }
0xf6: {  	[tilespmem:s29], [sflag:$0x6] =	stream.indirect.gather [spmem:s1], $0x10, s8, s16, $0xb8;
	[tilespmem:$0x10610] =	vst v63  }
0xf7: {  	_ =	swait.ge [sflag:s30], $0x800  }
0xf8: {  	[sflag:s30] =	ssyncset.done $0x0  }
0xf9: {  	s13 =	simm.s32 $0x2900;
	[sflag:s30] =	ssyncadd.s32 $0xFFFFF800  }
0xfa: {  	[spmem:s2] =	stream.indirect.scatter.add.f32 [tilespmem:s20], [sflag:$0xB], $0x10, s13, s16, $0xb8;
	[tilespmem:$0x10610] =	vst v63  }
0xfb: {  	s21 =	simm.s32 $0x300  }
0xfc: {  	[tilespmem:s12], [sflag:$0x7] =	stream.indirect.gather [spmem:s1], $0x10, s21, s16, $0xb8;
	[tilespmem:$0x10610] =	vst v63  }
0xfd: {  	_ =	swait.ge [sflag:s19], $0x800  }
0xfe: {  	[sflag:s19] =	ssyncset.done $0x0  }
0xff: {  	s24 =	simm.s32 $0x2980;
	[sflag:s19] =	ssyncadd.s32 $0xFFFFF800  }
0x100: {  	[spmem:s2] =	stream.indirect.scatter.add.f32 [tilespmem:s22], [sflag:$0xC], $0x10, s24, s16, $0xb8;
	[tilespmem:$0x10610] =	vst v63  }
0x101: {  	s8 =	simm.s32 $0x380  }
0x102: {  	[tilespmem:s26], [sflag:$0x8] =	stream.indirect.gather [spmem:s1], $0x10, s8, s16, $0xb8;
	[tilespmem:$0x10610] =	vst v63  }
0x103: {  	_ =	swait.ge [sflag:s28], $0x800  }
0x104: {  	[sflag:s28] =	ssyncset.done $0x0  }
0x105: {  	s13 =	simm.s32 $0x2A00;
	s21 =	simm.s32 $0x9;
	[sflag:s28] =	ssyncadd.s32 $0xFFFFF800  }
0x106: {  	[spmem:s2] =	stream.indirect.scatter.add.f32 [tilespmem:s25], [sflag:$0xD], $0x10, s13, s16, $0xb8;
	[tilespmem:$0x10610] =	vst v63  }
0x107: {  	_ =	swait.ge [sflag:s21], $0x800  }
0x108: {  	[sflag:s21] =	ssyncset.done $0x0  }
0x109: {  	s24 =	simm.s32 $0x400;
	s8 =	simm.s32 $0x6;
	[sflag:s21] =	ssyncadd.s32 $0xFFFFF800  }
0x10a: {  	[tilespmem:s17], [sflag:$0x1] =	stream.indirect.gather [spmem:s1], $0x10, s24, s16, $0xb8;
	[tilespmem:$0x10610] =	vst v63  }
0x10b: {  	_ =	swait.ge [sflag:s8], $0x800  }
0x10c: {  	[sflag:s8] =	ssyncset.done $0x0  }
0x10d: {  	s13 =	simm.s32 $0x2A80;
	s21 =	simm.s32 $0xA;
	[sflag:s8] =	ssyncadd.s32 $0xFFFFF800  }
0x10e: {  	[spmem:s2] =	stream.indirect.scatter.add.f32 [tilespmem:s29], [sflag:$0xE], $0x10, s13, s16, $0xb8;
	[tilespmem:$0x10610] =	vst v63  }
0x10f: {  	_ =	swait.ge [sflag:s21], $0x800  }
0x110: {  	[sflag:s21] =	ssyncset.done $0x0  }
0x111: {  	s24 =	simm.s32 $0x480;
	[sflag:s21] =	ssyncadd.s32 $0xFFFFF800  }
0x112: {  	[tilespmem:s18], [sflag:$0x2] =	stream.indirect.gather [spmem:s1], $0x10, s24, s16, $0xb8;
	[tilespmem:$0x10610] =	vst v63  }
0x113: {  	_ =	swait.ge [sflag:s31], $0x800  }
0x114: {  	[sflag:s31] =	ssyncset.done $0x0  }
0x115: {  	s8 =	simm.s32 $0x2B00;
	[sflag:s31] =	ssyncadd.s32 $0xFFFFF800  }
0x116: {  	[spmem:s2] =	stream.indirect.scatter.add.f32 [tilespmem:s12], [sflag:$0xF], $0x10, s8, s16, $0xb8;
	[tilespmem:$0x10610] =	vst v63  }
0x117: {  	_ =	swait.ge [sflag:s3], $0x800  }
0x118: {  	[sflag:s3] =	ssyncset.done $0x0  }
0x119: {  	s13 =	simm.s32 $0x500;
	[sflag:s3] =	ssyncadd.s32 $0xFFFFF800  }
0x11a: {  	[tilespmem:s20], [sflag:$0x3] =	stream.indirect.gather [spmem:s1], $0x10, s13, s16, $0xb8;
	[tilespmem:$0x10610] =	vst v63  }
0x11b: {  	_ =	swait.ge [sflag:s4], $0x800  }
0x11c: {  	[sflag:s4] =	ssyncset.done $0x0  }
0x11d: {  	s21 =	simm.s32 $0x2B80;
	[sflag:s4] =	ssyncadd.s32 $0xFFFFF800  }
0x11e: {  	[spmem:s2] =	stream.indirect.scatter.add.f32 [tilespmem:s26], [sflag:$0x10], $0x10, s21, s16, $0xb8;
	[tilespmem:$0x10610] =	vst v63  }
0x11f: {  	_ =	swait.ge [sflag:s6], $0x800  }
0x120: {  	[sflag:s6] =	ssyncset.done $0x0  }
0x121: {  	s24 =	simm.s32 $0x580;
	[sflag:s6] =	ssyncadd.s32 $0xFFFFF800  }
0x122: {  	[tilespmem:s22], [sflag:$0x4] =	stream.indirect.gather [spmem:s1], $0x10, s24, s16, $0xb8;
	[tilespmem:$0x10610] =	vst v63  }
.LBB2_8:
0x123: {  	_ =	swait.ge [sflag:s14], $0x800  }
0x124: {  	s8 =	sshra.s32 s23, $0x2;
	[sflag:s14] =	ssyncset.done $0x0  }
0x125: {  	s0 =	sadd.s32 $0x2C00, s8;
	[sflag:s14] =	ssyncadd.s32 $0xFFFFF800  }
0x126: {  	[spmem:s2] =	stream.indirect.scatter.add.f32 [tilespmem:s17], [sflag:$0x9], $0x10, s0, s16, $0xb8;
	[tilespmem:$0x10610] =	vst v63  }
0x127: {  	_ =	swait.ge [sflag:s11], $0x800  }
0x128: {  	[sflag:s11] =	ssyncset.done $0x0  }
0x129: {  	s13 =	sadd.s32 $0x600, s8;
	[sflag:s11] =	ssyncadd.s32 $0xFFFFF800  }
0x12a: {  	[tilespmem:s25], [sflag:$0x5] =	stream.indirect.gather [spmem:s1], $0x10, s13, s16, $0xb8;
	[tilespmem:$0x10610] =	vst v63  }
0x12b: {  	_ =	swait.ge [sflag:s15], $0x800  }
0x12c: {  	[sflag:s15] =	ssyncset.done $0x0  }
0x12d: {  	s21 =	sadd.s32 $0x2C80, s8;
	[sflag:s15] =	ssyncadd.s32 $0xFFFFF800  }
0x12e: {  	[spmem:s2] =	stream.indirect.scatter.add.f32 [tilespmem:s18], [sflag:$0xA], $0x10, s21, s16, $0xb8;
	[tilespmem:$0x10610] =	vst v63  }
0x12f: {  	_ =	swait.ge [sflag:s7], $0x800  }
0x130: {  	[sflag:s7] =	ssyncset.done $0x0  }
0x131: {  	s24 =	sadd.s32 $0x680, s8;
	[sflag:s7] =	ssyncadd.s32 $0xFFFFF800  }
0x132: {  	[tilespmem:s29], [sflag:$0x6] =	stream.indirect.gather [spmem:s1], $0x10, s24, s16, $0xb8;
	[tilespmem:$0x10610] =	vst v63  }
0x133: {  	_ =	swait.ge [sflag:s30], $0x800  }
0x134: {  	[sflag:s30] =	ssyncset.done $0x0  }
0x135: {  	s13 =	sadd.s32 $0x2D00, s8;
	[sflag:s30] =	ssyncadd.s32 $0xFFFFF800  }
0x136: {  	[spmem:s2] =	stream.indirect.scatter.add.f32 [tilespmem:s20], [sflag:$0xB], $0x10, s13, s16, $0xb8;
	[tilespmem:$0x10610] =	vst v63  }
0x137: {  	_ =	swait.ge [sflag:s9], $0x800  }
0x138: {  	[sflag:s9] =	ssyncset.done $0x0  }
0x139: {  	s21 =	sadd.s32 $0x700, s8;
	[sflag:s9] =	ssyncadd.s32 $0xFFFFF800  }
0x13a: {  	[tilespmem:s12], [sflag:$0x7] =	stream.indirect.gather [spmem:s1], $0x10, s21, s16, $0xb8;
	[tilespmem:$0x10610] =	vst v63  }
0x13b: {  	_ =	swait.ge [sflag:s19], $0x800  }
0x13c: {  	[sflag:s19] =	ssyncset.done $0x0  }
0x13d: {  	s24 =	sadd.s32 $0x2D80, s8;
	[sflag:s19] =	ssyncadd.s32 $0xFFFFF800  }
0x13e: {  	[spmem:s2] =	stream.indirect.scatter.add.f32 [tilespmem:s22], [sflag:$0xC], $0x10, s24, s16, $0xb8;
	[tilespmem:$0x10610] =	vst v63  }
0x13f: {  	_ =	swait.ge [sflag:s10], $0x800  }
0x140: {  	[sflag:s10] =	ssyncset.done $0x0  }
0x141: {  	s13 =	sadd.s32 $0x780, s8;
	[sflag:s10] =	ssyncadd.s32 $0xFFFFF800  }
0x142: {  	[tilespmem:s26], [sflag:$0x8] =	stream.indirect.gather [spmem:s1], $0x10, s13, s16, $0xb8;
	[tilespmem:$0x10610] =	vst v63  }
0x143: {  	_ =	swait.ge [sflag:s28], $0x800  }
0x144: {  	p2 =	seq.s32 s23, $0x8000;
	[sflag:s28] =	ssyncset.done $0x0  }
0x145: {  	s0 =	simm.s32 @p2 $0x6;
	s21 =	sadd.s32 $0x2E00, s8;
	[sflag:s28] =	ssyncadd.s32 $0xFFFFF800  }
0x146: {  	[spmem:s2] =	stream.indirect.scatter.add.f32 [tilespmem:s25], [sflag:$0xD], $0x10, s21, s16, $0xb8;
	[tilespmem:$0x10610] =	vst v63  }
0x147: {  	_ =	swait.ge @p2 [sflag:s0], $0x800  }
0x148: {  	[sflag:s0] =	ssyncset.done @p2 $0x0  }
0x149: {  	[sflag:s0] =	ssyncadd.s32 @p2 $0xFFFFF800;
	s0 =	sshra.s32 @p2 s23, $0x2  }
0x14a: {  	s13 =	simm.s32 @p2 $0x80;
	s21 =	simm.s32 @p2 $0x7800;
	s0 =	sadd.s32 @p2 $0x2E80, s0  }
0x14b: {  	[spmem:s2] =	stream.indirect.scatter.add.f32 @p2 [tilespmem:s21], [sflag:$0xE], $0x10, s0, s13, $0xb8;
	[tilespmem:$0x10610] =	vst v63  }
0x14c: {  	s0 =	simm.s32 @!p2 $0x9  }
0x14d: {  	_ =	swait.ge @!p2 [sflag:s0], $0x800  }
0x14e: {  	[sflag:s0] =	ssyncset.done @!p2 $0x0  }
0x14f: {  	[sflag:s0] =	ssyncadd.s32 @!p2 $0xFFFFF800;
	s0 =	sshra.s32 @!p2 s23, $0x2  }
0x150: {  	s24 =	simm.s32 @!p2 $0x5000;
	s21 =	simm.s32 @!p2 $0x80;
	s13 =	sadd.s32 @!p2 $0x800, s0  }
0x151: {  	[tilespmem:s24], [sflag:$0x1] =	stream.indirect.gather @!p2 [spmem:s1], $0x10, s13, s21, $0xb8;
	[tilespmem:$0x10610] =	vst v63  }
0x152: {  	s13 =	simm.s32 @!p2 $0x6  }
0x153: {  	_ =	swait.ge @!p2 [sflag:s13], $0x800  }
0x154: {  	[sflag:s13] =	ssyncset.done @!p2 $0x0  }
0x155: {  	s24 =	simm.s32 @!p2 $0x7800;
	[sflag:s13] =	ssyncadd.s32 @!p2 $0xFFFFF800;
	s13 =	sadd.s32 @!p2 $0x2E80, s0  }
0x156: {  	[spmem:s2] =	stream.indirect.scatter.add.f32 @!p2 [tilespmem:s24], [sflag:$0xE], $0x10, s13, s21, $0xb8;
	[tilespmem:$0x10610] =	vst v63  }
0x157: {  	s13 =	simm.s32 @!p2 $0xA  }
0x158: {  	_ =	swait.ge @!p2 [sflag:s13], $0x800  }
0x159: {  	[sflag:s13] =	ssyncset.done @!p2 $0x0  }
0x15a: {  	s0 =	sadd.s32 @!p2 $0x880, s0;
	[sflag:s13] =	ssyncadd.s32 @!p2 $0xFFFFF800;
	s13 =	simm.s32 @!p2 $0x5800  }
0x15b: {  	[tilespmem:s13], [sflag:$0x2] =	stream.indirect.gather @!p2 [spmem:s1], $0x10, s0, s21, $0xb8;
	[tilespmem:$0x10610] =	vst v63  }
.Ltmp6:
0x15c: {  	_ = 	snop;
	(pc) =	sbr.rel @p2 .LBB2_11-.Ltmp6, $4  }
0x15d: {  	_ =	swait.ge [sflag:s31], $0x800  }
0x15e: {  	[sflag:s31] =	ssyncset.done $0x0  }
0x15f: {  	s24 =	sadd.s32 $0x2F00, s8;
	[sflag:s31] =	ssyncadd.s32 $0xFFFFF800  }
0x160: {  	[spmem:s2] =	stream.indirect.scatter.add.f32 [tilespmem:s12], [sflag:$0xF], $0x10, s24, s16, $0xb8;
	[tilespmem:$0x10610] =	vst v63  }
0x161: {  	_ =	swait.ge [sflag:s3], $0x800  }
0x162: {  	[sflag:s3] =	ssyncset.done $0x0  }
0x163: {  	s0 =	sadd.s32 $0x900, s8;
	[sflag:s3] =	ssyncadd.s32 $0xFFFFF800  }
0x164: {  	[tilespmem:s20], [sflag:$0x3] =	stream.indirect.gather [spmem:s1], $0x10, s0, s16, $0xb8;
	[tilespmem:$0x10610] =	vst v63  }
0x165: {  	_ =	swait.ge [sflag:s4], $0x800  }
0x166: {  	[sflag:s4] =	ssyncset.done $0x0  }
0x167: {  	s21 =	sadd.s32 $0x2F80, s8;
	[sflag:s4] =	ssyncadd.s32 $0xFFFFF800  }
0x168: {  	[spmem:s2] =	stream.indirect.scatter.add.f32 [tilespmem:s26], [sflag:$0x10], $0x10, s21, s16, $0xb8;
	[tilespmem:$0x10610] =	vst v63  }
.Ltmp7:
0x169: {  	_ = 	snop;
	(pc) =	sbr.rel .LBB2_8-.Ltmp7, $4  }
0x16a: {  	_ =	swait.ge [sflag:s6], $0x800  }
0x16b: {  	[sflag:s6] =	ssyncset.done $0x0  }
0x16c: {  	s24 =	sadd.s32 $0x980, s8;
	s23 =	sadd.s32 $0x1000, s23;
	[sflag:s6] =	ssyncadd.s32 $0xFFFFF800  }
0x16d: {  	[tilespmem:s22], [sflag:$0x4] =	stream.indirect.gather [spmem:s1], $0x10, s24, s16, $0xb8;
	[tilespmem:$0x10610] =	vst v63  }
.LBB2_10:
.Ltmp8:
0x16e: {  	(pc) =	sbr.rel .LBB2_12-.Ltmp8, $3  }
0x16f: {  	_ =	sdelay $0x1  }
0x170: {  	s13 =	rddreg [dreg:$0x6]  }
0x171: {  	s8 =	sadd.s32 $0x1E00, s23;
	s24 =	simm.s32 $0x11;
	s23 =	rddreg [dreg:$0xa]  }
.LBB2_13:
0x172: {  	_ =	sfence.sel $0x180000  }
0x173: {  	[bflag:$0x0] =	sbarrier.arrive $0xFFFF  }
0x174: {  	_ =	strace $0x90000047  }
0x175: {  	[bflag:$0x2] =	sbarrier.arrive $0xFFFF  }
0x176: {  	s0 =	rddreg [dreg:$0x3]  }
0x177: {  	s0 =	sadd.s32 @!p0 $0x100000, s0  }
0x178: {  	[sflag:s0] =	ssyncadd.tile.s32 @!p0 $0x1;
	_ =	shalt  }
.Lfunc_end2:
_tile_overlayer_lowered:
.L_overlay_start_2:
0x179: {  	(tag) =	ssettag $0x2  }
0x17a: {  	s0 =	rddreg [dreg:$0x0];
	s2 =	stileid.u32  }
0x17b: {  	s1 =	rddreg [dreg:$0x1];
	p0 =	sne.s32 s2, $0x0  }
0x17c: {  	s3 =	rddreg [dreg:$0x2];
	[bflag:$0x3] =	sbarrier.arrive $0xFFFF;
	s2 =	simm.s32 @!p0 $0x1C11  }
0x17d: {  	[timem:s3], [sflag:s2] =	dma.local @!p0 [hbm:s0], s1  }
0x17e: {  	s0 =	simm.s32 @!p0 $0x11  }
0x17f: {  	_ =	swait.ge @!p0 [sflag:s0], s1  }
0x180: {  	s1 =	ssub.s32 @!p0 $0x0, s1;
	[sflag:s0] =	ssyncset.done @!p0 $0x0  }
0x181: {  	[sflag:s0] =	ssyncadd.s32 @!p0 s1  }
0x182: {  	[bflag:$0x3] =	sbarrier.arrive $0xFFFF  }
0x183: {  	_ =	shalt  }

</sc_bundles>
